<compile_context>
chip_gen: v7x
topology: tpu7x:2x2x1
jax: 0.10.2.dev20260603
libtpu: 0.0.44.dev20260713+nightly
codegen_flags: <defaults>
</compile_context>

<pallas_src>
import functools
import jax
import jax.numpy as jnp
from jax import lax
from jax.experimental import pallas as pl
from jax.experimental.pallas import tpu as pltpu
from jax.experimental.pallas import tpu_sc as plsc

B = 32
IN_F = 512
OUT_F = 4096
TOP_K = 64
Q = OUT_F // B
L = 16
NW = 32



def _sc_s_kernel(inp_hbm, psn_hbm, s_hbm, ivm, svm, pvm):
    wid = lax.axis_index("s") * 2 + lax.axis_index("c")
    pltpu.sync_copy(inp_hbm, ivm)
    pltpu.sync_copy(psn_hbm.at[wid], pvm)
    ciota = lax.iota(jnp.int32, L) * IN_F
    zeros16 = jnp.zeros((L,), jnp.float32)

    def _zero(k, _):
        svm[pl.ds(k * L, L)] = zeros16
        return _
    lax.fori_loop(0, B * IN_F // L, _zero, None)

    def _scatter(i0, _):
        jv = pvm[pl.ds(i0 * L, L)]
        for u in range(L):
            j = jv[u]
            i = i0 * L + u
            for h in range(2):
                x = ivm[pl.ds(i * B + h * L, L)]
                u = plsc.bitcast(x, jnp.uint32)
                u = (u + jnp.uint32(0x7FFF) + ((u >> jnp.uint32(16)) & jnp.uint32(1)))
                u = u & jnp.uint32(0xFFFF0000)
                x = plsc.bitcast(u, jnp.float32)
                plsc.addupdate_scatter(svm, [ciota + (h * L * IN_F + j)], x)
        return _
    lax.fori_loop(0, IN_F // L, _scatter, None)

    pltpu.sync_copy(svm, s_hbm.at[wid])


def _sc_s_build(inp_flat, psn):
    kfn = pl.kernel(
        _sc_s_kernel,
        out_type=jax.ShapeDtypeStruct((NW, B * IN_F), jnp.float32),
        mesh=plsc.VectorSubcoreMesh(core_axis_name="c", subcore_axis_name="s",
                                    num_cores=2, num_subcores=16),
        scratch_types=[
            pltpu.VMEM((B * IN_F,), jnp.float32),
            pltpu.VMEM((B * IN_F,), jnp.float32),
            pltpu.VMEM((IN_F,), jnp.int32),
        ],
        compiler_params=pltpu.CompilerParams(needs_layout_passes=False),
    )
    return kfn(inp_flat, psn)



def _tc_kernel(w_ref, s_ref, bias_ref, vals_ref, idx_ref, res_scr):
    g = pl.program_id(0)

    @pl.when(g <= B - 1)
    def _mm():
        c = g
        s = s_ref[:, 0, 0, :]
        w32 = w_ref[0].astype(jnp.bfloat16).astype(jnp.float32)
        rt = jax.lax.dot_general(s, w32, (((1,), (1,)), ((), ())),
                                 precision=jax.lax.Precision.HIGHEST,
                                 preferred_element_type=jnp.float32)
        res_scr[c] = rt + bias_ref[...]

    @pl.when(g == B)
    def _topk():
        cur = res_scr[...]
        posidx = (jax.lax.broadcasted_iota(jnp.int32, (B, B, Q), 2) * B
                  + jax.lax.broadcasted_iota(jnp.int32, (B, B, Q), 1))
        kio = jax.lax.broadcasted_iota(jnp.int32, (B, TOP_K), 1)
        vals_acc = jnp.zeros((B, TOP_K), jnp.float32)
        idx_acc = jnp.zeros((B, TOP_K), jnp.int32)
        neg_inf = jnp.float32(-jnp.inf)
        for k in range(TOP_K):
            m = jnp.max(cur, axis=(1, 2), keepdims=True)
            sel = jnp.min(jnp.where(cur == m, posidx, OUT_F), axis=(1, 2),
                          keepdims=True)
            vals_acc = jnp.where(kio == k, m[:, :, 0], vals_acc)
            idx_acc = jnp.where(kio == k, sel[:, :, 0], idx_acc)
            cur = jnp.where(posidx == sel, neg_inf, cur)
        vals_ref[...] = vals_acc
        idx_ref[...] = idx_acc


@jax.jit
def kernel(input, previously_selected_nodes, weight, bias):
    psn = previously_selected_nodes.astype(jnp.int32)
    s = _sc_s_build(input.T.reshape(-1), psn)
    s4 = s.reshape(B, B, 1, IN_F)
    w3 = weight.reshape(B, Q, IN_F)
    bias_bq = bias.reshape(Q, B).T

    vals, idx = pl.pallas_call(
        _tc_kernel,
        grid=(B + 1,),
        in_specs=[
            pl.BlockSpec((1, Q, IN_F), lambda g: (jnp.minimum(g, B - 1), 0, 0)),
            pl.BlockSpec((B, 1, 1, IN_F), lambda g: (0, jnp.minimum(g, B - 1), 0, 0)),
            pl.BlockSpec((B, Q), lambda g: (0, 0)),
        ],
        out_specs=[
            pl.BlockSpec((B, TOP_K), lambda g: (0, 0)),
            pl.BlockSpec((B, TOP_K), lambda g: (0, 0)),
        ],
        out_shape=[
            jax.ShapeDtypeStruct((B, TOP_K), jnp.float32),
            jax.ShapeDtypeStruct((B, TOP_K), jnp.int32),
        ],
        scratch_shapes=[
            pltpu.VMEM((B, B, Q), jnp.float32),
        ],
    )(w3, s4, bias_bq)

    return vals, idx

# --- scband reference (transcript-rebuilt; emitter-appended) ---
"""Pipeline reference for scband-selective-linear-62740882260718 (READ-ONLY COPY).

The authoritative reference and input builder live on the scoring server;
editing this copy changes nothing except your own understanding.
"""

import jax, jax.numpy as jnp
import numpy as np

IN_FEATURES = 512
OUT_FEATURES = 4096
TOP_K = 64
B = 32


def setup_inputs(seed: int = 0) -> dict:
    key = jax.random.key(seed)
    k1, k2, k3, k4 = jax.random.split(key, 4)
    inp = jax.random.normal(k1, (B, IN_FEATURES), dtype=jnp.float32)
    psn = jax.random.randint(k2, (B, IN_FEATURES), 0, IN_FEATURES, dtype=jnp.int64)
    bound = 1.0 / np.sqrt(IN_FEATURES)
    weight = jax.random.uniform(k3, (OUT_FEATURES, IN_FEATURES), dtype=jnp.float32, minval=-bound, maxval=bound)
    bias = jax.random.uniform(k4, (OUT_FEATURES,), dtype=jnp.float32, minval=-bound, maxval=bound)
    return {"input": inp, "previously_selected_nodes": psn, "weight": weight, "bias": bias}


def reference(input, previously_selected_nodes, weight, bias):
    # Selective path: per-example gather of weight columns, then bmm.
    Bn, in_f = previously_selected_nodes.shape
    out_f = weight.shape[0]
    # torch.index_select(weight, 1, idx.flatten()) -> [out_f, Bn*in_f]
    w = jnp.take(weight, previously_selected_nodes.reshape(-1), axis=1)
    # torch .view(Bn, out_f, in_f) is a row-major reshape of the flat buffer
    w = w.reshape(Bn, out_f, in_f)
    # bmm(weight [B,out,in], input [B,in,1]).squeeze(-1) + bias
    result = jnp.einsum('boi,bi->bo', w, input) + bias
    # top-k selection + gather
    _, selected_nodes = jax.lax.top_k(result, TOP_K)
    gathered = jnp.take_along_axis(result, selected_nodes, axis=1)
    return (gathered, selected_nodes)

if __name__ == "__main__":
    import jax
    _d = setup_inputs()
    print(jax.jit(kernel)(*tuple(_d.values())))

</pallas_src>

<mosaic_0001>
#map = affine_map<(d0, d1) -> (0)>
#map1 = affine_map<(d0, d1) -> (0, 0)>
module attributes {stable_mosaic.version = 14 : i64} {
  func.func @_sc_s_kernel(%arg0: i32, %arg1: i32, %arg2: memref<16384xf32, #tpu.memory_space<hbm>>, %arg3: memref<32x512xi32, #tpu.memory_space<hbm>>, %arg4: memref<32x16384xf32, #tpu.memory_space<hbm>>, %arg5: memref<16384xf32, #tpu.memory_space<vmem>>, %arg6: memref<16384xf32, #tpu.memory_space<vmem>>, %arg7: memref<512xi32, #tpu.memory_space<vmem>>) attributes {dimension_semantics = [#tpu.dimension_semantics<core_parallel>, #tpu.dimension_semantics<subcore_parallel>], iteration_bounds = array<i64: 2, 16>, scalar_prefetch = 0 : i64, scratch_operands = 3 : i64, tpu.core_type = #tpu.core_type<sc_vector_subcore>, window_params = [{transform_indices = #map}, {transform_indices = #map1}, {transform_indices = #map1}]} {
    %mul3A = arith.constant 2 : i32
    %mul3A_0 = arith.muli %arg1, %mul3A : i32
    %add3A = arith.addi %mul3A_0, %arg0 : i32
    "tpu.region"() ({
      %run_scoped3A = tpu.sem_alloc : memref<!tpu.dma_semaphore, #tpu.memory_space<semaphore_mem>>
      tpu.enqueue_dma source(%arg2 : memref<16384xf32, #tpu.memory_space<hbm>>) target(%arg5 : memref<16384xf32, #tpu.memory_space<vmem>>) target_semaphore(%run_scoped3A : memref<!tpu.dma_semaphore, #tpu.memory_space<semaphore_mem>>)
      tpu.wait_dma2 semaphore(%run_scoped3A : memref<!tpu.dma_semaphore, #tpu.memory_space<semaphore_mem>>) src(%arg2 : memref<16384xf32, #tpu.memory_space<hbm>>) dst(%arg5 : memref<16384xf32, #tpu.memory_space<vmem>>)
      tpu.yield
    }) : () -> ()
    "tpu.region"() ({
      %run_scoped3A = tpu.sem_alloc : memref<!tpu.dma_semaphore, #tpu.memory_space<semaphore_mem>>
      %dma_start3A = arith.constant 0 : i32
      %dma_start3A_14 = tpu.memref_slice %arg3[%add3A, %dma_start3A] : memref<32x512xi32, #tpu.memory_space<hbm>> -> memref<1x512xi32, #tpu.memory_space<hbm>>
      %dma_start3A_15 = tpu.memref_squeeze %dma_start3A_14 : memref<1x512xi32, #tpu.memory_space<hbm>> -> memref<512xi32, #tpu.memory_space<hbm>>
      %dma_start3A_16 = arith.constant 0 : i32
      %dma_start3A_17 = tpu.memref_slice %arg3[%add3A, %dma_start3A_16] : memref<32x512xi32, #tpu.memory_space<hbm>> -> memref<1x512xi32, #tpu.memory_space<hbm>>
      %dma_start3A_18 = tpu.memref_squeeze %dma_start3A_17 : memref<1x512xi32, #tpu.memory_space<hbm>> -> memref<512xi32, #tpu.memory_space<hbm>>
      tpu.enqueue_dma source(%dma_start3A_18 : memref<512xi32, #tpu.memory_space<hbm>>) target(%arg7 : memref<512xi32, #tpu.memory_space<vmem>>) target_semaphore(%run_scoped3A : memref<!tpu.dma_semaphore, #tpu.memory_space<semaphore_mem>>)
      %dma_wait3A = arith.constant 0 : i32
      %dma_wait3A_19 = tpu.memref_slice %arg3[%add3A, %dma_wait3A] : memref<32x512xi32, #tpu.memory_space<hbm>> -> memref<1x512xi32, #tpu.memory_space<hbm>>
      %dma_wait3A_20 = tpu.memref_squeeze %dma_wait3A_19 : memref<1x512xi32, #tpu.memory_space<hbm>> -> memref<512xi32, #tpu.memory_space<hbm>>
      %dma_wait3A_21 = arith.constant 0 : i32
      %dma_wait3A_22 = tpu.memref_slice %arg3[%add3A, %dma_wait3A_21] : memref<32x512xi32, #tpu.memory_space<hbm>> -> memref<1x512xi32, #tpu.memory_space<hbm>>
      %dma_wait3A_23 = tpu.memref_squeeze %dma_wait3A_22 : memref<1x512xi32, #tpu.memory_space<hbm>> -> memref<512xi32, #tpu.memory_space<hbm>>
      tpu.wait_dma2 semaphore(%run_scoped3A : memref<!tpu.dma_semaphore, #tpu.memory_space<semaphore_mem>>) src(%dma_wait3A_23 : memref<512xi32, #tpu.memory_space<hbm>>) dst(%arg7 : memref<512xi32, #tpu.memory_space<vmem>>)
      tpu.yield
    }) : () -> ()
    %iota3A = tpu.iota {dimensions = array<i32: 0>} : vector<16xi32>
    %mul3A_1 = arith.constant 512 : i32
    %mul3A_2 = vector.broadcast %mul3A_1 : i32 to vector<16xi32>
    %mul3A_3 = arith.muli %iota3A, %mul3A_2 : vector<16xi32>
    %broadcast_in_dim3A = arith.constant 0.000000e+00 : f32
    %broadcast_in_dim3A_4 = vector.broadcast %broadcast_in_dim3A : f32 to vector<16xf32>
    %scan3A = arith.constant 0 : i32
    %scan3A_5 = arith.constant 1024 : i32
    %scan3A_6 = arith.addi %scan3A, %scan3A_5 : i32
    %scan3A_7 = arith.constant 1 : i32
    scf.for %scan3A_14 = %scan3A to %scan3A_6 step %scan3A_7  : i32 {
      %mul3A_15 = arith.constant 16 : i32
      %mul3A_16 = arith.muli %scan3A_14, %mul3A_15 : i32
      %swap3A = arith.index_cast %mul3A_16 : i32 to index
      %swap3A_17 = tpu.vector_load %arg6[%swap3A] {strides = array<i32>} : memref<16384xf32, #tpu.memory_space<vmem>>, vector<16xf32>,
      tpu.vector_store %arg6[%swap3A], %broadcast_in_dim3A_4 {strides = array<i32>} : memref<16384xf32, #tpu.memory_space<vmem>>, vector<16xf32>,
    }
    %scan3A_8 = arith.constant 1024 : i32
    %scan3A_9 = arith.constant 0 : i32
    %scan3A_10 = arith.constant 32 : i32
    %scan3A_11 = arith.addi %scan3A_9, %scan3A_10 : i32
    %scan3A_12 = arith.constant 1 : i32
    scf.for %scan3A_14 = %scan3A_9 to %scan3A_11 step %scan3A_12  : i32 {
      %mul3A_15 = arith.constant 16 : i32
      %mul3A_16 = arith.muli %scan3A_14, %mul3A_15 : i32
      %get3A = arith.index_cast %mul3A_16 : i32 to index
      %get3A_17 = tpu.vector_load %arg7[%get3A] {strides = array<i32>} : memref<512xi32, #tpu.memory_space<vmem>>, vector<16xi32>,
      %slice3A = vector.extract_strided_slice %get3A_17 {offsets = [0], sizes = [1], strides = [1]} : vector<16xi32> to vector<1xi32>
      %squeeze3A = vector.extract %slice3A[0] : i32 from vector<1xi32>
      %mul3A_18 = arith.constant 16 : i32
      %mul3A_19 = arith.muli %scan3A_14, %mul3A_18 : i32
      %add3A_20 = arith.constant 0 : i32
      %add3A_21 = arith.addi %mul3A_19, %add3A_20 : i32
      %mul3A_22 = arith.constant 32 : i32
      %mul3A_23 = arith.muli %add3A_21, %mul3A_22 : i32
      %add3A_24 = arith.constant 0 : i32
      %add3A_25 = arith.addi %mul3A_23, %add3A_24 : i32
      %get3A_26 = arith.index_cast %add3A_25 : i32 to index
      %get3A_27 = tpu.vector_load %arg5[%get3A_26] {strides = array<i32>} : memref<16384xf32, #tpu.memory_space<vmem>>, vector<16xf32>,
      %bitcast3A = vector.bitcast %get3A_27 : vector<16xf32> to vector<16xi32>
      %add3A_28 = arith.constant 32767 : i32
      %add3A_29 = vector.broadcast %add3A_28 : i32 to vector<16xi32>
      %add3A_30 = arith.addi %bitcast3A, %add3A_29 : vector<16xi32>
      %shift_right_logical3A = arith.constant 16 : i32
      %shift_right_logical3A_31 = vector.broadcast %shift_right_logical3A : i32 to vector<16xi32>
      %shift_right_logical3A_32 = arith.shrui %bitcast3A, %shift_right_logical3A_31 : vector<16xi32>
      %and3A = arith.constant 1 : i32
      %and3A_33 = vector.broadcast %and3A : i32 to vector<16xi32>
      %and3A_34 = arith.andi %shift_right_logical3A_32, %and3A_33 : vector<16xi32>
      %add3A_35 = arith.addi %add3A_30, %and3A_34 : vector<16xi32>
      %and3A_36 = arith.constant -65536 : i32
      %and3A_37 = vector.broadcast %and3A_36 : i32 to vector<16xi32>
      %and3A_38 = arith.andi %add3A_35, %and3A_37 : vector<16xi32>
      %bitcast3A_39 = vector.bitcast %and3A_38 : vector<16xi32> to vector<16xf32>
      %add3A_40 = arith.constant 0 : i32
      %add3A_41 = arith.addi %add3A_40, %squeeze3A : i32
      %add3A_42 = vector.broadcast %add3A_41 : i32 to vector<16xi32>
      %add3A_43 = arith.addi %mul3A_3, %add3A_42 : vector<16xi32>
      tpu.vector_store_idx %arg6[%add3A_43], %bitcast3A_39 {add = true} : memref<16384xf32, #tpu.memory_space<vmem>>[vector<16xi32>], vector<16xf32>,
      %mul3A_44 = arith.constant 32 : i32
      %mul3A_45 = arith.muli %add3A_21, %mul3A_44 : i32
      %add3A_46 = arith.constant 16 : i32
      %add3A_47 = arith.addi %mul3A_45, %add3A_46 : i32
      %get3A_48 = arith.index_cast %add3A_47 : i32 to index
      %get3A_49 = tpu.vector_load %arg5[%get3A_48] {strides = array<i32>} : memref<16384xf32, #tpu.memory_space<vmem>>, vector<16xf32>,
      %bitcast3A_50 = vector.bitcast %get3A_49 : vector<16xf32> to vector<16xi32>
      %add3A_51 = arith.constant 32767 : i32
      %add3A_52 = vector.broadcast %add3A_51 : i32 to vector<16xi32>
      %add3A_53 = arith.addi %bitcast3A_50, %add3A_52 : vector<16xi32>
      %shift_right_logical3A_54 = arith.constant 16 : i32
      %shift_right_logical3A_55 = vector.broadcast %shift_right_logical3A_54 : i32 to vector<16xi32>
      %shift_right_logical3A_56 = arith.shrui %bitcast3A_50, %shift_right_logical3A_55 : vector<16xi32>
      %and3A_57 = arith.constant 1 : i32
      %and3A_58 = vector.broadcast %and3A_57 : i32 to vector<16xi32>
      %and3A_59 = arith.andi %shift_right_logical3A_56, %and3A_58 : vector<16xi32>
      %add3A_60 = arith.addi %add3A_53, %and3A_59 : vector<16xi32>
      %and3A_61 = arith.constant -65536 : i32
      %and3A_62 = vector.broadcast %and3A_61 : i32 to vector<16xi32>
      %and3A_63 = arith.andi %add3A_60, %and3A_62 : vector<16xi32>
      %bitcast3A_64 = vector.bitcast %and3A_63 : vector<16xi32> to vector<16xf32>
      %add3A_65 = arith.constant 8192 : i32
      %add3A_66 = arith.addi %add3A_65, %squeeze3A : i32
      %add3A_67 = vector.broadcast %add3A_66 : i32 to vector<16xi32>
      %add3A_68 = arith.addi %mul3A_3, %add3A_67 : vector<16xi32>
      tpu.vector_store_idx %arg6[%add3A_68], %bitcast3A_64 {add = true} : memref<16384xf32, #tpu.memory_space<vmem>>[vector<16xi32>], vector<16xf32>,
      %slice3A_69 = vector.extract_strided_slice %get3A_17 {offsets = [1], sizes = [1], strides = [1]} : vector<16xi32> to vector<1xi32>
      %squeeze3A_70 = vector.extract %slice3A_69[0] : i32 from vector<1xi32>
      %mul3A_71 = arith.constant 16 : i32
      %mul3A_72 = arith.muli %scan3A_14, %mul3A_71 : i32
      %add3A_73 = arith.constant 1 : i32
      %add3A_74 = arith.addi %mul3A_72, %add3A_73 : i32
      %mul3A_75 = arith.constant 32 : i32
      %mul3A_76 = arith.muli %add3A_74, %mul3A_75 : i32
      %add3A_77 = arith.constant 0 : i32
      %add3A_78 = arith.addi %mul3A_76, %add3A_77 : i32
      %get3A_79 = arith.index_cast %add3A_78 : i32 to index
      %get3A_80 = tpu.vector_load %arg5[%get3A_79] {strides = array<i32>} : memref<16384xf32, #tpu.memory_space<vmem>>, vector<16xf32>,
      %bitcast3A_81 = vector.bitcast %get3A_80 : vector<16xf32> to vector<16xi32>
      %add3A_82 = arith.constant 32767 : i32
      %add3A_83 = vector.broadcast %add3A_82 : i32 to vector<16xi32>
      %add3A_84 = arith.addi %bitcast3A_81, %add3A_83 : vector<16xi32>
      %shift_right_logical3A_85 = arith.constant 16 : i32
      %shift_right_logical3A_86 = vector.broadcast %shift_right_logical3A_85 : i32 to vector<16xi32>
      %shift_right_logical3A_87 = arith.shrui %bitcast3A_81, %shift_right_logical3A_86 : vector<16xi32>
      %and3A_88 = arith.constant 1 : i32
      %and3A_89 = vector.broadcast %and3A_88 : i32 to vector<16xi32>
      %and3A_90 = arith.andi %shift_right_logical3A_87, %and3A_89 : vector<16xi32>
      %add3A_91 = arith.addi %add3A_84, %and3A_90 : vector<16xi32>
      %and3A_92 = arith.constant -65536 : i32
      %and3A_93 = vector.broadcast %and3A_92 : i32 to vector<16xi32>
      %and3A_94 = arith.andi %add3A_91, %and3A_93 : vector<16xi32>
      %bitcast3A_95 = vector.bitcast %and3A_94 : vector<16xi32> to vector<16xf32>
      %add3A_96 = arith.constant 0 : i32
      %add3A_97 = arith.addi %add3A_96, %squeeze3A_70 : i32
      %add3A_98 = vector.broadcast %add3A_97 : i32 to vector<16xi32>
      %add3A_99 = arith.addi %mul3A_3, %add3A_98 : vector<16xi32>
      tpu.vector_store_idx %arg6[%add3A_99], %bitcast3A_95 {add = true} : memref<16384xf32, #tpu.memory_space<vmem>>[vector<16xi32>], vector<16xf32>,
      %mul3A_100 = arith.constant 32 : i32
      %mul3A_101 = arith.muli %add3A_74, %mul3A_100 : i32
      %add3A_102 = arith.constant 16 : i32
      %add3A_103 = arith.addi %mul3A_101, %add3A_102 : i32
      %get3A_104 = arith.index_cast %add3A_103 : i32 to index
      %get3A_105 = tpu.vector_load %arg5[%get3A_104] {strides = array<i32>} : memref<16384xf32, #tpu.memory_space<vmem>>, vector<16xf32>,
      %bitcast3A_106 = vector.bitcast %get3A_105 : vector<16xf32> to vector<16xi32>
      %add3A_107 = arith.constant 32767 : i32
      %add3A_108 = vector.broadcast %add3A_107 : i32 to vector<16xi32>
      %add3A_109 = arith.addi %bitcast3A_106, %add3A_108 : vector<16xi32>
      %shift_right_logical3A_110 = arith.constant 16 : i32
      %shift_right_logical3A_111 = vector.broadcast %shift_right_logical3A_110 : i32 to vector<16xi32>
      %shift_right_logical3A_112 = arith.shrui %bitcast3A_106, %shift_right_logical3A_111 : vector<16xi32>
      %and3A_113 = arith.constant 1 : i32
      %and3A_114 = vector.broadcast %and3A_113 : i32 to vector<16xi32>
      %and3A_115 = arith.andi %shift_right_logical3A_112, %and3A_114 : vector<16xi32>
      %add3A_116 = arith.addi %add3A_109, %and3A_115 : vector<16xi32>
      %and3A_117 = arith.constant -65536 : i32
      %and3A_118 = vector.broadcast %and3A_117 : i32 to vector<16xi32>
      %and3A_119 = arith.andi %add3A_116, %and3A_118 : vector<16xi32>
      %bitcast3A_120 = vector.bitcast %and3A_119 : vector<16xi32> to vector<16xf32>
      %add3A_121 = arith.constant 8192 : i32
      %add3A_122 = arith.addi %add3A_121, %squeeze3A_70 : i32
      %add3A_123 = vector.broadcast %add3A_122 : i32 to vector<16xi32>
      %add3A_124 = arith.addi %mul3A_3, %add3A_123 : vector<16xi32>
      tpu.vector_store_idx %arg6[%add3A_124], %bitcast3A_120 {add = true} : memref<16384xf32, #tpu.memory_space<vmem>>[vector<16xi32>], vector<16xf32>,
      %slice3A_125 = vector.extract_strided_slice %get3A_17 {offsets = [2], sizes = [1], strides = [1]} : vector<16xi32> to vector<1xi32>
      %squeeze3A_126 = vector.extract %slice3A_125[0] : i32 from vector<1xi32>
      %mul3A_127 = arith.constant 16 : i32
      %mul3A_128 = arith.muli %scan3A_14, %mul3A_127 : i32
      %add3A_129 = arith.constant 2 : i32
      %add3A_130 = arith.addi %mul3A_128, %add3A_129 : i32
      %mul3A_131 = arith.constant 32 : i32
      %mul3A_132 = arith.muli %add3A_130, %mul3A_131 : i32
      %add3A_133 = arith.constant 0 : i32
      %add3A_134 = arith.addi %mul3A_132, %add3A_133 : i32
      %get3A_135 = arith.index_cast %add3A_134 : i32 to index
      %get3A_136 = tpu.vector_load %arg5[%get3A_135] {strides = array<i32>} : memref<16384xf32, #tpu.memory_space<vmem>>, vector<16xf32>,
      %bitcast3A_137 = vector.bitcast %get3A_136 : vector<16xf32> to vector<16xi32>
      %add3A_138 = arith.constant 32767 : i32
      %add3A_139 = vector.broadcast %add3A_138 : i32 to vector<16xi32>
      %add3A_140 = arith.addi %bitcast3A_137, %add3A_139 : vector<16xi32>
      %shift_right_logical3A_141 = arith.constant 16 : i32
      %shift_right_logical3A_142 = vector.broadcast %shift_right_logical3A_141 : i32 to vector<16xi32>
      %shift_right_logical3A_143 = arith.shrui %bitcast3A_137, %shift_right_logical3A_142 : vector<16xi32>
      %and3A_144 = arith.constant 1 : i32
      %and3A_145 = vector.broadcast %and3A_144 : i32 to vector<16xi32>
      %and3A_146 = arith.andi %shift_right_logical3A_143, %and3A_145 : vector<16xi32>
      %add3A_147 = arith.addi %add3A_140, %and3A_146 : vector<16xi32>
      %and3A_148 = arith.constant -65536 : i32
      %and3A_149 = vector.broadcast %and3A_148 : i32 to vector<16xi32>
      %and3A_150 = arith.andi %add3A_147, %and3A_149 : vector<16xi32>
      %bitcast3A_151 = vector.bitcast %and3A_150 : vector<16xi32> to vector<16xf32>
      %add3A_152 = arith.constant 0 : i32
      %add3A_153 = arith.addi %add3A_152, %squeeze3A_126 : i32
      %add3A_154 = vector.broadcast %add3A_153 : i32 to vector<16xi32>
      %add3A_155 = arith.addi %mul3A_3, %add3A_154 : vector<16xi32>
      tpu.vector_store_idx %arg6[%add3A_155], %bitcast3A_151 {add = true} : memref<16384xf32, #tpu.memory_space<vmem>>[vector<16xi32>], vector<16xf32>,
      %mul3A_156 = arith.constant 32 : i32
      %mul3A_157 = arith.muli %add3A_130, %mul3A_156 : i32
      %add3A_158 = arith.constant 16 : i32
      %add3A_159 = arith.addi %mul3A_157, %add3A_158 : i32
      %get3A_160 = arith.index_cast %add3A_159 : i32 to index
      %get3A_161 = tpu.vector_load %arg5[%get3A_160] {strides = array<i32>} : memref<16384xf32, #tpu.memory_space<vmem>>, vector<16xf32>,
      %bitcast3A_162 = vector.bitcast %get3A_161 : vector<16xf32> to vector<16xi32>
      %add3A_163 = arith.constant 32767 : i32
      %add3A_164 = vector.broadcast %add3A_163 : i32 to vector<16xi32>
      %add3A_165 = arith.addi %bitcast3A_162, %add3A_164 : vector<16xi32>
      %shift_right_logical3A_166 = arith.constant 16 : i32
      %shift_right_logical3A_167 = vector.broadcast %shift_right_logical3A_166 : i32 to vector<16xi32>
      %shift_right_logical3A_168 = arith.shrui %bitcast3A_162, %shift_right_logical3A_167 : vector<16xi32>
      %and3A_169 = arith.constant 1 : i32
      %and3A_170 = vector.broadcast %and3A_169 : i32 to vector<16xi32>
      %and3A_171 = arith.andi %shift_right_logical3A_168, %and3A_170 : vector<16xi32>
      %add3A_172 = arith.addi %add3A_165, %and3A_171 : vector<16xi32>
      %and3A_173 = arith.constant -65536 : i32
      %and3A_174 = vector.broadcast %and3A_173 : i32 to vector<16xi32>
      %and3A_175 = arith.andi %add3A_172, %and3A_174 : vector<16xi32>
      %bitcast3A_176 = vector.bitcast %and3A_175 : vector<16xi32> to vector<16xf32>
      %add3A_177 = arith.constant 8192 : i32
      %add3A_178 = arith.addi %add3A_177, %squeeze3A_126 : i32
      %add3A_179 = vector.broadcast %add3A_178 : i32 to vector<16xi32>
      %add3A_180 = arith.addi %mul3A_3, %add3A_179 : vector<16xi32>
      tpu.vector_store_idx %arg6[%add3A_180], %bitcast3A_176 {add = true} : memref<16384xf32, #tpu.memory_space<vmem>>[vector<16xi32>], vector<16xf32>,
      %slice3A_181 = vector.extract_strided_slice %get3A_17 {offsets = [3], sizes = [1], strides = [1]} : vector<16xi32> to vector<1xi32>
      %squeeze3A_182 = vector.extract %slice3A_181[0] : i32 from vector<1xi32>
      %mul3A_183 = arith.constant 16 : i32
      %mul3A_184 = arith.muli %scan3A_14, %mul3A_183 : i32
      %add3A_185 = arith.constant 3 : i32
      %add3A_186 = arith.addi %mul3A_184, %add3A_185 : i32
      %mul3A_187 = arith.constant 32 : i32
      %mul3A_188 = arith.muli %add3A_186, %mul3A_187 : i32
      %add3A_189 = arith.constant 0 : i32
      %add3A_190 = arith.addi %mul3A_188, %add3A_189 : i32
      %get3A_191 = arith.index_cast %add3A_190 : i32 to index
      %get3A_192 = tpu.vector_load %arg5[%get3A_191] {strides = array<i32>} : memref<16384xf32, #tpu.memory_space<vmem>>, vector<16xf32>,
      %bitcast3A_193 = vector.bitcast %get3A_192 : vector<16xf32> to vector<16xi32>
      %add3A_194 = arith.constant 32767 : i32
      %add3A_195 = vector.broadcast %add3A_194 : i32 to vector<16xi32>
      %add3A_196 = arith.addi %bitcast3A_193, %add3A_195 : vector<16xi32>
      %shift_right_logical3A_197 = arith.constant 16 : i32
      %shift_right_logical3A_198 = vector.broadcast %shift_right_logical3A_197 : i32 to vector<16xi32>
      %shift_right_logical3A_199 = arith.shrui %bitcast3A_193, %shift_right_logical3A_198 : vector<16xi32>
      %and3A_200 = arith.constant 1 : i32
      %and3A_201 = vector.broadcast %and3A_200 : i32 to vector<16xi32>
      %and3A_202 = arith.andi %shift_right_logical3A_199, %and3A_201 : vector<16xi32>
      %add3A_203 = arith.addi %add3A_196, %and3A_202 : vector<16xi32>
      %and3A_204 = arith.constant -65536 : i32
      %and3A_205 = vector.broadcast %and3A_204 : i32 to vector<16xi32>
      %and3A_206 = arith.andi %add3A_203, %and3A_205 : vector<16xi32>
      %bitcast3A_207 = vector.bitcast %and3A_206 : vector<16xi32> to vector<16xf32>
      %add3A_208 = arith.constant 0 : i32
      %add3A_209 = arith.addi %add3A_208, %squeeze3A_182 : i32
      %add3A_210 = vector.broadcast %add3A_209 : i32 to vector<16xi32>
      %add3A_211 = arith.addi %mul3A_3, %add3A_210 : vector<16xi32>
      tpu.vector_store_idx %arg6[%add3A_211], %bitcast3A_207 {add = true} : memref<16384xf32, #tpu.memory_space<vmem>>[vector<16xi32>], vector<16xf32>,
      %mul3A_212 = arith.constant 32 : i32
      %mul3A_213 = arith.muli %add3A_186, %mul3A_212 : i32
      %add3A_214 = arith.constant 16 : i32
      %add3A_215 = arith.addi %mul3A_213, %add3A_214 : i32
      %get3A_216 = arith.index_cast %add3A_215 : i32 to index
      %get3A_217 = tpu.vector_load %arg5[%get3A_216] {strides = array<i32>} : memref<16384xf32, #tpu.memory_space<vmem>>, vector<16xf32>,
      %bitcast3A_218 = vector.bitcast %get3A_217 : vector<16xf32> to vector<16xi32>
      %add3A_219 = arith.constant 32767 : i32
      %add3A_220 = vector.broadcast %add3A_219 : i32 to vector<16xi32>
      %add3A_221 = arith.addi %bitcast3A_218, %add3A_220 : vector<16xi32>
      %shift_right_logical3A_222 = arith.constant 16 : i32
      %shift_right_logical3A_223 = vector.broadcast %shift_right_logical3A_222 : i32 to vector<16xi32>
      %shift_right_logical3A_224 = arith.shrui %bitcast3A_218, %shift_right_logical3A_223 : vector<16xi32>
      %and3A_225 = arith.constant 1 : i32
      %and3A_226 = vector.broadcast %and3A_225 : i32 to vector<16xi32>
      %and3A_227 = arith.andi %shift_right_logical3A_224, %and3A_226 : vector<16xi32>
      %add3A_228 = arith.addi %add3A_221, %and3A_227 : vector<16xi32>
      %and3A_229 = arith.constant -65536 : i32
      %and3A_230 = vector.broadcast %and3A_229 : i32 to vector<16xi32>
      %and3A_231 = arith.andi %add3A_228, %and3A_230 : vector<16xi32>
      %bitcast3A_232 = vector.bitcast %and3A_231 : vector<16xi32> to vector<16xf32>
      %add3A_233 = arith.constant 8192 : i32
      %add3A_234 = arith.addi %add3A_233, %squeeze3A_182 : i32
      %add3A_235 = vector.broadcast %add3A_234 : i32 to vector<16xi32>
      %add3A_236 = arith.addi %mul3A_3, %add3A_235 : vector<16xi32>
      tpu.vector_store_idx %arg6[%add3A_236], %bitcast3A_232 {add = true} : memref<16384xf32, #tpu.memory_space<vmem>>[vector<16xi32>], vector<16xf32>,
      %slice3A_237 = vector.extract_strided_slice %get3A_17 {offsets = [4], sizes = [1], strides = [1]} : vector<16xi32> to vector<1xi32>
      %squeeze3A_238 = vector.extract %slice3A_237[0] : i32 from vector<1xi32>
      %mul3A_239 = arith.constant 16 : i32
      %mul3A_240 = arith.muli %scan3A_14, %mul3A_239 : i32
      %add3A_241 = arith.constant 4 : i32
      %add3A_242 = arith.addi %mul3A_240, %add3A_241 : i32
      %mul3A_243 = arith.constant 32 : i32
      %mul3A_244 = arith.muli %add3A_242, %mul3A_243 : i32
      %add3A_245 = arith.constant 0 : i32
      %add3A_246 = arith.addi %mul3A_244, %add3A_245 : i32
      %get3A_247 = arith.index_cast %add3A_246 : i32 to index
      %get3A_248 = tpu.vector_load %arg5[%get3A_247] {strides = array<i32>} : memref<16384xf32, #tpu.memory_space<vmem>>, vector<16xf32>,
      %bitcast3A_249 = vector.bitcast %get3A_248 : vector<16xf32> to vector<16xi32>
      %add3A_250 = arith.constant 32767 : i32
      %add3A_251 = vector.broadcast %add3A_250 : i32 to vector<16xi32>
      %add3A_252 = arith.addi %bitcast3A_249, %add3A_251 : vector<16xi32>
      %shift_right_logical3A_253 = arith.constant 16 : i32
      %shift_right_logical3A_254 = vector.broadcast %shift_right_logical3A_253 : i32 to vector<16xi32>
      %shift_right_logical3A_255 = arith.shrui %bitcast3A_249, %shift_right_logical3A_254 : vector<16xi32>
      %and3A_256 = arith.constant 1 : i32
      %and3A_257 = vector.broadcast %and3A_256 : i32 to vector<16xi32>
      %and3A_258 = arith.andi %shift_right_logical3A_255, %and3A_257 : vector<16xi32>
      %add3A_259 = arith.addi %add3A_252, %and3A_258 : vector<16xi32>
      %and3A_260 = arith.constant -65536 : i32
      %and3A_261 = vector.broadcast %and3A_260 : i32 to vector<16xi32>
      %and3A_262 = arith.andi %add3A_259, %and3A_261 : vector<16xi32>
      %bitcast3A_263 = vector.bitcast %and3A_262 : vector<16xi32> to vector<16xf32>
      %add3A_264 = arith.constant 0 : i32
      %add3A_265 = arith.addi %add3A_264, %squeeze3A_238 : i32
      %add3A_266 = vector.broadcast %add3A_265 : i32 to vector<16xi32>
      %add3A_267 = arith.addi %mul3A_3, %add3A_266 : vector<16xi32>
      tpu.vector_store_idx %arg6[%add3A_267], %bitcast3A_263 {add = true} : memref<16384xf32, #tpu.memory_space<vmem>>[vector<16xi32>], vector<16xf32>,
      %mul3A_268 = arith.constant 32 : i32
      %mul3A_269 = arith.muli %add3A_242, %mul3A_268 : i32
      %add3A_270 = arith.constant 16 : i32
      %add3A_271 = arith.addi %mul3A_269, %add3A_270 : i32
      %get3A_272 = arith.index_cast %add3A_271 : i32 to index
      %get3A_273 = tpu.vector_load %arg5[%get3A_272] {strides = array<i32>} : memref<16384xf32, #tpu.memory_space<vmem>>, vector<16xf32>,
      %bitcast3A_274 = vector.bitcast %get3A_273 : vector<16xf32> to vector<16xi32>
      %add3A_275 = arith.constant 32767 : i32
      %add3A_276 = vector.broadcast %add3A_275 : i32 to vector<16xi32>
      %add3A_277 = arith.addi %bitcast3A_274, %add3A_276 : vector<16xi32>
      %shift_right_logical3A_278 = arith.constant 16 : i32
      %shift_right_logical3A_279 = vector.broadcast %shift_right_logical3A_278 : i32 to vector<16xi32>
      %shift_right_logical3A_280 = arith.shrui %bitcast3A_274, %shift_right_logical3A_279 : vector<16xi32>
      %and3A_281 = arith.constant 1 : i32
      %and3A_282 = vector.broadcast %and3A_281 : i32 to vector<16xi32>
      %and3A_283 = arith.andi %shift_right_logical3A_280, %and3A_282 : vector<16xi32>
      %add3A_284 = arith.addi %add3A_277, %and3A_283 : vector<16xi32>
      %and3A_285 = arith.constant -65536 : i32
      %and3A_286 = vector.broadcast %and3A_285 : i32 to vector<16xi32>
      %and3A_287 = arith.andi %add3A_284, %and3A_286 : vector<16xi32>
      %bitcast3A_288 = vector.bitcast %and3A_287 : vector<16xi32> to vector<16xf32>
      %add3A_289 = arith.constant 8192 : i32
      %add3A_290 = arith.addi %add3A_289, %squeeze3A_238 : i32
      %add3A_291 = vector.broadcast %add3A_290 : i32 to vector<16xi32>
      %add3A_292 = arith.addi %mul3A_3, %add3A_291 : vector<16xi32>
      tpu.vector_store_idx %arg6[%add3A_292], %bitcast3A_288 {add = true} : memref<16384xf32, #tpu.memory_space<vmem>>[vector<16xi32>], vector<16xf32>,
      %slice3A_293 = vector.extract_strided_slice %get3A_17 {offsets = [5], sizes = [1], strides = [1]} : vector<16xi32> to vector<1xi32>
      %squeeze3A_294 = vector.extract %slice3A_293[0] : i32 from vector<1xi32>
      %mul3A_295 = arith.constant 16 : i32
      %mul3A_296 = arith.muli %scan3A_14, %mul3A_295 : i32
      %add3A_297 = arith.constant 5 : i32
      %add3A_298 = arith.addi %mul3A_296, %add3A_297 : i32
      %mul3A_299 = arith.constant 32 : i32
      %mul3A_300 = arith.muli %add3A_298, %mul3A_299 : i32
      %add3A_301 = arith.constant 0 : i32
      %add3A_302 = arith.addi %mul3A_300, %add3A_301 : i32
      %get3A_303 = arith.index_cast %add3A_302 : i32 to index
      %get3A_304 = tpu.vector_load %arg5[%get3A_303] {strides = array<i32>} : memref<16384xf32, #tpu.memory_space<vmem>>, vector<16xf32>,
      %bitcast3A_305 = vector.bitcast %get3A_304 : vector<16xf32> to vector<16xi32>
      %add3A_306 = arith.constant 32767 : i32
      %add3A_307 = vector.broadcast %add3A_306 : i32 to vector<16xi32>
      %add3A_308 = arith.addi %bitcast3A_305, %add3A_307 : vector<16xi32>
      %shift_right_logical3A_309 = arith.constant 16 : i32
      %shift_right_logical3A_310 = vector.broadcast %shift_right_logical3A_309 : i32 to vector<16xi32>
      %shift_right_logical3A_311 = arith.shrui %bitcast3A_305, %shift_right_logical3A_310 : vector<16xi32>
      %and3A_312 = arith.constant 1 : i32
      %and3A_313 = vector.broadcast %and3A_312 : i32 to vector<16xi32>
      %and3A_314 = arith.andi %shift_right_logical3A_311, %and3A_313 : vector<16xi32>
      %add3A_315 = arith.addi %add3A_308, %and3A_314 : vector<16xi32>
      %and3A_316 = arith.constant -65536 : i32
      %and3A_317 = vector.broadcast %and3A_316 : i32 to vector<16xi32>
      %and3A_318 = arith.andi %add3A_315, %and3A_317 : vector<16xi32>
      %bitcast3A_319 = vector.bitcast %and3A_318 : vector<16xi32> to vector<16xf32>
      %add3A_320 = arith.constant 0 : i32
      %add3A_321 = arith.addi %add3A_320, %squeeze3A_294 : i32
      %add3A_322 = vector.broadcast %add3A_321 : i32 to vector<16xi32>
      %add3A_323 = arith.addi %mul3A_3, %add3A_322 : vector<16xi32>
      tpu.vector_store_idx %arg6[%add3A_323], %bitcast3A_319 {add = true} : memref<16384xf32, #tpu.memory_space<vmem>>[vector<16xi32>], vector<16xf32>,
      %mul3A_324 = arith.constant 32 : i32
      %mul3A_325 = arith.muli %add3A_298, %mul3A_324 : i32
      %add3A_326 = arith.constant 16 : i32
      %add3A_327 = arith.addi %mul3A_325, %add3A_326 : i32
      %get3A_328 = arith.index_cast %add3A_327 : i32 to index
      %get3A_329 = tpu.vector_load %arg5[%get3A_328] {strides = array<i32>} : memref<16384xf32, #tpu.memory_space<vmem>>, vector<16xf32>,
      %bitcast3A_330 = vector.bitcast %get3A_329 : vector<16xf32> to vector<16xi32>
      %add3A_331 = arith.constant 32767 : i32
      %add3A_332 = vector.broadcast %add3A_331 : i32 to vector<16xi32>
      %add3A_333 = arith.addi %bitcast3A_330, %add3A_332 : vector<16xi32>
      %shift_right_logical3A_334 = arith.constant 16 : i32
      %shift_right_logical3A_335 = vector.broadcast %shift_right_logical3A_334 : i32 to vector<16xi32>
      %shift_right_logical3A_336 = arith.shrui %bitcast3A_330, %shift_right_logical3A_335 : vector<16xi32>
      %and3A_337 = arith.constant 1 : i32
      %and3A_338 = vector.broadcast %and3A_337 : i32 to vector<16xi32>
      %and3A_339 = arith.andi %shift_right_logical3A_336, %and3A_338 : vector<16xi32>
      %add3A_340 = arith.addi %add3A_333, %and3A_339 : vector<16xi32>
      %and3A_341 = arith.constant -65536 : i32
      %and3A_342 = vector.broadcast %and3A_341 : i32 to vector<16xi32>
      %and3A_343 = arith.andi %add3A_340, %and3A_342 : vector<16xi32>
      %bitcast3A_344 = vector.bitcast %and3A_343 : vector<16xi32> to vector<16xf32>
      %add3A_345 = arith.constant 8192 : i32
      %add3A_346 = arith.addi %add3A_345, %squeeze3A_294 : i32
      %add3A_347 = vector.broadcast %add3A_346 : i32 to vector<16xi32>
      %add3A_348 = arith.addi %mul3A_3, %add3A_347 : vector<16xi32>
      tpu.vector_store_idx %arg6[%add3A_348], %bitcast3A_344 {add = true} : memref<16384xf32, #tpu.memory_space<vmem>>[vector<16xi32>], vector<16xf32>,
      %slice3A_349 = vector.extract_strided_slice %get3A_17 {offsets = [6], sizes = [1], strides = [1]} : vector<16xi32> to vector<1xi32>
      %squeeze3A_350 = vector.extract %slice3A_349[0] : i32 from vector<1xi32>
      %mul3A_351 = arith.constant 16 : i32
      %mul3A_352 = arith.muli %scan3A_14, %mul3A_351 : i32
      %add3A_353 = arith.constant 6 : i32
      %add3A_354 = arith.addi %mul3A_352, %add3A_353 : i32
      %mul3A_355 = arith.constant 32 : i32
      %mul3A_356 = arith.muli %add3A_354, %mul3A_355 : i32
      %add3A_357 = arith.constant 0 : i32
      %add3A_358 = arith.addi %mul3A_356, %add3A_357 : i32
      %get3A_359 = arith.index_cast %add3A_358 : i32 to index
      %get3A_360 = tpu.vector_load %arg5[%get3A_359] {strides = array<i32>} : memref<16384xf32, #tpu.memory_space<vmem>>, vector<16xf32>,
      %bitcast3A_361 = vector.bitcast %get3A_360 : vector<16xf32> to vector<16xi32>
      %add3A_362 = arith.constant 32767 : i32
      %add3A_363 = vector.broadcast %add3A_362 : i32 to vector<16xi32>
      %add3A_364 = arith.addi %bitcast3A_361, %add3A_363 : vector<16xi32>
      %shift_right_logical3A_365 = arith.constant 16 : i32
      %shift_right_logical3A_366 = vector.broadcast %shift_right_logical3A_365 : i32 to vector<16xi32>
      %shift_right_logical3A_367 = arith.shrui %bitcast3A_361, %shift_right_logical3A_366 : vector<16xi32>
      %and3A_368 = arith.constant 1 : i32
      %and3A_369 = vector.broadcast %and3A_368 : i32 to vector<16xi32>
      %and3A_370 = arith.andi %shift_right_logical3A_367, %and3A_369 : vector<16xi32>
      %add3A_371 = arith.addi %add3A_364, %and3A_370 : vector<16xi32>
      %and3A_372 = arith.constant -65536 : i32
      %and3A_373 = vector.broadcast %and3A_372 : i32 to vector<16xi32>
      %and3A_374 = arith.andi %add3A_371, %and3A_373 : vector<16xi32>
      %bitcast3A_375 = vector.bitcast %and3A_374 : vector<16xi32> to vector<16xf32>
      %add3A_376 = arith.constant 0 : i32
      %add3A_377 = arith.addi %add3A_376, %squeeze3A_350 : i32
      %add3A_378 = vector.broadcast %add3A_377 : i32 to vector<16xi32>
      %add3A_379 = arith.addi %mul3A_3, %add3A_378 : vector<16xi32>
      tpu.vector_store_idx %arg6[%add3A_379], %bitcast3A_375 {add = true} : memref<16384xf32, #tpu.memory_space<vmem>>[vector<16xi32>], vector<16xf32>,
      %mul3A_380 = arith.constant 32 : i32
      %mul3A_381 = arith.muli %add3A_354, %mul3A_380 : i32
      %add3A_382 = arith.constant 16 : i32
      %add3A_383 = arith.addi %mul3A_381, %add3A_382 : i32
      %get3A_384 = arith.index_cast %add3A_383 : i32 to index
      %get3A_385 = tpu.vector_load %arg5[%get3A_384] {strides = array<i32>} : memref<16384xf32, #tpu.memory_space<vmem>>, vector<16xf32>,
      %bitcast3A_386 = vector.bitcast %get3A_385 : vector<16xf32> to vector<16xi32>
      %add3A_387 = arith.constant 32767 : i32
      %add3A_388 = vector.broadcast %add3A_387 : i32 to vector<16xi32>
      %add3A_389 = arith.addi %bitcast3A_386, %add3A_388 : vector<16xi32>
      %shift_right_logical3A_390 = arith.constant 16 : i32
      %shift_right_logical3A_391 = vector.broadcast %shift_right_logical3A_390 : i32 to vector<16xi32>
      %shift_right_logical3A_392 = arith.shrui %bitcast3A_386, %shift_right_logical3A_391 : vector<16xi32>
      %and3A_393 = arith.constant 1 : i32
      %and3A_394 = vector.broadcast %and3A_393 : i32 to vector<16xi32>
      %and3A_395 = arith.andi %shift_right_logical3A_392, %and3A_394 : vector<16xi32>
      %add3A_396 = arith.addi %add3A_389, %and3A_395 : vector<16xi32>
      %and3A_397 = arith.constant -65536 : i32
      %and3A_398 = vector.broadcast %and3A_397 : i32 to vector<16xi32>
      %and3A_399 = arith.andi %add3A_396, %and3A_398 : vector<16xi32>
      %bitcast3A_400 = vector.bitcast %and3A_399 : vector<16xi32> to vector<16xf32>
      %add3A_401 = arith.constant 8192 : i32
      %add3A_402 = arith.addi %add3A_401, %squeeze3A_350 : i32
      %add3A_403 = vector.broadcast %add3A_402 : i32 to vector<16xi32>
      %add3A_404 = arith.addi %mul3A_3, %add3A_403 : vector<16xi32>
      tpu.vector_store_idx %arg6[%add3A_404], %bitcast3A_400 {add = true} : memref<16384xf32, #tpu.memory_space<vmem>>[vector<16xi32>], vector<16xf32>,
      %slice3A_405 = vector.extract_strided_slice %get3A_17 {offsets = [7], sizes = [1], strides = [1]} : vector<16xi32> to vector<1xi32>
      %squeeze3A_406 = vector.extract %slice3A_405[0] : i32 from vector<1xi32>
      %mul3A_407 = arith.constant 16 : i32
      %mul3A_408 = arith.muli %scan3A_14, %mul3A_407 : i32
      %add3A_409 = arith.constant 7 : i32
      %add3A_410 = arith.addi %mul3A_408, %add3A_409 : i32
      %mul3A_411 = arith.constant 32 : i32
      %mul3A_412 = arith.muli %add3A_410, %mul3A_411 : i32
      %add3A_413 = arith.constant 0 : i32
      %add3A_414 = arith.addi %mul3A_412, %add3A_413 : i32
      %get3A_415 = arith.index_cast %add3A_414 : i32 to index
      %get3A_416 = tpu.vector_load %arg5[%get3A_415] {strides = array<i32>} : memref<16384xf32, #tpu.memory_space<vmem>>, vector<16xf32>,
      %bitcast3A_417 = vector.bitcast %get3A_416 : vector<16xf32> to vector<16xi32>
      %add3A_418 = arith.constant 32767 : i32
      %add3A_419 = vector.broadcast %add3A_418 : i32 to vector<16xi32>
      %add3A_420 = arith.addi %bitcast3A_417, %add3A_419 : vector<16xi32>
      %shift_right_logical3A_421 = arith.constant 16 : i32
      %shift_right_logical3A_422 = vector.broadcast %shift_right_logical3A_421 : i32 to vector<16xi32>
      %shift_right_logical3A_423 = arith.shrui %bitcast3A_417, %shift_right_logical3A_422 : vector<16xi32>
      %and3A_424 = arith.constant 1 : i32
      %and3A_425 = vector.broadcast %and3A_424 : i32 to vector<16xi32>
      %and3A_426 = arith.andi %shift_right_logical3A_423, %and3A_425 : vector<16xi32>
      %add3A_427 = arith.addi %add3A_420, %and3A_426 : vector<16xi32>
      %and3A_428 = arith.constant -65536 : i32
      %and3A_429 = vector.broadcast %and3A_428 : i32 to vector<16xi32>
      %and3A_430 = arith.andi %add3A_427, %and3A_429 : vector<16xi32>
      %bitcast3A_431 = vector.bitcast %and3A_430 : vector<16xi32> to vector<16xf32>
      %add3A_432 = arith.constant 0 : i32
      %add3A_433 = arith.addi %add3A_432, %squeeze3A_406 : i32
      %add3A_434 = vector.broadcast %add3A_433 : i32 to vector<16xi32>
      %add3A_435 = arith.addi %mul3A_3, %add3A_434 : vector<16xi32>
      tpu.vector_store_idx %arg6[%add3A_435], %bitcast3A_431 {add = true} : memref<16384xf32, #tpu.memory_space<vmem>>[vector<16xi32>], vector<16xf32>,
      %mul3A_436 = arith.constant 32 : i32
      %mul3A_437 = arith.muli %add3A_410, %mul3A_436 : i32
      %add3A_438 = arith.constant 16 : i32
      %add3A_439 = arith.addi %mul3A_437, %add3A_438 : i32
      %get3A_440 = arith.index_cast %add3A_439 : i32 to index
      %get3A_441 = tpu.vector_load %arg5[%get3A_440] {strides = array<i32>} : memref<16384xf32, #tpu.memory_space<vmem>>, vector<16xf32>,
      %bitcast3A_442 = vector.bitcast %get3A_441 : vector<16xf32> to vector<16xi32>
      %add3A_443 = arith.constant 32767 : i32
      %add3A_444 = vector.broadcast %add3A_443 : i32 to vector<16xi32>
      %add3A_445 = arith.addi %bitcast3A_442, %add3A_444 : vector<16xi32>
      %shift_right_logical3A_446 = arith.constant 16 : i32
      %shift_right_logical3A_447 = vector.broadcast %shift_right_logical3A_446 : i32 to vector<16xi32>
      %shift_right_logical3A_448 = arith.shrui %bitcast3A_442, %shift_right_logical3A_447 : vector<16xi32>
      %and3A_449 = arith.constant 1 : i32
      %and3A_450 = vector.broadcast %and3A_449 : i32 to vector<16xi32>
      %and3A_451 = arith.andi %shift_right_logical3A_448, %and3A_450 : vector<16xi32>
      %add3A_452 = arith.addi %add3A_445, %and3A_451 : vector<16xi32>
      %and3A_453 = arith.constant -65536 : i32
      %and3A_454 = vector.broadcast %and3A_453 : i32 to vector<16xi32>
      %and3A_455 = arith.andi %add3A_452, %and3A_454 : vector<16xi32>
      %bitcast3A_456 = vector.bitcast %and3A_455 : vector<16xi32> to vector<16xf32>
      %add3A_457 = arith.constant 8192 : i32
      %add3A_458 = arith.addi %add3A_457, %squeeze3A_406 : i32
      %add3A_459 = vector.broadcast %add3A_458 : i32 to vector<16xi32>
      %add3A_460 = arith.addi %mul3A_3, %add3A_459 : vector<16xi32>
      tpu.vector_store_idx %arg6[%add3A_460], %bitcast3A_456 {add = true} : memref<16384xf32, #tpu.memory_space<vmem>>[vector<16xi32>], vector<16xf32>,
      %slice3A_461 = vector.extract_strided_slice %get3A_17 {offsets = [8], sizes = [1], strides = [1]} : vector<16xi32> to vector<1xi32>
      %squeeze3A_462 = vector.extract %slice3A_461[0] : i32 from vector<1xi32>
      %mul3A_463 = arith.constant 16 : i32
      %mul3A_464 = arith.muli %scan3A_14, %mul3A_463 : i32
      %add3A_465 = arith.constant 8 : i32
      %add3A_466 = arith.addi %mul3A_464, %add3A_465 : i32
      %mul3A_467 = arith.constant 32 : i32
      %mul3A_468 = arith.muli %add3A_466, %mul3A_467 : i32
      %add3A_469 = arith.constant 0 : i32
      %add3A_470 = arith.addi %mul3A_468, %add3A_469 : i32
      %get3A_471 = arith.index_cast %add3A_470 : i32 to index
      %get3A_472 = tpu.vector_load %arg5[%get3A_471] {strides = array<i32>} : memref<16384xf32, #tpu.memory_space<vmem>>, vector<16xf32>,
      %bitcast3A_473 = vector.bitcast %get3A_472 : vector<16xf32> to vector<16xi32>
      %add3A_474 = arith.constant 32767 : i32
      %add3A_475 = vector.broadcast %add3A_474 : i32 to vector<16xi32>
      %add3A_476 = arith.addi %bitcast3A_473, %add3A_475 : vector<16xi32>
      %shift_right_logical3A_477 = arith.constant 16 : i32
      %shift_right_logical3A_478 = vector.broadcast %shift_right_logical3A_477 : i32 to vector<16xi32>
      %shift_right_logical3A_479 = arith.shrui %bitcast3A_473, %shift_right_logical3A_478 : vector<16xi32>
      %and3A_480 = arith.constant 1 : i32
      %and3A_481 = vector.broadcast %and3A_480 : i32 to vector<16xi32>
      %and3A_482 = arith.andi %shift_right_logical3A_479, %and3A_481 : vector<16xi32>
      %add3A_483 = arith.addi %add3A_476, %and3A_482 : vector<16xi32>
      %and3A_484 = arith.constant -65536 : i32
      %and3A_485 = vector.broadcast %and3A_484 : i32 to vector<16xi32>
      %and3A_486 = arith.andi %add3A_483, %and3A_485 : vector<16xi32>
      %bitcast3A_487 = vector.bitcast %and3A_486 : vector<16xi32> to vector<16xf32>
      %add3A_488 = arith.constant 0 : i32
      %add3A_489 = arith.addi %add3A_488, %squeeze3A_462 : i32
      %add3A_490 = vector.broadcast %add3A_489 : i32 to vector<16xi32>
      %add3A_491 = arith.addi %mul3A_3, %add3A_490 : vector<16xi32>
      tpu.vector_store_idx %arg6[%add3A_491], %bitcast3A_487 {add = true} : memref<16384xf32, #tpu.memory_space<vmem>>[vector<16xi32>], vector<16xf32>,
      %mul3A_492 = arith.constant 32 : i32
      %mul3A_493 = arith.muli %add3A_466, %mul3A_492 : i32
      %add3A_494 = arith.constant 16 : i32
      %add3A_495 = arith.addi %mul3A_493, %add3A_494 : i32
      %get3A_496 = arith.index_cast %add3A_495 : i32 to index
      %get3A_497 = tpu.vector_load %arg5[%get3A_496] {strides = array<i32>} : memref<16384xf32, #tpu.memory_space<vmem>>, vector<16xf32>,
      %bitcast3A_498 = vector.bitcast %get3A_497 : vector<16xf32> to vector<16xi32>
      %add3A_499 = arith.constant 32767 : i32
      %add3A_500 = vector.broadcast %add3A_499 : i32 to vector<16xi32>
      %add3A_501 = arith.addi %bitcast3A_498, %add3A_500 : vector<16xi32>
      %shift_right_logical3A_502 = arith.constant 16 : i32
      %shift_right_logical3A_503 = vector.broadcast %shift_right_logical3A_502 : i32 to vector<16xi32>
      %shift_right_logical3A_504 = arith.shrui %bitcast3A_498, %shift_right_logical3A_503 : vector<16xi32>
      %and3A_505 = arith.constant 1 : i32
      %and3A_506 = vector.broadcast %and3A_505 : i32 to vector<16xi32>
      %and3A_507 = arith.andi %shift_right_logical3A_504, %and3A_506 : vector<16xi32>
      %add3A_508 = arith.addi %add3A_501, %and3A_507 : vector<16xi32>
      %and3A_509 = arith.constant -65536 : i32
      %and3A_510 = vector.broadcast %and3A_509 : i32 to vector<16xi32>
      %and3A_511 = arith.andi %add3A_508, %and3A_510 : vector<16xi32>
      %bitcast3A_512 = vector.bitcast %and3A_511 : vector<16xi32> to vector<16xf32>
      %add3A_513 = arith.constant 8192 : i32
      %add3A_514 = arith.addi %add3A_513, %squeeze3A_462 : i32
      %add3A_515 = vector.broadcast %add3A_514 : i32 to vector<16xi32>
      %add3A_516 = arith.addi %mul3A_3, %add3A_515 : vector<16xi32>
      tpu.vector_store_idx %arg6[%add3A_516], %bitcast3A_512 {add = true} : memref<16384xf32, #tpu.memory_space<vmem>>[vector<16xi32>], vector<16xf32>,
      %slice3A_517 = vector.extract_strided_slice %get3A_17 {offsets = [9], sizes = [1], strides = [1]} : vector<16xi32> to vector<1xi32>
      %squeeze3A_518 = vector.extract %slice3A_517[0] : i32 from vector<1xi32>
      %mul3A_519 = arith.constant 16 : i32
      %mul3A_520 = arith.muli %scan3A_14, %mul3A_519 : i32
      %add3A_521 = arith.constant 9 : i32
      %add3A_522 = arith.addi %mul3A_520, %add3A_521 : i32
      %mul3A_523 = arith.constant 32 : i32
      %mul3A_524 = arith.muli %add3A_522, %mul3A_523 : i32
      %add3A_525 = arith.constant 0 : i32
      %add3A_526 = arith.addi %mul3A_524, %add3A_525 : i32
      %get3A_527 = arith.index_cast %add3A_526 : i32 to index
      %get3A_528 = tpu.vector_load %arg5[%get3A_527] {strides = array<i32>} : memref<16384xf32, #tpu.memory_space<vmem>>, vector<16xf32>,
      %bitcast3A_529 = vector.bitcast %get3A_528 : vector<16xf32> to vector<16xi32>
      %add3A_530 = arith.constant 32767 : i32
      %add3A_531 = vector.broadcast %add3A_530 : i32 to vector<16xi32>
      %add3A_532 = arith.addi %bitcast3A_529, %add3A_531 : vector<16xi32>
      %shift_right_logical3A_533 = arith.constant 16 : i32
      %shift_right_logical3A_534 = vector.broadcast %shift_right_logical3A_533 : i32 to vector<16xi32>
      %shift_right_logical3A_535 = arith.shrui %bitcast3A_529, %shift_right_logical3A_534 : vector<16xi32>
      %and3A_536 = arith.constant 1 : i32
      %and3A_537 = vector.broadcast %and3A_536 : i32 to vector<16xi32>
      %and3A_538 = arith.andi %shift_right_logical3A_535, %and3A_537 : vector<16xi32>
      %add3A_539 = arith.addi %add3A_532, %and3A_538 : vector<16xi32>
      %and3A_540 = arith.constant -65536 : i32
      %and3A_541 = vector.broadcast %and3A_540 : i32 to vector<16xi32>
      %and3A_542 = arith.andi %add3A_539, %and3A_541 : vector<16xi32>
      %bitcast3A_543 = vector.bitcast %and3A_542 : vector<16xi32> to vector<16xf32>
      %add3A_544 = arith.constant 0 : i32
      %add3A_545 = arith.addi %add3A_544, %squeeze3A_518 : i32
      %add3A_546 = vector.broadcast %add3A_545 : i32 to vector<16xi32>
      %add3A_547 = arith.addi %mul3A_3, %add3A_546 : vector<16xi32>
      tpu.vector_store_idx %arg6[%add3A_547], %bitcast3A_543 {add = true} : memref<16384xf32, #tpu.memory_space<vmem>>[vector<16xi32>], vector<16xf32>,
      %mul3A_548 = arith.constant 32 : i32
      %mul3A_549 = arith.muli %add3A_522, %mul3A_548 : i32
      %add3A_550 = arith.constant 16 : i32
      %add3A_551 = arith.addi %mul3A_549, %add3A_550 : i32
      %get3A_552 = arith.index_cast %add3A_551 : i32 to index
      %get3A_553 = tpu.vector_load %arg5[%get3A_552] {strides = array<i32>} : memref<16384xf32, #tpu.memory_space<vmem>>, vector<16xf32>,
      %bitcast3A_554 = vector.bitcast %get3A_553 : vector<16xf32> to vector<16xi32>
      %add3A_555 = arith.constant 32767 : i32
      %add3A_556 = vector.broadcast %add3A_555 : i32 to vector<16xi32>
      %add3A_557 = arith.addi %bitcast3A_554, %add3A_556 : vector<16xi32>
      %shift_right_logical3A_558 = arith.constant 16 : i32
      %shift_right_logical3A_559 = vector.broadcast %shift_right_logical3A_558 : i32 to vector<16xi32>
      %shift_right_logical3A_560 = arith.shrui %bitcast3A_554, %shift_right_logical3A_559 : vector<16xi32>
      %and3A_561 = arith.constant 1 : i32
      %and3A_562 = vector.broadcast %and3A_561 : i32 to vector<16xi32>
      %and3A_563 = arith.andi %shift_right_logical3A_560, %and3A_562 : vector<16xi32>
      %add3A_564 = arith.addi %add3A_557, %and3A_563 : vector<16xi32>
      %and3A_565 = arith.constant -65536 : i32
      %and3A_566 = vector.broadcast %and3A_565 : i32 to vector<16xi32>
      %and3A_567 = arith.andi %add3A_564, %and3A_566 : vector<16xi32>
      %bitcast3A_568 = vector.bitcast %and3A_567 : vector<16xi32> to vector<16xf32>
      %add3A_569 = arith.constant 8192 : i32
      %add3A_570 = arith.addi %add3A_569, %squeeze3A_518 : i32
      %add3A_571 = vector.broadcast %add3A_570 : i32 to vector<16xi32>
      %add3A_572 = arith.addi %mul3A_3, %add3A_571 : vector<16xi32>
      tpu.vector_store_idx %arg6[%add3A_572], %bitcast3A_568 {add = true} : memref<16384xf32, #tpu.memory_space<vmem>>[vector<16xi32>], vector<16xf32>,
      %slice3A_573 = vector.extract_strided_slice %get3A_17 {offsets = [10], sizes = [1], strides = [1]} : vector<16xi32> to vector<1xi32>
      %squeeze3A_574 = vector.extract %slice3A_573[0] : i32 from vector<1xi32>
      %mul3A_575 = arith.constant 16 : i32
      %mul3A_576 = arith.muli %scan3A_14, %mul3A_575 : i32
      %add3A_577 = arith.constant 10 : i32
      %add3A_578 = arith.addi %mul3A_576, %add3A_577 : i32
      %mul3A_579 = arith.constant 32 : i32
      %mul3A_580 = arith.muli %add3A_578, %mul3A_579 : i32
      %add3A_581 = arith.constant 0 : i32
      %add3A_582 = arith.addi %mul3A_580, %add3A_581 : i32
      %get3A_583 = arith.index_cast %add3A_582 : i32 to index
      %get3A_584 = tpu.vector_load %arg5[%get3A_583] {strides = array<i32>} : memref<16384xf32, #tpu.memory_space<vmem>>, vector<16xf32>,
      %bitcast3A_585 = vector.bitcast %get3A_584 : vector<16xf32> to vector<16xi32>
      %add3A_586 = arith.constant 32767 : i32
      %add3A_587 = vector.broadcast %add3A_586 : i32 to vector<16xi32>
      %add3A_588 = arith.addi %bitcast3A_585, %add3A_587 : vector<16xi32>
      %shift_right_logical3A_589 = arith.constant 16 : i32
      %shift_right_logical3A_590 = vector.broadcast %shift_right_logical3A_589 : i32 to vector<16xi32>
      %shift_right_logical3A_591 = arith.shrui %bitcast3A_585, %shift_right_logical3A_590 : vector<16xi32>
      %and3A_592 = arith.constant 1 : i32
      %and3A_593 = vector.broadcast %and3A_592 : i32 to vector<16xi32>
      %and3A_594 = arith.andi %shift_right_logical3A_591, %and3A_593 : vector<16xi32>
      %add3A_595 = arith.addi %add3A_588, %and3A_594 : vector<16xi32>
      %and3A_596 = arith.constant -65536 : i32
      %and3A_597 = vector.broadcast %and3A_596 : i32 to vector<16xi32>
      %and3A_598 = arith.andi %add3A_595, %and3A_597 : vector<16xi32>
      %bitcast3A_599 = vector.bitcast %and3A_598 : vector<16xi32> to vector<16xf32>
      %add3A_600 = arith.constant 0 : i32
      %add3A_601 = arith.addi %add3A_600, %squeeze3A_574 : i32
      %add3A_602 = vector.broadcast %add3A_601 : i32 to vector<16xi32>
      %add3A_603 = arith.addi %mul3A_3, %add3A_602 : vector<16xi32>
      tpu.vector_store_idx %arg6[%add3A_603], %bitcast3A_599 {add = true} : memref<16384xf32, #tpu.memory_space<vmem>>[vector<16xi32>], vector<16xf32>,
      %mul3A_604 = arith.constant 32 : i32
      %mul3A_605 = arith.muli %add3A_578, %mul3A_604 : i32
      %add3A_606 = arith.constant 16 : i32
      %add3A_607 = arith.addi %mul3A_605, %add3A_606 : i32
      %get3A_608 = arith.index_cast %add3A_607 : i32 to index
      %get3A_609 = tpu.vector_load %arg5[%get3A_608] {strides = array<i32>} : memref<16384xf32, #tpu.memory_space<vmem>>, vector<16xf32>,
      %bitcast3A_610 = vector.bitcast %get3A_609 : vector<16xf32> to vector<16xi32>
      %add3A_611 = arith.constant 32767 : i32
      %add3A_612 = vector.broadcast %add3A_611 : i32 to vector<16xi32>
      %add3A_613 = arith.addi %bitcast3A_610, %add3A_612 : vector<16xi32>
      %shift_right_logical3A_614 = arith.constant 16 : i32
      %shift_right_logical3A_615 = vector.broadcast %shift_right_logical3A_614 : i32 to vector<16xi32>
      %shift_right_logical3A_616 = arith.shrui %bitcast3A_610, %shift_right_logical3A_615 : vector<16xi32>
      %and3A_617 = arith.constant 1 : i32
      %and3A_618 = vector.broadcast %and3A_617 : i32 to vector<16xi32>
      %and3A_619 = arith.andi %shift_right_logical3A_616, %and3A_618 : vector<16xi32>
      %add3A_620 = arith.addi %add3A_613, %and3A_619 : vector<16xi32>
      %and3A_621 = arith.constant -65536 : i32
      %and3A_622 = vector.broadcast %and3A_621 : i32 to vector<16xi32>
      %and3A_623 = arith.andi %add3A_620, %and3A_622 : vector<16xi32>
      %bitcast3A_624 = vector.bitcast %and3A_623 : vector<16xi32> to vector<16xf32>
      %add3A_625 = arith.constant 8192 : i32
      %add3A_626 = arith.addi %add3A_625, %squeeze3A_574 : i32
      %add3A_627 = vector.broadcast %add3A_626 : i32 to vector<16xi32>
      %add3A_628 = arith.addi %mul3A_3, %add3A_627 : vector<16xi32>
      tpu.vector_store_idx %arg6[%add3A_628], %bitcast3A_624 {add = true} : memref<16384xf32, #tpu.memory_space<vmem>>[vector<16xi32>], vector<16xf32>,
      %slice3A_629 = vector.extract_strided_slice %get3A_17 {offsets = [11], sizes = [1], strides = [1]} : vector<16xi32> to vector<1xi32>
      %squeeze3A_630 = vector.extract %slice3A_629[0] : i32 from vector<1xi32>
      %mul3A_631 = arith.constant 16 : i32
      %mul3A_632 = arith.muli %scan3A_14, %mul3A_631 : i32
      %add3A_633 = arith.constant 11 : i32
      %add3A_634 = arith.addi %mul3A_632, %add3A_633 : i32
      %mul3A_635 = arith.constant 32 : i32
      %mul3A_636 = arith.muli %add3A_634, %mul3A_635 : i32
      %add3A_637 = arith.constant 0 : i32
      %add3A_638 = arith.addi %mul3A_636, %add3A_637 : i32
      %get3A_639 = arith.index_cast %add3A_638 : i32 to index
      %get3A_640 = tpu.vector_load %arg5[%get3A_639] {strides = array<i32>} : memref<16384xf32, #tpu.memory_space<vmem>>, vector<16xf32>,
      %bitcast3A_641 = vector.bitcast %get3A_640 : vector<16xf32> to vector<16xi32>
      %add3A_642 = arith.constant 32767 : i32
      %add3A_643 = vector.broadcast %add3A_642 : i32 to vector<16xi32>
      %add3A_644 = arith.addi %bitcast3A_641, %add3A_643 : vector<16xi32>
      %shift_right_logical3A_645 = arith.constant 16 : i32
      %shift_right_logical3A_646 = vector.broadcast %shift_right_logical3A_645 : i32 to vector<16xi32>
      %shift_right_logical3A_647 = arith.shrui %bitcast3A_641, %shift_right_logical3A_646 : vector<16xi32>
      %and3A_648 = arith.constant 1 : i32
      %and3A_649 = vector.broadcast %and3A_648 : i32 to vector<16xi32>
      %and3A_650 = arith.andi %shift_right_logical3A_647, %and3A_649 : vector<16xi32>
      %add3A_651 = arith.addi %add3A_644, %and3A_650 : vector<16xi32>
      %and3A_652 = arith.constant -65536 : i32
      %and3A_653 = vector.broadcast %and3A_652 : i32 to vector<16xi32>
      %and3A_654 = arith.andi %add3A_651, %and3A_653 : vector<16xi32>
      %bitcast3A_655 = vector.bitcast %and3A_654 : vector<16xi32> to vector<16xf32>
      %add3A_656 = arith.constant 0 : i32
      %add3A_657 = arith.addi %add3A_656, %squeeze3A_630 : i32
      %add3A_658 = vector.broadcast %add3A_657 : i32 to vector<16xi32>
      %add3A_659 = arith.addi %mul3A_3, %add3A_658 : vector<16xi32>
      tpu.vector_store_idx %arg6[%add3A_659], %bitcast3A_655 {add = true} : memref<16384xf32, #tpu.memory_space<vmem>>[vector<16xi32>], vector<16xf32>,
      %mul3A_660 = arith.constant 32 : i32
      %mul3A_661 = arith.muli %add3A_634, %mul3A_660 : i32
      %add3A_662 = arith.constant 16 : i32
      %add3A_663 = arith.addi %mul3A_661, %add3A_662 : i32
      %get3A_664 = arith.index_cast %add3A_663 : i32 to index
      %get3A_665 = tpu.vector_load %arg5[%get3A_664] {strides = array<i32>} : memref<16384xf32, #tpu.memory_space<vmem>>, vector<16xf32>,
      %bitcast3A_666 = vector.bitcast %get3A_665 : vector<16xf32> to vector<16xi32>
      %add3A_667 = arith.constant 32767 : i32
      %add3A_668 = vector.broadcast %add3A_667 : i32 to vector<16xi32>
      %add3A_669 = arith.addi %bitcast3A_666, %add3A_668 : vector<16xi32>
      %shift_right_logical3A_670 = arith.constant 16 : i32
      %shift_right_logical3A_671 = vector.broadcast %shift_right_logical3A_670 : i32 to vector<16xi32>
      %shift_right_logical3A_672 = arith.shrui %bitcast3A_666, %shift_right_logical3A_671 : vector<16xi32>
      %and3A_673 = arith.constant 1 : i32
      %and3A_674 = vector.broadcast %and3A_673 : i32 to vector<16xi32>
      %and3A_675 = arith.andi %shift_right_logical3A_672, %and3A_674 : vector<16xi32>
      %add3A_676 = arith.addi %add3A_669, %and3A_675 : vector<16xi32>
      %and3A_677 = arith.constant -65536 : i32
      %and3A_678 = vector.broadcast %and3A_677 : i32 to vector<16xi32>
      %and3A_679 = arith.andi %add3A_676, %and3A_678 : vector<16xi32>
      %bitcast3A_680 = vector.bitcast %and3A_679 : vector<16xi32> to vector<16xf32>
      %add3A_681 = arith.constant 8192 : i32
      %add3A_682 = arith.addi %add3A_681, %squeeze3A_630 : i32
      %add3A_683 = vector.broadcast %add3A_682 : i32 to vector<16xi32>
      %add3A_684 = arith.addi %mul3A_3, %add3A_683 : vector<16xi32>
      tpu.vector_store_idx %arg6[%add3A_684], %bitcast3A_680 {add = true} : memref<16384xf32, #tpu.memory_space<vmem>>[vector<16xi32>], vector<16xf32>,
      %slice3A_685 = vector.extract_strided_slice %get3A_17 {offsets = [12], sizes = [1], strides = [1]} : vector<16xi32> to vector<1xi32>
      %squeeze3A_686 = vector.extract %slice3A_685[0] : i32 from vector<1xi32>
      %mul3A_687 = arith.constant 16 : i32
      %mul3A_688 = arith.muli %scan3A_14, %mul3A_687 : i32
      %add3A_689 = arith.constant 12 : i32
      %add3A_690 = arith.addi %mul3A_688, %add3A_689 : i32
      %mul3A_691 = arith.constant 32 : i32
      %mul3A_692 = arith.muli %add3A_690, %mul3A_691 : i32
      %add3A_693 = arith.constant 0 : i32
      %add3A_694 = arith.addi %mul3A_692, %add3A_693 : i32
      %get3A_695 = arith.index_cast %add3A_694 : i32 to index
      %get3A_696 = tpu.vector_load %arg5[%get3A_695] {strides = array<i32>} : memref<16384xf32, #tpu.memory_space<vmem>>, vector<16xf32>,
      %bitcast3A_697 = vector.bitcast %get3A_696 : vector<16xf32> to vector<16xi32>
      %add3A_698 = arith.constant 32767 : i32
      %add3A_699 = vector.broadcast %add3A_698 : i32 to vector<16xi32>
      %add3A_700 = arith.addi %bitcast3A_697, %add3A_699 : vector<16xi32>
      %shift_right_logical3A_701 = arith.constant 16 : i32
      %shift_right_logical3A_702 = vector.broadcast %shift_right_logical3A_701 : i32 to vector<16xi32>
      %shift_right_logical3A_703 = arith.shrui %bitcast3A_697, %shift_right_logical3A_702 : vector<16xi32>
      %and3A_704 = arith.constant 1 : i32
      %and3A_705 = vector.broadcast %and3A_704 : i32 to vector<16xi32>
      %and3A_706 = arith.andi %shift_right_logical3A_703, %and3A_705 : vector<16xi32>
      %add3A_707 = arith.addi %add3A_700, %and3A_706 : vector<16xi32>
      %and3A_708 = arith.constant -65536 : i32
      %and3A_709 = vector.broadcast %and3A_708 : i32 to vector<16xi32>
      %and3A_710 = arith.andi %add3A_707, %and3A_709 : vector<16xi32>
      %bitcast3A_711 = vector.bitcast %and3A_710 : vector<16xi32> to vector<16xf32>
      %add3A_712 = arith.constant 0 : i32
      %add3A_713 = arith.addi %add3A_712, %squeeze3A_686 : i32
      %add3A_714 = vector.broadcast %add3A_713 : i32 to vector<16xi32>
      %add3A_715 = arith.addi %mul3A_3, %add3A_714 : vector<16xi32>
      tpu.vector_store_idx %arg6[%add3A_715], %bitcast3A_711 {add = true} : memref<16384xf32, #tpu.memory_space<vmem>>[vector<16xi32>], vector<16xf32>,
      %mul3A_716 = arith.constant 32 : i32
      %mul3A_717 = arith.muli %add3A_690, %mul3A_716 : i32
      %add3A_718 = arith.constant 16 : i32
      %add3A_719 = arith.addi %mul3A_717, %add3A_718 : i32
      %get3A_720 = arith.index_cast %add3A_719 : i32 to index
      %get3A_721 = tpu.vector_load %arg5[%get3A_720] {strides = array<i32>} : memref<16384xf32, #tpu.memory_space<vmem>>, vector<16xf32>,
      %bitcast3A_722 = vector.bitcast %get3A_721 : vector<16xf32> to vector<16xi32>
      %add3A_723 = arith.constant 32767 : i32
      %add3A_724 = vector.broadcast %add3A_723 : i32 to vector<16xi32>
      %add3A_725 = arith.addi %bitcast3A_722, %add3A_724 : vector<16xi32>
      %shift_right_logical3A_726 = arith.constant 16 : i32
      %shift_right_logical3A_727 = vector.broadcast %shift_right_logical3A_726 : i32 to vector<16xi32>
      %shift_right_logical3A_728 = arith.shrui %bitcast3A_722, %shift_right_logical3A_727 : vector<16xi32>
      %and3A_729 = arith.constant 1 : i32
      %and3A_730 = vector.broadcast %and3A_729 : i32 to vector<16xi32>
      %and3A_731 = arith.andi %shift_right_logical3A_728, %and3A_730 : vector<16xi32>
      %add3A_732 = arith.addi %add3A_725, %and3A_731 : vector<16xi32>
      %and3A_733 = arith.constant -65536 : i32
      %and3A_734 = vector.broadcast %and3A_733 : i32 to vector<16xi32>
      %and3A_735 = arith.andi %add3A_732, %and3A_734 : vector<16xi32>
      %bitcast3A_736 = vector.bitcast %and3A_735 : vector<16xi32> to vector<16xf32>
      %add3A_737 = arith.constant 8192 : i32
      %add3A_738 = arith.addi %add3A_737, %squeeze3A_686 : i32
      %add3A_739 = vector.broadcast %add3A_738 : i32 to vector<16xi32>
      %add3A_740 = arith.addi %mul3A_3, %add3A_739 : vector<16xi32>
      tpu.vector_store_idx %arg6[%add3A_740], %bitcast3A_736 {add = true} : memref<16384xf32, #tpu.memory_space<vmem>>[vector<16xi32>], vector<16xf32>,
      %slice3A_741 = vector.extract_strided_slice %get3A_17 {offsets = [13], sizes = [1], strides = [1]} : vector<16xi32> to vector<1xi32>
      %squeeze3A_742 = vector.extract %slice3A_741[0] : i32 from vector<1xi32>
      %mul3A_743 = arith.constant 16 : i32
      %mul3A_744 = arith.muli %scan3A_14, %mul3A_743 : i32
      %add3A_745 = arith.constant 13 : i32
      %add3A_746 = arith.addi %mul3A_744, %add3A_745 : i32
      %mul3A_747 = arith.constant 32 : i32
      %mul3A_748 = arith.muli %add3A_746, %mul3A_747 : i32
      %add3A_749 = arith.constant 0 : i32
      %add3A_750 = arith.addi %mul3A_748, %add3A_749 : i32
      %get3A_751 = arith.index_cast %add3A_750 : i32 to index
      %get3A_752 = tpu.vector_load %arg5[%get3A_751] {strides = array<i32>} : memref<16384xf32, #tpu.memory_space<vmem>>, vector<16xf32>,
      %bitcast3A_753 = vector.bitcast %get3A_752 : vector<16xf32> to vector<16xi32>
      %add3A_754 = arith.constant 32767 : i32
      %add3A_755 = vector.broadcast %add3A_754 : i32 to vector<16xi32>
      %add3A_756 = arith.addi %bitcast3A_753, %add3A_755 : vector<16xi32>
      %shift_right_logical3A_757 = arith.constant 16 : i32
      %shift_right_logical3A_758 = vector.broadcast %shift_right_logical3A_757 : i32 to vector<16xi32>
      %shift_right_logical3A_759 = arith.shrui %bitcast3A_753, %shift_right_logical3A_758 : vector<16xi32>
      %and3A_760 = arith.constant 1 : i32
      %and3A_761 = vector.broadcast %and3A_760 : i32 to vector<16xi32>
      %and3A_762 = arith.andi %shift_right_logical3A_759, %and3A_761 : vector<16xi32>
      %add3A_763 = arith.addi %add3A_756, %and3A_762 : vector<16xi32>
      %and3A_764 = arith.constant -65536 : i32
      %and3A_765 = vector.broadcast %and3A_764 : i32 to vector<16xi32>
      %and3A_766 = arith.andi %add3A_763, %and3A_765 : vector<16xi32>
      %bitcast3A_767 = vector.bitcast %and3A_766 : vector<16xi32> to vector<16xf32>
      %add3A_768 = arith.constant 0 : i32
      %add3A_769 = arith.addi %add3A_768, %squeeze3A_742 : i32
      %add3A_770 = vector.broadcast %add3A_769 : i32 to vector<16xi32>
      %add3A_771 = arith.addi %mul3A_3, %add3A_770 : vector<16xi32>
      tpu.vector_store_idx %arg6[%add3A_771], %bitcast3A_767 {add = true} : memref<16384xf32, #tpu.memory_space<vmem>>[vector<16xi32>], vector<16xf32>,
      %mul3A_772 = arith.constant 32 : i32
      %mul3A_773 = arith.muli %add3A_746, %mul3A_772 : i32
      %add3A_774 = arith.constant 16 : i32
      %add3A_775 = arith.addi %mul3A_773, %add3A_774 : i32
      %get3A_776 = arith.index_cast %add3A_775 : i32 to index
      %get3A_777 = tpu.vector_load %arg5[%get3A_776] {strides = array<i32>} : memref<16384xf32, #tpu.memory_space<vmem>>, vector<16xf32>,
      %bitcast3A_778 = vector.bitcast %get3A_777 : vector<16xf32> to vector<16xi32>
      %add3A_779 = arith.constant 32767 : i32
      %add3A_780 = vector.broadcast %add3A_779 : i32 to vector<16xi32>
      %add3A_781 = arith.addi %bitcast3A_778, %add3A_780 : vector<16xi32>
      %shift_right_logical3A_782 = arith.constant 16 : i32
      %shift_right_logical3A_783 = vector.broadcast %shift_right_logical3A_782 : i32 to vector<16xi32>
      %shift_right_logical3A_784 = arith.shrui %bitcast3A_778, %shift_right_logical3A_783 : vector<16xi32>
      %and3A_785 = arith.constant 1 : i32
      %and3A_786 = vector.broadcast %and3A_785 : i32 to vector<16xi32>
      %and3A_787 = arith.andi %shift_right_logical3A_784, %and3A_786 : vector<16xi32>
      %add3A_788 = arith.addi %add3A_781, %and3A_787 : vector<16xi32>
      %and3A_789 = arith.constant -65536 : i32
      %and3A_790 = vector.broadcast %and3A_789 : i32 to vector<16xi32>
      %and3A_791 = arith.andi %add3A_788, %and3A_790 : vector<16xi32>
      %bitcast3A_792 = vector.bitcast %and3A_791 : vector<16xi32> to vector<16xf32>
      %add3A_793 = arith.constant 8192 : i32
      %add3A_794 = arith.addi %add3A_793, %squeeze3A_742 : i32
      %add3A_795 = vector.broadcast %add3A_794 : i32 to vector<16xi32>
      %add3A_796 = arith.addi %mul3A_3, %add3A_795 : vector<16xi32>
      tpu.vector_store_idx %arg6[%add3A_796], %bitcast3A_792 {add = true} : memref<16384xf32, #tpu.memory_space<vmem>>[vector<16xi32>], vector<16xf32>,
      %slice3A_797 = vector.extract_strided_slice %get3A_17 {offsets = [14], sizes = [1], strides = [1]} : vector<16xi32> to vector<1xi32>
      %squeeze3A_798 = vector.extract %slice3A_797[0] : i32 from vector<1xi32>
      %mul3A_799 = arith.constant 16 : i32
      %mul3A_800 = arith.muli %scan3A_14, %mul3A_799 : i32
      %add3A_801 = arith.constant 14 : i32
      %add3A_802 = arith.addi %mul3A_800, %add3A_801 : i32
      %mul3A_803 = arith.constant 32 : i32
      %mul3A_804 = arith.muli %add3A_802, %mul3A_803 : i32
      %add3A_805 = arith.constant 0 : i32
      %add3A_806 = arith.addi %mul3A_804, %add3A_805 : i32
      %get3A_807 = arith.index_cast %add3A_806 : i32 to index
      %get3A_808 = tpu.vector_load %arg5[%get3A_807] {strides = array<i32>} : memref<16384xf32, #tpu.memory_space<vmem>>, vector<16xf32>,
      %bitcast3A_809 = vector.bitcast %get3A_808 : vector<16xf32> to vector<16xi32>
      %add3A_810 = arith.constant 32767 : i32
      %add3A_811 = vector.broadcast %add3A_810 : i32 to vector<16xi32>
      %add3A_812 = arith.addi %bitcast3A_809, %add3A_811 : vector<16xi32>
      %shift_right_logical3A_813 = arith.constant 16 : i32
      %shift_right_logical3A_814 = vector.broadcast %shift_right_logical3A_813 : i32 to vector<16xi32>
      %shift_right_logical3A_815 = arith.shrui %bitcast3A_809, %shift_right_logical3A_814 : vector<16xi32>
      %and3A_816 = arith.constant 1 : i32
      %and3A_817 = vector.broadcast %and3A_816 : i32 to vector<16xi32>
      %and3A_818 = arith.andi %shift_right_logical3A_815, %and3A_817 : vector<16xi32>
      %add3A_819 = arith.addi %add3A_812, %and3A_818 : vector<16xi32>
      %and3A_820 = arith.constant -65536 : i32
      %and3A_821 = vector.broadcast %and3A_820 : i32 to vector<16xi32>
      %and3A_822 = arith.andi %add3A_819, %and3A_821 : vector<16xi32>
      %bitcast3A_823 = vector.bitcast %and3A_822 : vector<16xi32> to vector<16xf32>
      %add3A_824 = arith.constant 0 : i32
      %add3A_825 = arith.addi %add3A_824, %squeeze3A_798 : i32
      %add3A_826 = vector.broadcast %add3A_825 : i32 to vector<16xi32>
      %add3A_827 = arith.addi %mul3A_3, %add3A_826 : vector<16xi32>
      tpu.vector_store_idx %arg6[%add3A_827], %bitcast3A_823 {add = true} : memref<16384xf32, #tpu.memory_space<vmem>>[vector<16xi32>], vector<16xf32>,
      %mul3A_828 = arith.constant 32 : i32
      %mul3A_829 = arith.muli %add3A_802, %mul3A_828 : i32
      %add3A_830 = arith.constant 16 : i32
      %add3A_831 = arith.addi %mul3A_829, %add3A_830 : i32
      %get3A_832 = arith.index_cast %add3A_831 : i32 to index
      %get3A_833 = tpu.vector_load %arg5[%get3A_832] {strides = array<i32>} : memref<16384xf32, #tpu.memory_space<vmem>>, vector<16xf32>,
      %bitcast3A_834 = vector.bitcast %get3A_833 : vector<16xf32> to vector<16xi32>
      %add3A_835 = arith.constant 32767 : i32
      %add3A_836 = vector.broadcast %add3A_835 : i32 to vector<16xi32>
      %add3A_837 = arith.addi %bitcast3A_834, %add3A_836 : vector<16xi32>
      %shift_right_logical3A_838 = arith.constant 16 : i32
      %shift_right_logical3A_839 = vector.broadcast %shift_right_logical3A_838 : i32 to vector<16xi32>
      %shift_right_logical3A_840 = arith.shrui %bitcast3A_834, %shift_right_logical3A_839 : vector<16xi32>
      %and3A_841 = arith.constant 1 : i32
      %and3A_842 = vector.broadcast %and3A_841 : i32 to vector<16xi32>
      %and3A_843 = arith.andi %shift_right_logical3A_840, %and3A_842 : vector<16xi32>
      %add3A_844 = arith.addi %add3A_837, %and3A_843 : vector<16xi32>
      %and3A_845 = arith.constant -65536 : i32
      %and3A_846 = vector.broadcast %and3A_845 : i32 to vector<16xi32>
      %and3A_847 = arith.andi %add3A_844, %and3A_846 : vector<16xi32>
      %bitcast3A_848 = vector.bitcast %and3A_847 : vector<16xi32> to vector<16xf32>
      %add3A_849 = arith.constant 8192 : i32
      %add3A_850 = arith.addi %add3A_849, %squeeze3A_798 : i32
      %add3A_851 = vector.broadcast %add3A_850 : i32 to vector<16xi32>
      %add3A_852 = arith.addi %mul3A_3, %add3A_851 : vector<16xi32>
      tpu.vector_store_idx %arg6[%add3A_852], %bitcast3A_848 {add = true} : memref<16384xf32, #tpu.memory_space<vmem>>[vector<16xi32>], vector<16xf32>,
      %slice3A_853 = vector.extract_strided_slice %get3A_17 {offsets = [15], sizes = [1], strides = [1]} : vector<16xi32> to vector<1xi32>
      %squeeze3A_854 = vector.extract %slice3A_853[0] : i32 from vector<1xi32>
      %mul3A_855 = arith.constant 16 : i32
      %mul3A_856 = arith.muli %scan3A_14, %mul3A_855 : i32
      %add3A_857 = arith.constant 15 : i32
      %add3A_858 = arith.addi %mul3A_856, %add3A_857 : i32
      %mul3A_859 = arith.constant 32 : i32
      %mul3A_860 = arith.muli %add3A_858, %mul3A_859 : i32
      %add3A_861 = arith.constant 0 : i32
      %add3A_862 = arith.addi %mul3A_860, %add3A_861 : i32
      %get3A_863 = arith.index_cast %add3A_862 : i32 to index
      %get3A_864 = tpu.vector_load %arg5[%get3A_863] {strides = array<i32>} : memref<16384xf32, #tpu.memory_space<vmem>>, vector<16xf32>,
      %bitcast3A_865 = vector.bitcast %get3A_864 : vector<16xf32> to vector<16xi32>
      %add3A_866 = arith.constant 32767 : i32
      %add3A_867 = vector.broadcast %add3A_866 : i32 to vector<16xi32>
      %add3A_868 = arith.addi %bitcast3A_865, %add3A_867 : vector<16xi32>
      %shift_right_logical3A_869 = arith.constant 16 : i32
      %shift_right_logical3A_870 = vector.broadcast %shift_right_logical3A_869 : i32 to vector<16xi32>
      %shift_right_logical3A_871 = arith.shrui %bitcast3A_865, %shift_right_logical3A_870 : vector<16xi32>
      %and3A_872 = arith.constant 1 : i32
      %and3A_873 = vector.broadcast %and3A_872 : i32 to vector<16xi32>
      %and3A_874 = arith.andi %shift_right_logical3A_871, %and3A_873 : vector<16xi32>
      %add3A_875 = arith.addi %add3A_868, %and3A_874 : vector<16xi32>
      %and3A_876 = arith.constant -65536 : i32
      %and3A_877 = vector.broadcast %and3A_876 : i32 to vector<16xi32>
      %and3A_878 = arith.andi %add3A_875, %and3A_877 : vector<16xi32>
      %bitcast3A_879 = vector.bitcast %and3A_878 : vector<16xi32> to vector<16xf32>
      %add3A_880 = arith.constant 0 : i32
      %add3A_881 = arith.addi %add3A_880, %squeeze3A_854 : i32
      %add3A_882 = vector.broadcast %add3A_881 : i32 to vector<16xi32>
      %add3A_883 = arith.addi %mul3A_3, %add3A_882 : vector<16xi32>
      tpu.vector_store_idx %arg6[%add3A_883], %bitcast3A_879 {add = true} : memref<16384xf32, #tpu.memory_space<vmem>>[vector<16xi32>], vector<16xf32>,
      %mul3A_884 = arith.constant 32 : i32
      %mul3A_885 = arith.muli %add3A_858, %mul3A_884 : i32
      %add3A_886 = arith.constant 16 : i32
      %add3A_887 = arith.addi %mul3A_885, %add3A_886 : i32
      %get3A_888 = arith.index_cast %add3A_887 : i32 to index
      %get3A_889 = tpu.vector_load %arg5[%get3A_888] {strides = array<i32>} : memref<16384xf32, #tpu.memory_space<vmem>>, vector<16xf32>,
      %bitcast3A_890 = vector.bitcast %get3A_889 : vector<16xf32> to vector<16xi32>
      %add3A_891 = arith.constant 32767 : i32
      %add3A_892 = vector.broadcast %add3A_891 : i32 to vector<16xi32>
      %add3A_893 = arith.addi %bitcast3A_890, %add3A_892 : vector<16xi32>
      %shift_right_logical3A_894 = arith.constant 16 : i32
      %shift_right_logical3A_895 = vector.broadcast %shift_right_logical3A_894 : i32 to vector<16xi32>
      %shift_right_logical3A_896 = arith.shrui %bitcast3A_890, %shift_right_logical3A_895 : vector<16xi32>
      %and3A_897 = arith.constant 1 : i32
      %and3A_898 = vector.broadcast %and3A_897 : i32 to vector<16xi32>
      %and3A_899 = arith.andi %shift_right_logical3A_896, %and3A_898 : vector<16xi32>
      %add3A_900 = arith.addi %add3A_893, %and3A_899 : vector<16xi32>
      %and3A_901 = arith.constant -65536 : i32
      %and3A_902 = vector.broadcast %and3A_901 : i32 to vector<16xi32>
      %and3A_903 = arith.andi %add3A_900, %and3A_902 : vector<16xi32>
      %bitcast3A_904 = vector.bitcast %and3A_903 : vector<16xi32> to vector<16xf32>
      %add3A_905 = arith.constant 8192 : i32
      %add3A_906 = arith.addi %add3A_905, %squeeze3A_854 : i32
      %add3A_907 = vector.broadcast %add3A_906 : i32 to vector<16xi32>
      %add3A_908 = arith.addi %mul3A_3, %add3A_907 : vector<16xi32>
      tpu.vector_store_idx %arg6[%add3A_908], %bitcast3A_904 {add = true} : memref<16384xf32, #tpu.memory_space<vmem>>[vector<16xi32>], vector<16xf32>,
    }
    %scan3A_13 = arith.constant 32 : i32
    "tpu.region"() ({
      %run_scoped3A = tpu.sem_alloc : memref<!tpu.dma_semaphore, #tpu.memory_space<semaphore_mem>>
      %dma_start3A = arith.constant 0 : i32
      %dma_start3A_14 = tpu.memref_slice %arg4[%add3A, %dma_start3A] : memref<32x16384xf32, #tpu.memory_space<hbm>> -> memref<1x16384xf32, #tpu.memory_space<hbm>>
      %dma_start3A_15 = tpu.memref_squeeze %dma_start3A_14 : memref<1x16384xf32, #tpu.memory_space<hbm>> -> memref<16384xf32, #tpu.memory_space<hbm>>
      %dma_start3A_16 = arith.constant 0 : i32
      %dma_start3A_17 = tpu.memref_slice %arg4[%add3A, %dma_start3A_16] : memref<32x16384xf32, #tpu.memory_space<hbm>> -> memref<1x16384xf32, #tpu.memory_space<hbm>>
      %dma_start3A_18 = tpu.memref_squeeze %dma_start3A_17 : memref<1x16384xf32, #tpu.memory_space<hbm>> -> memref<16384xf32, #tpu.memory_space<hbm>>
      tpu.enqueue_dma source(%arg6 : memref<16384xf32, #tpu.memory_space<vmem>>) target(%dma_start3A_18 : memref<16384xf32, #tpu.memory_space<hbm>>) target_semaphore(%run_scoped3A : memref<!tpu.dma_semaphore, #tpu.memory_space<semaphore_mem>>)
      %dma_wait3A = arith.constant 0 : i32
      %dma_wait3A_19 = tpu.memref_slice %arg4[%add3A, %dma_wait3A] : memref<32x16384xf32, #tpu.memory_space<hbm>> -> memref<1x16384xf32, #tpu.memory_space<hbm>>
      %dma_wait3A_20 = tpu.memref_squeeze %dma_wait3A_19 : memref<1x16384xf32, #tpu.memory_space<hbm>> -> memref<16384xf32, #tpu.memory_space<hbm>>
      %dma_wait3A_21 = arith.constant 0 : i32
      %dma_wait3A_22 = tpu.memref_slice %arg4[%add3A, %dma_wait3A_21] : memref<32x16384xf32, #tpu.memory_space<hbm>> -> memref<1x16384xf32, #tpu.memory_space<hbm>>
      %dma_wait3A_23 = tpu.memref_squeeze %dma_wait3A_22 : memref<1x16384xf32, #tpu.memory_space<hbm>> -> memref<16384xf32, #tpu.memory_space<hbm>>
      tpu.wait_dma2 semaphore(%run_scoped3A : memref<!tpu.dma_semaphore, #tpu.memory_space<semaphore_mem>>) src(%arg6 : memref<16384xf32, #tpu.memory_space<vmem>>) dst(%dma_wait3A_23 : memref<16384xf32, #tpu.memory_space<hbm>>)
      tpu.yield
    }) : () -> ()
    return
  }
}

module attributes {stable_mosaic.version = 14 : i64} {
  func.func @_tc_kernel(%arg0: i32, %arg1: memref<1x128x512xf32, #tpu.memory_space<vmem>>, %arg2: memref<32x1x1x512xf32, #tpu.memory_space<vmem>>, %arg3: memref<32x128xf32, #tpu.memory_space<vmem>>, %arg4: memref<32x64xf32, #tpu.memory_space<vmem>>, %arg5: memref<32x64xi32, #tpu.memory_space<vmem>>, %arg6: memref<32x32x128xf32, #tpu.memory_space<vmem>>) attributes {dimension_semantics = [#tpu.dimension_semantics<arbitrary>], iteration_bounds = array<i64: 33>, scalar_prefetch = 0 : i64, scratch_operands = 1 : i64, tpu.core_type = #tpu.core_type<tc>, window_params = [{transform_indices = @transform_0, window_bounds = array<i64: 1, 128, 512>}, {transform_indices = @transform_1, window_bounds = array<i64: 32, 1, 1, 512>}, {pipeline_mode = #tpu.pipeline_mode<synchronous>, transform_indices = @transform_2, window_bounds = array<i64: 32, 128>}, {pipeline_mode = #tpu.pipeline_mode<synchronous>, transform_indices = @transform_3, window_bounds = array<i64: 32, 64>}, {pipeline_mode = #tpu.pipeline_mode<synchronous>, transform_indices = @transform_4, window_bounds = array<i64: 32, 64>}]} {
    %le3A = arith.constant 31 : i32
    %le3A_0 = arith.cmpi sle, %arg0, %le3A : i32
    %convert_element_type3A = arith.extui %le3A_0 : i1 to i32
    %cond3A = arith.constant 0 : i32
    %cond3A_1 = arith.cmpi ne, %convert_element_type3A, %cond3A : i32
    scf.if %cond3A_1 {
      %get3A = arith.constant 0 : index
      %get3A_6 = arith.constant 0 : index
      %get3A_7 = arith.constant 0 : index
      %get3A_8 = arith.constant 0 : index
      %get3A_9 = vector.load %arg2[%get3A, %get3A_6, %get3A_7, %get3A_8] : memref<32x1x1x512xf32, #tpu.memory_space<vmem>>, vector<32x1x1x512xf32>
      %get3A_10 = vector.shape_cast %get3A_9 : vector<32x1x1x512xf32> to vector<32x512xf32>
      %get3A_11 = arith.constant 0 : index
      %get3A_12 = arith.constant 0 : index
      %get3A_13 = arith.constant 0 : index
      %get3A_14 = vector.load %arg1[%get3A_11, %get3A_12, %get3A_13] : memref<1x128x512xf32, #tpu.memory_space<vmem>>, vector<1x128x512xf32>
      %get3A_15 = vector.shape_cast %get3A_14 : vector<1x128x512xf32> to vector<128x512xf32>
      %convert_element_type3A_16 = arith.truncf %get3A_15 : vector<128x512xf32> to vector<128x512xbf16>
      %convert_element_type3A_17 = arith.extf %convert_element_type3A_16 : vector<128x512xbf16> to vector<128x512xf32>
      %dot_general3A = arith.constant dense<0.000000e+00> : vector<32x128xf32>
      %dot_general3A_18 = tpu.matmul %get3A_10, %convert_element_type3A_17, %dot_general3A {dimension_numbers = #tpu.dot_dimension_numbers<[1], [1], [0], [0], [0, 0, 1, 0], [], []>, precision = #tpu.contract_precision<fp32>, transpose_lhs_hint = false} : vector<32x512xf32>, vector<128x512xf32>, vector<32x128xf32> -> vector<32x128xf32>
      %get3A_19 = arith.constant 0 : index
      %get3A_20 = arith.constant 0 : index
      %get3A_21 = vector.load %arg3[%get3A_19, %get3A_20] : memref<32x128xf32, #tpu.memory_space<vmem>>, vector<32x128xf32>
      %add3A = arith.addf %dot_general3A_18, %get3A_21 : vector<32x128xf32>
      %swap3A = arith.index_cast %arg0 : i32 to index
      %swap3A_22 = arith.constant 0 : index
      %swap3A_23 = arith.constant 0 : index
      %swap3A_24 = vector.load %arg6[%swap3A, %swap3A_22, %swap3A_23] : memref<32x32x128xf32, #tpu.memory_space<vmem>>, vector<1x32x128xf32>
      %swap3A_25 = vector.shape_cast %swap3A_24 : vector<1x32x128xf32> to vector<32x128xf32>
      %swap3A_26 = vector.shape_cast %add3A : vector<32x128xf32> to vector<1x32x128xf32>
      tpu.vector_store %arg6[%swap3A, %swap3A_22, %swap3A_23], %swap3A_26 {strides = array<i32>} : memref<32x32x128xf32, #tpu.memory_space<vmem>>, vector<1x32x128xf32>,
    } else {
    }
    %eq3A = arith.constant 32 : i32
    %eq3A_2 = arith.cmpi eq, %arg0, %eq3A : i32
    %convert_element_type3A_3 = arith.extui %eq3A_2 : i1 to i32
    %cond3A_4 = arith.constant 0 : i32
    %cond3A_5 = arith.cmpi ne, %convert_element_type3A_3, %cond3A_4 : i32
    scf.if %cond3A_5 {
      %get3A = arith.constant 0 : index
      %get3A_6 = arith.constant 0 : index
      %get3A_7 = arith.constant 0 : index
      %get3A_8 = vector.load %arg6[%get3A, %get3A_6, %get3A_7] : memref<32x32x128xf32, #tpu.memory_space<vmem>>, vector<32x32x128xf32>
      %iota3A = tpu.iota {dimensions = array<i32: 2>} : vector<32x32x128xi32>
      %mul3A = arith.constant 32 : i32
      %mul3A_9 = vector.broadcast %mul3A : i32 to vector<32x32x128xi32>
      %mul3A_10 = arith.muli %iota3A, %mul3A_9 : vector<32x32x128xi32>
      %iota3A_11 = tpu.iota {dimensions = array<i32: 1>} : vector<32x32x128xi32>
      %add3A = arith.addi %mul3A_10, %iota3A_11 : vector<32x32x128xi32>
      %iota3A_12 = tpu.iota {dimensions = array<i32: 1>} : vector<32x64xi32>
      %broadcast_in_dim3A = arith.constant 0.000000e+00 : f32
      %broadcast_in_dim3A_13 = vector.broadcast %broadcast_in_dim3A : f32 to vector<32x64xf32>
      %broadcast_in_dim3A_14 = arith.constant 0 : i32
      %broadcast_in_dim3A_15 = vector.broadcast %broadcast_in_dim3A_14 : i32 to vector<32x64xi32>
      %reduce_max3A = arith.constant dense<0xFF800000> : vector<32xf32>
      %reduce_max3A_16 = vector.multi_reduction <maximumf>, %get3A_8, %reduce_max3A [1, 2] : vector<32x32x128xf32> to vector<32xf32>
      %broadcast_in_dim3A_17 = vector.shape_cast %reduce_max3A_16 : vector<32xf32> to vector<32x1x1xf32>
      %eq3A_18 = vector.broadcast %broadcast_in_dim3A_17 : vector<32x1x1xf32> to vector<32x32x128xf32>
      %eq3A_19 = arith.cmpf oeq, %get3A_8, %eq3A_18 : vector<32x32x128xf32>
      %jit3A = arith.constant 4096 : i32
      %broadcast_in_dim3A_20 = vector.broadcast %jit3A : i32 to vector<32x32x128xi32>
      %select_n3A = arith.select %eq3A_19, %add3A, %broadcast_in_dim3A_20 : vector<32x32x128xi1>, vector<32x32x128xi32>
      %reduce_min3A = arith.constant dense<2147483647> : vector<32xi32>
      %reduce_min3A_21 = vector.multi_reduction <minsi>, %select_n3A, %reduce_min3A [1, 2] : vector<32x32x128xi32> to vector<32xi32>
      %broadcast_in_dim3A_22 = vector.shape_cast %reduce_min3A_21 : vector<32xi32> to vector<32x1x1xi32>
      %eq3A_23 = arith.constant 0 : i32
      %eq3A_24 = vector.broadcast %eq3A_23 : i32 to vector<32x64xi32>
      %eq3A_25 = arith.cmpi eq, %iota3A_12, %eq3A_24 : vector<32x64xi32>
      %squeeze3A = vector.shape_cast %broadcast_in_dim3A_17 : vector<32x1x1xf32> to vector<32x1xf32>
      %broadcast_in_dim3A_26 = vector.shape_cast %squeeze3A : vector<32x1xf32> to vector<32x1xf32>
      %broadcast_in_dim3A_27 = vector.broadcast %broadcast_in_dim3A_26 : vector<32x1xf32> to vector<32x64xf32>
      %select_n3A_28 = arith.select %eq3A_25, %broadcast_in_dim3A_27, %broadcast_in_dim3A_13 : vector<32x64xi1>, vector<32x64xf32>
      %eq3A_29 = arith.constant 0 : i32
      %eq3A_30 = vector.broadcast %eq3A_29 : i32 to vector<32x64xi32>
      %eq3A_31 = arith.cmpi eq, %iota3A_12, %eq3A_30 : vector<32x64xi32>
      %squeeze3A_32 = vector.shape_cast %broadcast_in_dim3A_22 : vector<32x1x1xi32> to vector<32x1xi32>
      %broadcast_in_dim3A_33 = vector.shape_cast %squeeze3A_32 : vector<32x1xi32> to vector<32x1xi32>
      %broadcast_in_dim3A_34 = vector.broadcast %broadcast_in_dim3A_33 : vector<32x1xi32> to vector<32x64xi32>
      %select_n3A_35 = arith.select %eq3A_31, %broadcast_in_dim3A_34, %broadcast_in_dim3A_15 : vector<32x64xi1>, vector<32x64xi32>
      %eq3A_36 = vector.broadcast %broadcast_in_dim3A_22 : vector<32x1x1xi32> to vector<32x32x128xi32>
      %eq3A_37 = arith.cmpi eq, %add3A, %eq3A_36 : vector<32x32x128xi32>
      %jit3A_38 = arith.constant 0xFF800000 : f32
      %broadcast_in_dim3A_39 = vector.broadcast %jit3A_38 : f32 to vector<32x32x128xf32>
      %select_n3A_40 = arith.select %eq3A_37, %broadcast_in_dim3A_39, %get3A_8 : vector<32x32x128xi1>, vector<32x32x128xf32>
      %reduce_max3A_41 = arith.constant dense<0xFF800000> : vector<32xf32>
      %reduce_max3A_42 = vector.multi_reduction <maximumf>, %select_n3A_40, %reduce_max3A_41 [1, 2] : vector<32x32x128xf32> to vector<32xf32>
      %broadcast_in_dim3A_43 = vector.shape_cast %reduce_max3A_42 : vector<32xf32> to vector<32x1x1xf32>
      %eq3A_44 = vector.broadcast %broadcast_in_dim3A_43 : vector<32x1x1xf32> to vector<32x32x128xf32>
      %eq3A_45 = arith.cmpf oeq, %select_n3A_40, %eq3A_44 : vector<32x32x128xf32>
      %jit3A_46 = arith.constant 4096 : i32
      %broadcast_in_dim3A_47 = vector.broadcast %jit3A_46 : i32 to vector<32x32x128xi32>
      %select_n3A_48 = arith.select %eq3A_45, %add3A, %broadcast_in_dim3A_47 : vector<32x32x128xi1>, vector<32x32x128xi32>
      %reduce_min3A_49 = arith.constant dense<2147483647> : vector<32xi32>
      %reduce_min3A_50 = vector.multi_reduction <minsi>, %select_n3A_48, %reduce_min3A_49 [1, 2] : vector<32x32x128xi32> to vector<32xi32>
      %broadcast_in_dim3A_51 = vector.shape_cast %reduce_min3A_50 : vector<32xi32> to vector<32x1x1xi32>
      %eq3A_52 = arith.constant 1 : i32
      %eq3A_53 = vector.broadcast %eq3A_52 : i32 to vector<32x64xi32>
      %eq3A_54 = arith.cmpi eq, %iota3A_12, %eq3A_53 : vector<32x64xi32>
      %squeeze3A_55 = vector.shape_cast %broadcast_in_dim3A_43 : vector<32x1x1xf32> to vector<32x1xf32>
      %broadcast_in_dim3A_56 = vector.shape_cast %squeeze3A_55 : vector<32x1xf32> to vector<32x1xf32>
      %broadcast_in_dim3A_57 = vector.broadcast %broadcast_in_dim3A_56 : vector<32x1xf32> to vector<32x64xf32>
      %select_n3A_58 = arith.select %eq3A_54, %broadcast_in_dim3A_57, %select_n3A_28 : vector<32x64xi1>, vector<32x64xf32>
      %eq3A_59 = arith.constant 1 : i32
      %eq3A_60 = vector.broadcast %eq3A_59 : i32 to vector<32x64xi32>
      %eq3A_61 = arith.cmpi eq, %iota3A_12, %eq3A_60 : vector<32x64xi32>
      %squeeze3A_62 = vector.shape_cast %broadcast_in_dim3A_51 : vector<32x1x1xi32> to vector<32x1xi32>
      %broadcast_in_dim3A_63 = vector.shape_cast %squeeze3A_62 : vector<32x1xi32> to vector<32x1xi32>
      %broadcast_in_dim3A_64 = vector.broadcast %broadcast_in_dim3A_63 : vector<32x1xi32> to vector<32x64xi32>
      %select_n3A_65 = arith.select %eq3A_61, %broadcast_in_dim3A_64, %select_n3A_35 : vector<32x64xi1>, vector<32x64xi32>
      %eq3A_66 = vector.broadcast %broadcast_in_dim3A_51 : vector<32x1x1xi32> to vector<32x32x128xi32>
      %eq3A_67 = arith.cmpi eq, %add3A, %eq3A_66 : vector<32x32x128xi32>
      %jit3A_68 = arith.constant 0xFF800000 : f32
      %broadcast_in_dim3A_69 = vector.broadcast %jit3A_68 : f32 to vector<32x32x128xf32>
      %select_n3A_70 = arith.select %eq3A_67, %broadcast_in_dim3A_69, %select_n3A_40 : vector<32x32x128xi1>, vector<32x32x128xf32>
      %reduce_max3A_71 = arith.constant dense<0xFF800000> : vector<32xf32>
      %reduce_max3A_72 = vector.multi_reduction <maximumf>, %select_n3A_70, %reduce_max3A_71 [1, 2] : vector<32x32x128xf32> to vector<32xf32>
      %broadcast_in_dim3A_73 = vector.shape_cast %reduce_max3A_72 : vector<32xf32> to vector<32x1x1xf32>
      %eq3A_74 = vector.broadcast %broadcast_in_dim3A_73 : vector<32x1x1xf32> to vector<32x32x128xf32>
      %eq3A_75 = arith.cmpf oeq, %select_n3A_70, %eq3A_74 : vector<32x32x128xf32>
      %jit3A_76 = arith.constant 4096 : i32
      %broadcast_in_dim3A_77 = vector.broadcast %jit3A_76 : i32 to vector<32x32x128xi32>
      %select_n3A_78 = arith.select %eq3A_75, %add3A, %broadcast_in_dim3A_77 : vector<32x32x128xi1>, vector<32x32x128xi32>
      %reduce_min3A_79 = arith.constant dense<2147483647> : vector<32xi32>
      %reduce_min3A_80 = vector.multi_reduction <minsi>, %select_n3A_78, %reduce_min3A_79 [1, 2] : vector<32x32x128xi32> to vector<32xi32>
      %broadcast_in_dim3A_81 = vector.shape_cast %reduce_min3A_80 : vector<32xi32> to vector<32x1x1xi32>
      %eq3A_82 = arith.constant 2 : i32
      %eq3A_83 = vector.broadcast %eq3A_82 : i32 to vector<32x64xi32>
      %eq3A_84 = arith.cmpi eq, %iota3A_12, %eq3A_83 : vector<32x64xi32>
      %squeeze3A_85 = vector.shape_cast %broadcast_in_dim3A_73 : vector<32x1x1xf32> to vector<32x1xf32>
      %broadcast_in_dim3A_86 = vector.shape_cast %squeeze3A_85 : vector<32x1xf32> to vector<32x1xf32>
      %broadcast_in_dim3A_87 = vector.broadcast %broadcast_in_dim3A_86 : vector<32x1xf32> to vector<32x64xf32>
      %select_n3A_88 = arith.select %eq3A_84, %broadcast_in_dim3A_87, %select_n3A_58 : vector<32x64xi1>, vector<32x64xf32>
      %eq3A_89 = arith.constant 2 : i32
      %eq3A_90 = vector.broadcast %eq3A_89 : i32 to vector<32x64xi32>
      %eq3A_91 = arith.cmpi eq, %iota3A_12, %eq3A_90 : vector<32x64xi32>
      %squeeze3A_92 = vector.shape_cast %broadcast_in_dim3A_81 : vector<32x1x1xi32> to vector<32x1xi32>
      %broadcast_in_dim3A_93 = vector.shape_cast %squeeze3A_92 : vector<32x1xi32> to vector<32x1xi32>
      %broadcast_in_dim3A_94 = vector.broadcast %broadcast_in_dim3A_93 : vector<32x1xi32> to vector<32x64xi32>
      %select_n3A_95 = arith.select %eq3A_91, %broadcast_in_dim3A_94, %select_n3A_65 : vector<32x64xi1>, vector<32x64xi32>
      %eq3A_96 = vector.broadcast %broadcast_in_dim3A_81 : vector<32x1x1xi32> to vector<32x32x128xi32>
      %eq3A_97 = arith.cmpi eq, %add3A, %eq3A_96 : vector<32x32x128xi32>
      %jit3A_98 = arith.constant 0xFF800000 : f32
      %broadcast_in_dim3A_99 = vector.broadcast %jit3A_98 : f32 to vector<32x32x128xf32>
      %select_n3A_100 = arith.select %eq3A_97, %broadcast_in_dim3A_99, %select_n3A_70 : vector<32x32x128xi1>, vector<32x32x128xf32>
      %reduce_max3A_101 = arith.constant dense<0xFF800000> : vector<32xf32>
      %reduce_max3A_102 = vector.multi_reduction <maximumf>, %select_n3A_100, %reduce_max3A_101 [1, 2] : vector<32x32x128xf32> to vector<32xf32>
      %broadcast_in_dim3A_103 = vector.shape_cast %reduce_max3A_102 : vector<32xf32> to vector<32x1x1xf32>
      %eq3A_104 = vector.broadcast %broadcast_in_dim3A_103 : vector<32x1x1xf32> to vector<32x32x128xf32>
      %eq3A_105 = arith.cmpf oeq, %select_n3A_100, %eq3A_104 : vector<32x32x128xf32>
      %jit3A_106 = arith.constant 4096 : i32
      %broadcast_in_dim3A_107 = vector.broadcast %jit3A_106 : i32 to vector<32x32x128xi32>
      %select_n3A_108 = arith.select %eq3A_105, %add3A, %broadcast_in_dim3A_107 : vector<32x32x128xi1>, vector<32x32x128xi32>
      %reduce_min3A_109 = arith.constant dense<2147483647> : vector<32xi32>
      %reduce_min3A_110 = vector.multi_reduction <minsi>, %select_n3A_108, %reduce_min3A_109 [1, 2] : vector<32x32x128xi32> to vector<32xi32>
      %broadcast_in_dim3A_111 = vector.shape_cast %reduce_min3A_110 : vector<32xi32> to vector<32x1x1xi32>
      %eq3A_112 = arith.constant 3 : i32
      %eq3A_113 = vector.broadcast %eq3A_112 : i32 to vector<32x64xi32>
      %eq3A_114 = arith.cmpi eq, %iota3A_12, %eq3A_113 : vector<32x64xi32>
      %squeeze3A_115 = vector.shape_cast %broadcast_in_dim3A_103 : vector<32x1x1xf32> to vector<32x1xf32>
      %broadcast_in_dim3A_116 = vector.shape_cast %squeeze3A_115 : vector<32x1xf32> to vector<32x1xf32>
      %broadcast_in_dim3A_117 = vector.broadcast %broadcast_in_dim3A_116 : vector<32x1xf32> to vector<32x64xf32>
      %select_n3A_118 = arith.select %eq3A_114, %broadcast_in_dim3A_117, %select_n3A_88 : vector<32x64xi1>, vector<32x64xf32>
      %eq3A_119 = arith.constant 3 : i32
      %eq3A_120 = vector.broadcast %eq3A_119 : i32 to vector<32x64xi32>
      %eq3A_121 = arith.cmpi eq, %iota3A_12, %eq3A_120 : vector<32x64xi32>
      %squeeze3A_122 = vector.shape_cast %broadcast_in_dim3A_111 : vector<32x1x1xi32> to vector<32x1xi32>
      %broadcast_in_dim3A_123 = vector.shape_cast %squeeze3A_122 : vector<32x1xi32> to vector<32x1xi32>
      %broadcast_in_dim3A_124 = vector.broadcast %broadcast_in_dim3A_123 : vector<32x1xi32> to vector<32x64xi32>
      %select_n3A_125 = arith.select %eq3A_121, %broadcast_in_dim3A_124, %select_n3A_95 : vector<32x64xi1>, vector<32x64xi32>
      %eq3A_126 = vector.broadcast %broadcast_in_dim3A_111 : vector<32x1x1xi32> to vector<32x32x128xi32>
      %eq3A_127 = arith.cmpi eq, %add3A, %eq3A_126 : vector<32x32x128xi32>
      %jit3A_128 = arith.constant 0xFF800000 : f32
      %broadcast_in_dim3A_129 = vector.broadcast %jit3A_128 : f32 to vector<32x32x128xf32>
      %select_n3A_130 = arith.select %eq3A_127, %broadcast_in_dim3A_129, %select_n3A_100 : vector<32x32x128xi1>, vector<32x32x128xf32>
      %reduce_max3A_131 = arith.constant dense<0xFF800000> : vector<32xf32>
      %reduce_max3A_132 = vector.multi_reduction <maximumf>, %select_n3A_130, %reduce_max3A_131 [1, 2] : vector<32x32x128xf32> to vector<32xf32>
      %broadcast_in_dim3A_133 = vector.shape_cast %reduce_max3A_132 : vector<32xf32> to vector<32x1x1xf32>
      %eq3A_134 = vector.broadcast %broadcast_in_dim3A_133 : vector<32x1x1xf32> to vector<32x32x128xf32>
      %eq3A_135 = arith.cmpf oeq, %select_n3A_130, %eq3A_134 : vector<32x32x128xf32>
      %jit3A_136 = arith.constant 4096 : i32
      %broadcast_in_dim3A_137 = vector.broadcast %jit3A_136 : i32 to vector<32x32x128xi32>
      %select_n3A_138 = arith.select %eq3A_135, %add3A, %broadcast_in_dim3A_137 : vector<32x32x128xi1>, vector<32x32x128xi32>
      %reduce_min3A_139 = arith.constant dense<2147483647> : vector<32xi32>
      %reduce_min3A_140 = vector.multi_reduction <minsi>, %select_n3A_138, %reduce_min3A_139 [1, 2] : vector<32x32x128xi32> to vector<32xi32>
      %broadcast_in_dim3A_141 = vector.shape_cast %reduce_min3A_140 : vector<32xi32> to vector<32x1x1xi32>
      %eq3A_142 = arith.constant 4 : i32
      %eq3A_143 = vector.broadcast %eq3A_142 : i32 to vector<32x64xi32>
      %eq3A_144 = arith.cmpi eq, %iota3A_12, %eq3A_143 : vector<32x64xi32>
      %squeeze3A_145 = vector.shape_cast %broadcast_in_dim3A_133 : vector<32x1x1xf32> to vector<32x1xf32>
      %broadcast_in_dim3A_146 = vector.shape_cast %squeeze3A_145 : vector<32x1xf32> to vector<32x1xf32>
      %broadcast_in_dim3A_147 = vector.broadcast %broadcast_in_dim3A_146 : vector<32x1xf32> to vector<32x64xf32>
      %select_n3A_148 = arith.select %eq3A_144, %broadcast_in_dim3A_147, %select_n3A_118 : vector<32x64xi1>, vector<32x64xf32>
      %eq3A_149 = arith.constant 4 : i32
      %eq3A_150 = vector.broadcast %eq3A_149 : i32 to vector<32x64xi32>
      %eq3A_151 = arith.cmpi eq, %iota3A_12, %eq3A_150 : vector<32x64xi32>
      %squeeze3A_152 = vector.shape_cast %broadcast_in_dim3A_141 : vector<32x1x1xi32> to vector<32x1xi32>
      %broadcast_in_dim3A_153 = vector.shape_cast %squeeze3A_152 : vector<32x1xi32> to vector<32x1xi32>
      %broadcast_in_dim3A_154 = vector.broadcast %broadcast_in_dim3A_153 : vector<32x1xi32> to vector<32x64xi32>
      %select_n3A_155 = arith.select %eq3A_151, %broadcast_in_dim3A_154, %select_n3A_125 : vector<32x64xi1>, vector<32x64xi32>
      %eq3A_156 = vector.broadcast %broadcast_in_dim3A_141 : vector<32x1x1xi32> to vector<32x32x128xi32>
      %eq3A_157 = arith.cmpi eq, %add3A, %eq3A_156 : vector<32x32x128xi32>
      %jit3A_158 = arith.constant 0xFF800000 : f32
      %broadcast_in_dim3A_159 = vector.broadcast %jit3A_158 : f32 to vector<32x32x128xf32>
      %select_n3A_160 = arith.select %eq3A_157, %broadcast_in_dim3A_159, %select_n3A_130 : vector<32x32x128xi1>, vector<32x32x128xf32>
      %reduce_max3A_161 = arith.constant dense<0xFF800000> : vector<32xf32>
      %reduce_max3A_162 = vector.multi_reduction <maximumf>, %select_n3A_160, %reduce_max3A_161 [1, 2] : vector<32x32x128xf32> to vector<32xf32>
      %broadcast_in_dim3A_163 = vector.shape_cast %reduce_max3A_162 : vector<32xf32> to vector<32x1x1xf32>
      %eq3A_164 = vector.broadcast %broadcast_in_dim3A_163 : vector<32x1x1xf32> to vector<32x32x128xf32>
      %eq3A_165 = arith.cmpf oeq, %select_n3A_160, %eq3A_164 : vector<32x32x128xf32>
      %jit3A_166 = arith.constant 4096 : i32
      %broadcast_in_dim3A_167 = vector.broadcast %jit3A_166 : i32 to vector<32x32x128xi32>
      %select_n3A_168 = arith.select %eq3A_165, %add3A, %broadcast_in_dim3A_167 : vector<32x32x128xi1>, vector<32x32x128xi32>
      %reduce_min3A_169 = arith.constant dense<2147483647> : vector<32xi32>
      %reduce_min3A_170 = vector.multi_reduction <minsi>, %select_n3A_168, %reduce_min3A_169 [1, 2] : vector<32x32x128xi32> to vector<32xi32>
      %broadcast_in_dim3A_171 = vector.shape_cast %reduce_min3A_170 : vector<32xi32> to vector<32x1x1xi32>
      %eq3A_172 = arith.constant 5 : i32
      %eq3A_173 = vector.broadcast %eq3A_172 : i32 to vector<32x64xi32>
      %eq3A_174 = arith.cmpi eq, %iota3A_12, %eq3A_173 : vector<32x64xi32>
      %squeeze3A_175 = vector.shape_cast %broadcast_in_dim3A_163 : vector<32x1x1xf32> to vector<32x1xf32>
      %broadcast_in_dim3A_176 = vector.shape_cast %squeeze3A_175 : vector<32x1xf32> to vector<32x1xf32>
      %broadcast_in_dim3A_177 = vector.broadcast %broadcast_in_dim3A_176 : vector<32x1xf32> to vector<32x64xf32>
      %select_n3A_178 = arith.select %eq3A_174, %broadcast_in_dim3A_177, %select_n3A_148 : vector<32x64xi1>, vector<32x64xf32>
      %eq3A_179 = arith.constant 5 : i32
      %eq3A_180 = vector.broadcast %eq3A_179 : i32 to vector<32x64xi32>
      %eq3A_181 = arith.cmpi eq, %iota3A_12, %eq3A_180 : vector<32x64xi32>
      %squeeze3A_182 = vector.shape_cast %broadcast_in_dim3A_171 : vector<32x1x1xi32> to vector<32x1xi32>
      %broadcast_in_dim3A_183 = vector.shape_cast %squeeze3A_182 : vector<32x1xi32> to vector<32x1xi32>
      %broadcast_in_dim3A_184 = vector.broadcast %broadcast_in_dim3A_183 : vector<32x1xi32> to vector<32x64xi32>
      %select_n3A_185 = arith.select %eq3A_181, %broadcast_in_dim3A_184, %select_n3A_155 : vector<32x64xi1>, vector<32x64xi32>
      %eq3A_186 = vector.broadcast %broadcast_in_dim3A_171 : vector<32x1x1xi32> to vector<32x32x128xi32>
      %eq3A_187 = arith.cmpi eq, %add3A, %eq3A_186 : vector<32x32x128xi32>
      %jit3A_188 = arith.constant 0xFF800000 : f32
      %broadcast_in_dim3A_189 = vector.broadcast %jit3A_188 : f32 to vector<32x32x128xf32>
      %select_n3A_190 = arith.select %eq3A_187, %broadcast_in_dim3A_189, %select_n3A_160 : vector<32x32x128xi1>, vector<32x32x128xf32>
      %reduce_max3A_191 = arith.constant dense<0xFF800000> : vector<32xf32>
      %reduce_max3A_192 = vector.multi_reduction <maximumf>, %select_n3A_190, %reduce_max3A_191 [1, 2] : vector<32x32x128xf32> to vector<32xf32>
      %broadcast_in_dim3A_193 = vector.shape_cast %reduce_max3A_192 : vector<32xf32> to vector<32x1x1xf32>
      %eq3A_194 = vector.broadcast %broadcast_in_dim3A_193 : vector<32x1x1xf32> to vector<32x32x128xf32>
      %eq3A_195 = arith.cmpf oeq, %select_n3A_190, %eq3A_194 : vector<32x32x128xf32>
      %jit3A_196 = arith.constant 4096 : i32
      %broadcast_in_dim3A_197 = vector.broadcast %jit3A_196 : i32 to vector<32x32x128xi32>
      %select_n3A_198 = arith.select %eq3A_195, %add3A, %broadcast_in_dim3A_197 : vector<32x32x128xi1>, vector<32x32x128xi32>
      %reduce_min3A_199 = arith.constant dense<2147483647> : vector<32xi32>
      %reduce_min3A_200 = vector.multi_reduction <minsi>, %select_n3A_198, %reduce_min3A_199 [1, 2] : vector<32x32x128xi32> to vector<32xi32>
      %broadcast_in_dim3A_201 = vector.shape_cast %reduce_min3A_200 : vector<32xi32> to vector<32x1x1xi32>
      %eq3A_202 = arith.constant 6 : i32
      %eq3A_203 = vector.broadcast %eq3A_202 : i32 to vector<32x64xi32>
      %eq3A_204 = arith.cmpi eq, %iota3A_12, %eq3A_203 : vector<32x64xi32>
      %squeeze3A_205 = vector.shape_cast %broadcast_in_dim3A_193 : vector<32x1x1xf32> to vector<32x1xf32>
      %broadcast_in_dim3A_206 = vector.shape_cast %squeeze3A_205 : vector<32x1xf32> to vector<32x1xf32>
      %broadcast_in_dim3A_207 = vector.broadcast %broadcast_in_dim3A_206 : vector<32x1xf32> to vector<32x64xf32>
      %select_n3A_208 = arith.select %eq3A_204, %broadcast_in_dim3A_207, %select_n3A_178 : vector<32x64xi1>, vector<32x64xf32>
      %eq3A_209 = arith.constant 6 : i32
      %eq3A_210 = vector.broadcast %eq3A_209 : i32 to vector<32x64xi32>
      %eq3A_211 = arith.cmpi eq, %iota3A_12, %eq3A_210 : vector<32x64xi32>
      %squeeze3A_212 = vector.shape_cast %broadcast_in_dim3A_201 : vector<32x1x1xi32> to vector<32x1xi32>
      %broadcast_in_dim3A_213 = vector.shape_cast %squeeze3A_212 : vector<32x1xi32> to vector<32x1xi32>
      %broadcast_in_dim3A_214 = vector.broadcast %broadcast_in_dim3A_213 : vector<32x1xi32> to vector<32x64xi32>
      %select_n3A_215 = arith.select %eq3A_211, %broadcast_in_dim3A_214, %select_n3A_185 : vector<32x64xi1>, vector<32x64xi32>
      %eq3A_216 = vector.broadcast %broadcast_in_dim3A_201 : vector<32x1x1xi32> to vector<32x32x128xi32>
      %eq3A_217 = arith.cmpi eq, %add3A, %eq3A_216 : vector<32x32x128xi32>
      %jit3A_218 = arith.constant 0xFF800000 : f32
      %broadcast_in_dim3A_219 = vector.broadcast %jit3A_218 : f32 to vector<32x32x128xf32>
      %select_n3A_220 = arith.select %eq3A_217, %broadcast_in_dim3A_219, %select_n3A_190 : vector<32x32x128xi1>, vector<32x32x128xf32>
      %reduce_max3A_221 = arith.constant dense<0xFF800000> : vector<32xf32>
      %reduce_max3A_222 = vector.multi_reduction <maximumf>, %select_n3A_220, %reduce_max3A_221 [1, 2] : vector<32x32x128xf32> to vector<32xf32>
      %broadcast_in_dim3A_223 = vector.shape_cast %reduce_max3A_222 : vector<32xf32> to vector<32x1x1xf32>
      %eq3A_224 = vector.broadcast %broadcast_in_dim3A_223 : vector<32x1x1xf32> to vector<32x32x128xf32>
      %eq3A_225 = arith.cmpf oeq, %select_n3A_220, %eq3A_224 : vector<32x32x128xf32>
      %jit3A_226 = arith.constant 4096 : i32
      %broadcast_in_dim3A_227 = vector.broadcast %jit3A_226 : i32 to vector<32x32x128xi32>
      %select_n3A_228 = arith.select %eq3A_225, %add3A, %broadcast_in_dim3A_227 : vector<32x32x128xi1>, vector<32x32x128xi32>
      %reduce_min3A_229 = arith.constant dense<2147483647> : vector<32xi32>
      %reduce_min3A_230 = vector.multi_reduction <minsi>, %select_n3A_228, %reduce_min3A_229 [1, 2] : vector<32x32x128xi32> to vector<32xi32>
      %broadcast_in_dim3A_231 = vector.shape_cast %reduce_min3A_230 : vector<32xi32> to vector<32x1x1xi32>
      %eq3A_232 = arith.constant 7 : i32
      %eq3A_233 = vector.broadcast %eq3A_232 : i32 to vector<32x64xi32>
      %eq3A_234 = arith.cmpi eq, %iota3A_12, %eq3A_233 : vector<32x64xi32>
      %squeeze3A_235 = vector.shape_cast %broadcast_in_dim3A_223 : vector<32x1x1xf32> to vector<32x1xf32>
      %broadcast_in_dim3A_236 = vector.shape_cast %squeeze3A_235 : vector<32x1xf32> to vector<32x1xf32>
      %broadcast_in_dim3A_237 = vector.broadcast %broadcast_in_dim3A_236 : vector<32x1xf32> to vector<32x64xf32>
      %select_n3A_238 = arith.select %eq3A_234, %broadcast_in_dim3A_237, %select_n3A_208 : vector<32x64xi1>, vector<32x64xf32>
      %eq3A_239 = arith.constant 7 : i32
      %eq3A_240 = vector.broadcast %eq3A_239 : i32 to vector<32x64xi32>
      %eq3A_241 = arith.cmpi eq, %iota3A_12, %eq3A_240 : vector<32x64xi32>
      %squeeze3A_242 = vector.shape_cast %broadcast_in_dim3A_231 : vector<32x1x1xi32> to vector<32x1xi32>
      %broadcast_in_dim3A_243 = vector.shape_cast %squeeze3A_242 : vector<32x1xi32> to vector<32x1xi32>
      %broadcast_in_dim3A_244 = vector.broadcast %broadcast_in_dim3A_243 : vector<32x1xi32> to vector<32x64xi32>
      %select_n3A_245 = arith.select %eq3A_241, %broadcast_in_dim3A_244, %select_n3A_215 : vector<32x64xi1>, vector<32x64xi32>
      %eq3A_246 = vector.broadcast %broadcast_in_dim3A_231 : vector<32x1x1xi32> to vector<32x32x128xi32>
      %eq3A_247 = arith.cmpi eq, %add3A, %eq3A_246 : vector<32x32x128xi32>
      %jit3A_248 = arith.constant 0xFF800000 : f32
      %broadcast_in_dim3A_249 = vector.broadcast %jit3A_248 : f32 to vector<32x32x128xf32>
      %select_n3A_250 = arith.select %eq3A_247, %broadcast_in_dim3A_249, %select_n3A_220 : vector<32x32x128xi1>, vector<32x32x128xf32>
      %reduce_max3A_251 = arith.constant dense<0xFF800000> : vector<32xf32>
      %reduce_max3A_252 = vector.multi_reduction <maximumf>, %select_n3A_250, %reduce_max3A_251 [1, 2] : vector<32x32x128xf32> to vector<32xf32>
      %broadcast_in_dim3A_253 = vector.shape_cast %reduce_max3A_252 : vector<32xf32> to vector<32x1x1xf32>
      %eq3A_254 = vector.broadcast %broadcast_in_dim3A_253 : vector<32x1x1xf32> to vector<32x32x128xf32>
      %eq3A_255 = arith.cmpf oeq, %select_n3A_250, %eq3A_254 : vector<32x32x128xf32>
      %jit3A_256 = arith.constant 4096 : i32
      %broadcast_in_dim3A_257 = vector.broadcast %jit3A_256 : i32 to vector<32x32x128xi32>
      %select_n3A_258 = arith.select %eq3A_255, %add3A, %broadcast_in_dim3A_257 : vector<32x32x128xi1>, vector<32x32x128xi32>
      %reduce_min3A_259 = arith.constant dense<2147483647> : vector<32xi32>
      %reduce_min3A_260 = vector.multi_reduction <minsi>, %select_n3A_258, %reduce_min3A_259 [1, 2] : vector<32x32x128xi32> to vector<32xi32>
      %broadcast_in_dim3A_261 = vector.shape_cast %reduce_min3A_260 : vector<32xi32> to vector<32x1x1xi32>
      %eq3A_262 = arith.constant 8 : i32
      %eq3A_263 = vector.broadcast %eq3A_262 : i32 to vector<32x64xi32>
      %eq3A_264 = arith.cmpi eq, %iota3A_12, %eq3A_263 : vector<32x64xi32>
      %squeeze3A_265 = vector.shape_cast %broadcast_in_dim3A_253 : vector<32x1x1xf32> to vector<32x1xf32>
      %broadcast_in_dim3A_266 = vector.shape_cast %squeeze3A_265 : vector<32x1xf32> to vector<32x1xf32>
      %broadcast_in_dim3A_267 = vector.broadcast %broadcast_in_dim3A_266 : vector<32x1xf32> to vector<32x64xf32>
      %select_n3A_268 = arith.select %eq3A_264, %broadcast_in_dim3A_267, %select_n3A_238 : vector<32x64xi1>, vector<32x64xf32>
      %eq3A_269 = arith.constant 8 : i32
      %eq3A_270 = vector.broadcast %eq3A_269 : i32 to vector<32x64xi32>
      %eq3A_271 = arith.cmpi eq, %iota3A_12, %eq3A_270 : vector<32x64xi32>
      %squeeze3A_272 = vector.shape_cast %broadcast_in_dim3A_261 : vector<32x1x1xi32> to vector<32x1xi32>
      %broadcast_in_dim3A_273 = vector.shape_cast %squeeze3A_272 : vector<32x1xi32> to vector<32x1xi32>
      %broadcast_in_dim3A_274 = vector.broadcast %broadcast_in_dim3A_273 : vector<32x1xi32> to vector<32x64xi32>
      %select_n3A_275 = arith.select %eq3A_271, %broadcast_in_dim3A_274, %select_n3A_245 : vector<32x64xi1>, vector<32x64xi32>
      %eq3A_276 = vector.broadcast %broadcast_in_dim3A_261 : vector<32x1x1xi32> to vector<32x32x128xi32>
      %eq3A_277 = arith.cmpi eq, %add3A, %eq3A_276 : vector<32x32x128xi32>
      %jit3A_278 = arith.constant 0xFF800000 : f32
      %broadcast_in_dim3A_279 = vector.broadcast %jit3A_278 : f32 to vector<32x32x128xf32>
      %select_n3A_280 = arith.select %eq3A_277, %broadcast_in_dim3A_279, %select_n3A_250 : vector<32x32x128xi1>, vector<32x32x128xf32>
      %reduce_max3A_281 = arith.constant dense<0xFF800000> : vector<32xf32>
      %reduce_max3A_282 = vector.multi_reduction <maximumf>, %select_n3A_280, %reduce_max3A_281 [1, 2] : vector<32x32x128xf32> to vector<32xf32>
      %broadcast_in_dim3A_283 = vector.shape_cast %reduce_max3A_282 : vector<32xf32> to vector<32x1x1xf32>
      %eq3A_284 = vector.broadcast %broadcast_in_dim3A_283 : vector<32x1x1xf32> to vector<32x32x128xf32>
      %eq3A_285 = arith.cmpf oeq, %select_n3A_280, %eq3A_284 : vector<32x32x128xf32>
      %jit3A_286 = arith.constant 4096 : i32
      %broadcast_in_dim3A_287 = vector.broadcast %jit3A_286 : i32 to vector<32x32x128xi32>
      %select_n3A_288 = arith.select %eq3A_285, %add3A, %broadcast_in_dim3A_287 : vector<32x32x128xi1>, vector<32x32x128xi32>
      %reduce_min3A_289 = arith.constant dense<2147483647> : vector<32xi32>
      %reduce_min3A_290 = vector.multi_reduction <minsi>, %select_n3A_288, %reduce_min3A_289 [1, 2] : vector<32x32x128xi32> to vector<32xi32>
      %broadcast_in_dim3A_291 = vector.shape_cast %reduce_min3A_290 : vector<32xi32> to vector<32x1x1xi32>
      %eq3A_292 = arith.constant 9 : i32
      %eq3A_293 = vector.broadcast %eq3A_292 : i32 to vector<32x64xi32>
      %eq3A_294 = arith.cmpi eq, %iota3A_12, %eq3A_293 : vector<32x64xi32>
      %squeeze3A_295 = vector.shape_cast %broadcast_in_dim3A_283 : vector<32x1x1xf32> to vector<32x1xf32>
      %broadcast_in_dim3A_296 = vector.shape_cast %squeeze3A_295 : vector<32x1xf32> to vector<32x1xf32>
      %broadcast_in_dim3A_297 = vector.broadcast %broadcast_in_dim3A_296 : vector<32x1xf32> to vector<32x64xf32>
      %select_n3A_298 = arith.select %eq3A_294, %broadcast_in_dim3A_297, %select_n3A_268 : vector<32x64xi1>, vector<32x64xf32>
      %eq3A_299 = arith.constant 9 : i32
      %eq3A_300 = vector.broadcast %eq3A_299 : i32 to vector<32x64xi32>
      %eq3A_301 = arith.cmpi eq, %iota3A_12, %eq3A_300 : vector<32x64xi32>
      %squeeze3A_302 = vector.shape_cast %broadcast_in_dim3A_291 : vector<32x1x1xi32> to vector<32x1xi32>
      %broadcast_in_dim3A_303 = vector.shape_cast %squeeze3A_302 : vector<32x1xi32> to vector<32x1xi32>
      %broadcast_in_dim3A_304 = vector.broadcast %broadcast_in_dim3A_303 : vector<32x1xi32> to vector<32x64xi32>
      %select_n3A_305 = arith.select %eq3A_301, %broadcast_in_dim3A_304, %select_n3A_275 : vector<32x64xi1>, vector<32x64xi32>
      %eq3A_306 = vector.broadcast %broadcast_in_dim3A_291 : vector<32x1x1xi32> to vector<32x32x128xi32>
      %eq3A_307 = arith.cmpi eq, %add3A, %eq3A_306 : vector<32x32x128xi32>
      %jit3A_308 = arith.constant 0xFF800000 : f32
      %broadcast_in_dim3A_309 = vector.broadcast %jit3A_308 : f32 to vector<32x32x128xf32>
      %select_n3A_310 = arith.select %eq3A_307, %broadcast_in_dim3A_309, %select_n3A_280 : vector<32x32x128xi1>, vector<32x32x128xf32>
      %reduce_max3A_311 = arith.constant dense<0xFF800000> : vector<32xf32>
      %reduce_max3A_312 = vector.multi_reduction <maximumf>, %select_n3A_310, %reduce_max3A_311 [1, 2] : vector<32x32x128xf32> to vector<32xf32>
      %broadcast_in_dim3A_313 = vector.shape_cast %reduce_max3A_312 : vector<32xf32> to vector<32x1x1xf32>
      %eq3A_314 = vector.broadcast %broadcast_in_dim3A_313 : vector<32x1x1xf32> to vector<32x32x128xf32>
      %eq3A_315 = arith.cmpf oeq, %select_n3A_310, %eq3A_314 : vector<32x32x128xf32>
      %jit3A_316 = arith.constant 4096 : i32
      %broadcast_in_dim3A_317 = vector.broadcast %jit3A_316 : i32 to vector<32x32x128xi32>
      %select_n3A_318 = arith.select %eq3A_315, %add3A, %broadcast_in_dim3A_317 : vector<32x32x128xi1>, vector<32x32x128xi32>
      %reduce_min3A_319 = arith.constant dense<2147483647> : vector<32xi32>
      %reduce_min3A_320 = vector.multi_reduction <minsi>, %select_n3A_318, %reduce_min3A_319 [1, 2] : vector<32x32x128xi32> to vector<32xi32>
      %broadcast_in_dim3A_321 = vector.shape_cast %reduce_min3A_320 : vector<32xi32> to vector<32x1x1xi32>
      %eq3A_322 = arith.constant 10 : i32
      %eq3A_323 = vector.broadcast %eq3A_322 : i32 to vector<32x64xi32>
      %eq3A_324 = arith.cmpi eq, %iota3A_12, %eq3A_323 : vector<32x64xi32>
      %squeeze3A_325 = vector.shape_cast %broadcast_in_dim3A_313 : vector<32x1x1xf32> to vector<32x1xf32>
      %broadcast_in_dim3A_326 = vector.shape_cast %squeeze3A_325 : vector<32x1xf32> to vector<32x1xf32>
      %broadcast_in_dim3A_327 = vector.broadcast %broadcast_in_dim3A_326 : vector<32x1xf32> to vector<32x64xf32>
      %select_n3A_328 = arith.select %eq3A_324, %broadcast_in_dim3A_327, %select_n3A_298 : vector<32x64xi1>, vector<32x64xf32>
      %eq3A_329 = arith.constant 10 : i32
      %eq3A_330 = vector.broadcast %eq3A_329 : i32 to vector<32x64xi32>
      %eq3A_331 = arith.cmpi eq, %iota3A_12, %eq3A_330 : vector<32x64xi32>
      %squeeze3A_332 = vector.shape_cast %broadcast_in_dim3A_321 : vector<32x1x1xi32> to vector<32x1xi32>
      %broadcast_in_dim3A_333 = vector.shape_cast %squeeze3A_332 : vector<32x1xi32> to vector<32x1xi32>
      %broadcast_in_dim3A_334 = vector.broadcast %broadcast_in_dim3A_333 : vector<32x1xi32> to vector<32x64xi32>
      %select_n3A_335 = arith.select %eq3A_331, %broadcast_in_dim3A_334, %select_n3A_305 : vector<32x64xi1>, vector<32x64xi32>
      %eq3A_336 = vector.broadcast %broadcast_in_dim3A_321 : vector<32x1x1xi32> to vector<32x32x128xi32>
      %eq3A_337 = arith.cmpi eq, %add3A, %eq3A_336 : vector<32x32x128xi32>
      %jit3A_338 = arith.constant 0xFF800000 : f32
      %broadcast_in_dim3A_339 = vector.broadcast %jit3A_338 : f32 to vector<32x32x128xf32>
      %select_n3A_340 = arith.select %eq3A_337, %broadcast_in_dim3A_339, %select_n3A_310 : vector<32x32x128xi1>, vector<32x32x128xf32>
      %reduce_max3A_341 = arith.constant dense<0xFF800000> : vector<32xf32>
      %reduce_max3A_342 = vector.multi_reduction <maximumf>, %select_n3A_340, %reduce_max3A_341 [1, 2] : vector<32x32x128xf32> to vector<32xf32>
      %broadcast_in_dim3A_343 = vector.shape_cast %reduce_max3A_342 : vector<32xf32> to vector<32x1x1xf32>
      %eq3A_344 = vector.broadcast %broadcast_in_dim3A_343 : vector<32x1x1xf32> to vector<32x32x128xf32>
      %eq3A_345 = arith.cmpf oeq, %select_n3A_340, %eq3A_344 : vector<32x32x128xf32>
      %jit3A_346 = arith.constant 4096 : i32
      %broadcast_in_dim3A_347 = vector.broadcast %jit3A_346 : i32 to vector<32x32x128xi32>
      %select_n3A_348 = arith.select %eq3A_345, %add3A, %broadcast_in_dim3A_347 : vector<32x32x128xi1>, vector<32x32x128xi32>
      %reduce_min3A_349 = arith.constant dense<2147483647> : vector<32xi32>
      %reduce_min3A_350 = vector.multi_reduction <minsi>, %select_n3A_348, %reduce_min3A_349 [1, 2] : vector<32x32x128xi32> to vector<32xi32>
      %broadcast_in_dim3A_351 = vector.shape_cast %reduce_min3A_350 : vector<32xi32> to vector<32x1x1xi32>
      %eq3A_352 = arith.constant 11 : i32
      %eq3A_353 = vector.broadcast %eq3A_352 : i32 to vector<32x64xi32>
      %eq3A_354 = arith.cmpi eq, %iota3A_12, %eq3A_353 : vector<32x64xi32>
      %squeeze3A_355 = vector.shape_cast %broadcast_in_dim3A_343 : vector<32x1x1xf32> to vector<32x1xf32>
      %broadcast_in_dim3A_356 = vector.shape_cast %squeeze3A_355 : vector<32x1xf32> to vector<32x1xf32>
      %broadcast_in_dim3A_357 = vector.broadcast %broadcast_in_dim3A_356 : vector<32x1xf32> to vector<32x64xf32>
      %select_n3A_358 = arith.select %eq3A_354, %broadcast_in_dim3A_357, %select_n3A_328 : vector<32x64xi1>, vector<32x64xf32>
      %eq3A_359 = arith.constant 11 : i32
      %eq3A_360 = vector.broadcast %eq3A_359 : i32 to vector<32x64xi32>
      %eq3A_361 = arith.cmpi eq, %iota3A_12, %eq3A_360 : vector<32x64xi32>
      %squeeze3A_362 = vector.shape_cast %broadcast_in_dim3A_351 : vector<32x1x1xi32> to vector<32x1xi32>
      %broadcast_in_dim3A_363 = vector.shape_cast %squeeze3A_362 : vector<32x1xi32> to vector<32x1xi32>
      %broadcast_in_dim3A_364 = vector.broadcast %broadcast_in_dim3A_363 : vector<32x1xi32> to vector<32x64xi32>
      %select_n3A_365 = arith.select %eq3A_361, %broadcast_in_dim3A_364, %select_n3A_335 : vector<32x64xi1>, vector<32x64xi32>
      %eq3A_366 = vector.broadcast %broadcast_in_dim3A_351 : vector<32x1x1xi32> to vector<32x32x128xi32>
      %eq3A_367 = arith.cmpi eq, %add3A, %eq3A_366 : vector<32x32x128xi32>
      %jit3A_368 = arith.constant 0xFF800000 : f32
      %broadcast_in_dim3A_369 = vector.broadcast %jit3A_368 : f32 to vector<32x32x128xf32>
      %select_n3A_370 = arith.select %eq3A_367, %broadcast_in_dim3A_369, %select_n3A_340 : vector<32x32x128xi1>, vector<32x32x128xf32>
      %reduce_max3A_371 = arith.constant dense<0xFF800000> : vector<32xf32>
      %reduce_max3A_372 = vector.multi_reduction <maximumf>, %select_n3A_370, %reduce_max3A_371 [1, 2] : vector<32x32x128xf32> to vector<32xf32>
      %broadcast_in_dim3A_373 = vector.shape_cast %reduce_max3A_372 : vector<32xf32> to vector<32x1x1xf32>
      %eq3A_374 = vector.broadcast %broadcast_in_dim3A_373 : vector<32x1x1xf32> to vector<32x32x128xf32>
      %eq3A_375 = arith.cmpf oeq, %select_n3A_370, %eq3A_374 : vector<32x32x128xf32>
      %jit3A_376 = arith.constant 4096 : i32
      %broadcast_in_dim3A_377 = vector.broadcast %jit3A_376 : i32 to vector<32x32x128xi32>
      %select_n3A_378 = arith.select %eq3A_375, %add3A, %broadcast_in_dim3A_377 : vector<32x32x128xi1>, vector<32x32x128xi32>
      %reduce_min3A_379 = arith.constant dense<2147483647> : vector<32xi32>
      %reduce_min3A_380 = vector.multi_reduction <minsi>, %select_n3A_378, %reduce_min3A_379 [1, 2] : vector<32x32x128xi32> to vector<32xi32>
      %broadcast_in_dim3A_381 = vector.shape_cast %reduce_min3A_380 : vector<32xi32> to vector<32x1x1xi32>
      %eq3A_382 = arith.constant 12 : i32
      %eq3A_383 = vector.broadcast %eq3A_382 : i32 to vector<32x64xi32>
      %eq3A_384 = arith.cmpi eq, %iota3A_12, %eq3A_383 : vector<32x64xi32>
      %squeeze3A_385 = vector.shape_cast %broadcast_in_dim3A_373 : vector<32x1x1xf32> to vector<32x1xf32>
      %broadcast_in_dim3A_386 = vector.shape_cast %squeeze3A_385 : vector<32x1xf32> to vector<32x1xf32>
      %broadcast_in_dim3A_387 = vector.broadcast %broadcast_in_dim3A_386 : vector<32x1xf32> to vector<32x64xf32>
      %select_n3A_388 = arith.select %eq3A_384, %broadcast_in_dim3A_387, %select_n3A_358 : vector<32x64xi1>, vector<32x64xf32>
      %eq3A_389 = arith.constant 12 : i32
      %eq3A_390 = vector.broadcast %eq3A_389 : i32 to vector<32x64xi32>
      %eq3A_391 = arith.cmpi eq, %iota3A_12, %eq3A_390 : vector<32x64xi32>
      %squeeze3A_392 = vector.shape_cast %broadcast_in_dim3A_381 : vector<32x1x1xi32> to vector<32x1xi32>
      %broadcast_in_dim3A_393 = vector.shape_cast %squeeze3A_392 : vector<32x1xi32> to vector<32x1xi32>
      %broadcast_in_dim3A_394 = vector.broadcast %broadcast_in_dim3A_393 : vector<32x1xi32> to vector<32x64xi32>
      %select_n3A_395 = arith.select %eq3A_391, %broadcast_in_dim3A_394, %select_n3A_365 : vector<32x64xi1>, vector<32x64xi32>
      %eq3A_396 = vector.broadcast %broadcast_in_dim3A_381 : vector<32x1x1xi32> to vector<32x32x128xi32>
      %eq3A_397 = arith.cmpi eq, %add3A, %eq3A_396 : vector<32x32x128xi32>
      %jit3A_398 = arith.constant 0xFF800000 : f32
      %broadcast_in_dim3A_399 = vector.broadcast %jit3A_398 : f32 to vector<32x32x128xf32>
      %select_n3A_400 = arith.select %eq3A_397, %broadcast_in_dim3A_399, %select_n3A_370 : vector<32x32x128xi1>, vector<32x32x128xf32>
      %reduce_max3A_401 = arith.constant dense<0xFF800000> : vector<32xf32>
      %reduce_max3A_402 = vector.multi_reduction <maximumf>, %select_n3A_400, %reduce_max3A_401 [1, 2] : vector<32x32x128xf32> to vector<32xf32>
      %broadcast_in_dim3A_403 = vector.shape_cast %reduce_max3A_402 : vector<32xf32> to vector<32x1x1xf32>
      %eq3A_404 = vector.broadcast %broadcast_in_dim3A_403 : vector<32x1x1xf32> to vector<32x32x128xf32>
      %eq3A_405 = arith.cmpf oeq, %select_n3A_400, %eq3A_404 : vector<32x32x128xf32>
      %jit3A_406 = arith.constant 4096 : i32
      %broadcast_in_dim3A_407 = vector.broadcast %jit3A_406 : i32 to vector<32x32x128xi32>
      %select_n3A_408 = arith.select %eq3A_405, %add3A, %broadcast_in_dim3A_407 : vector<32x32x128xi1>, vector<32x32x128xi32>
      %reduce_min3A_409 = arith.constant dense<2147483647> : vector<32xi32>
      %reduce_min3A_410 = vector.multi_reduction <minsi>, %select_n3A_408, %reduce_min3A_409 [1, 2] : vector<32x32x128xi32> to vector<32xi32>
      %broadcast_in_dim3A_411 = vector.shape_cast %reduce_min3A_410 : vector<32xi32> to vector<32x1x1xi32>
      %eq3A_412 = arith.constant 13 : i32
      %eq3A_413 = vector.broadcast %eq3A_412 : i32 to vector<32x64xi32>
      %eq3A_414 = arith.cmpi eq, %iota3A_12, %eq3A_413 : vector<32x64xi32>
      %squeeze3A_415 = vector.shape_cast %broadcast_in_dim3A_403 : vector<32x1x1xf32> to vector<32x1xf32>
      %broadcast_in_dim3A_416 = vector.shape_cast %squeeze3A_415 : vector<32x1xf32> to vector<32x1xf32>
      %broadcast_in_dim3A_417 = vector.broadcast %broadcast_in_dim3A_416 : vector<32x1xf32> to vector<32x64xf32>
      %select_n3A_418 = arith.select %eq3A_414, %broadcast_in_dim3A_417, %select_n3A_388 : vector<32x64xi1>, vector<32x64xf32>
      %eq3A_419 = arith.constant 13 : i32
      %eq3A_420 = vector.broadcast %eq3A_419 : i32 to vector<32x64xi32>
      %eq3A_421 = arith.cmpi eq, %iota3A_12, %eq3A_420 : vector<32x64xi32>
      %squeeze3A_422 = vector.shape_cast %broadcast_in_dim3A_411 : vector<32x1x1xi32> to vector<32x1xi32>
      %broadcast_in_dim3A_423 = vector.shape_cast %squeeze3A_422 : vector<32x1xi32> to vector<32x1xi32>
      %broadcast_in_dim3A_424 = vector.broadcast %broadcast_in_dim3A_423 : vector<32x1xi32> to vector<32x64xi32>
      %select_n3A_425 = arith.select %eq3A_421, %broadcast_in_dim3A_424, %select_n3A_395 : vector<32x64xi1>, vector<32x64xi32>
      %eq3A_426 = vector.broadcast %broadcast_in_dim3A_411 : vector<32x1x1xi32> to vector<32x32x128xi32>
      %eq3A_427 = arith.cmpi eq, %add3A, %eq3A_426 : vector<32x32x128xi32>
      %jit3A_428 = arith.constant 0xFF800000 : f32
      %broadcast_in_dim3A_429 = vector.broadcast %jit3A_428 : f32 to vector<32x32x128xf32>
      %select_n3A_430 = arith.select %eq3A_427, %broadcast_in_dim3A_429, %select_n3A_400 : vector<32x32x128xi1>, vector<32x32x128xf32>
      %reduce_max3A_431 = arith.constant dense<0xFF800000> : vector<32xf32>
      %reduce_max3A_432 = vector.multi_reduction <maximumf>, %select_n3A_430, %reduce_max3A_431 [1, 2] : vector<32x32x128xf32> to vector<32xf32>
      %broadcast_in_dim3A_433 = vector.shape_cast %reduce_max3A_432 : vector<32xf32> to vector<32x1x1xf32>
      %eq3A_434 = vector.broadcast %broadcast_in_dim3A_433 : vector<32x1x1xf32> to vector<32x32x128xf32>
      %eq3A_435 = arith.cmpf oeq, %select_n3A_430, %eq3A_434 : vector<32x32x128xf32>
      %jit3A_436 = arith.constant 4096 : i32
      %broadcast_in_dim3A_437 = vector.broadcast %jit3A_436 : i32 to vector<32x32x128xi32>
      %select_n3A_438 = arith.select %eq3A_435, %add3A, %broadcast_in_dim3A_437 : vector<32x32x128xi1>, vector<32x32x128xi32>
      %reduce_min3A_439 = arith.constant dense<2147483647> : vector<32xi32>
      %reduce_min3A_440 = vector.multi_reduction <minsi>, %select_n3A_438, %reduce_min3A_439 [1, 2] : vector<32x32x128xi32> to vector<32xi32>
      %broadcast_in_dim3A_441 = vector.shape_cast %reduce_min3A_440 : vector<32xi32> to vector<32x1x1xi32>
      %eq3A_442 = arith.constant 14 : i32
      %eq3A_443 = vector.broadcast %eq3A_442 : i32 to vector<32x64xi32>
      %eq3A_444 = arith.cmpi eq, %iota3A_12, %eq3A_443 : vector<32x64xi32>
      %squeeze3A_445 = vector.shape_cast %broadcast_in_dim3A_433 : vector<32x1x1xf32> to vector<32x1xf32>
      %broadcast_in_dim3A_446 = vector.shape_cast %squeeze3A_445 : vector<32x1xf32> to vector<32x1xf32>
      %broadcast_in_dim3A_447 = vector.broadcast %broadcast_in_dim3A_446 : vector<32x1xf32> to vector<32x64xf32>
      %select_n3A_448 = arith.select %eq3A_444, %broadcast_in_dim3A_447, %select_n3A_418 : vector<32x64xi1>, vector<32x64xf32>
      %eq3A_449 = arith.constant 14 : i32
      %eq3A_450 = vector.broadcast %eq3A_449 : i32 to vector<32x64xi32>
      %eq3A_451 = arith.cmpi eq, %iota3A_12, %eq3A_450 : vector<32x64xi32>
      %squeeze3A_452 = vector.shape_cast %broadcast_in_dim3A_441 : vector<32x1x1xi32> to vector<32x1xi32>
      %broadcast_in_dim3A_453 = vector.shape_cast %squeeze3A_452 : vector<32x1xi32> to vector<32x1xi32>
      %broadcast_in_dim3A_454 = vector.broadcast %broadcast_in_dim3A_453 : vector<32x1xi32> to vector<32x64xi32>
      %select_n3A_455 = arith.select %eq3A_451, %broadcast_in_dim3A_454, %select_n3A_425 : vector<32x64xi1>, vector<32x64xi32>
      %eq3A_456 = vector.broadcast %broadcast_in_dim3A_441 : vector<32x1x1xi32> to vector<32x32x128xi32>
      %eq3A_457 = arith.cmpi eq, %add3A, %eq3A_456 : vector<32x32x128xi32>
      %jit3A_458 = arith.constant 0xFF800000 : f32
      %broadcast_in_dim3A_459 = vector.broadcast %jit3A_458 : f32 to vector<32x32x128xf32>
      %select_n3A_460 = arith.select %eq3A_457, %broadcast_in_dim3A_459, %select_n3A_430 : vector<32x32x128xi1>, vector<32x32x128xf32>
      %reduce_max3A_461 = arith.constant dense<0xFF800000> : vector<32xf32>
      %reduce_max3A_462 = vector.multi_reduction <maximumf>, %select_n3A_460, %reduce_max3A_461 [1, 2] : vector<32x32x128xf32> to vector<32xf32>
      %broadcast_in_dim3A_463 = vector.shape_cast %reduce_max3A_462 : vector<32xf32> to vector<32x1x1xf32>
      %eq3A_464 = vector.broadcast %broadcast_in_dim3A_463 : vector<32x1x1xf32> to vector<32x32x128xf32>
      %eq3A_465 = arith.cmpf oeq, %select_n3A_460, %eq3A_464 : vector<32x32x128xf32>
      %jit3A_466 = arith.constant 4096 : i32
      %broadcast_in_dim3A_467 = vector.broadcast %jit3A_466 : i32 to vector<32x32x128xi32>
      %select_n3A_468 = arith.select %eq3A_465, %add3A, %broadcast_in_dim3A_467 : vector<32x32x128xi1>, vector<32x32x128xi32>
      %reduce_min3A_469 = arith.constant dense<2147483647> : vector<32xi32>
      %reduce_min3A_470 = vector.multi_reduction <minsi>, %select_n3A_468, %reduce_min3A_469 [1, 2] : vector<32x32x128xi32> to vector<32xi32>
      %broadcast_in_dim3A_471 = vector.shape_cast %reduce_min3A_470 : vector<32xi32> to vector<32x1x1xi32>
      %eq3A_472 = arith.constant 15 : i32
      %eq3A_473 = vector.broadcast %eq3A_472 : i32 to vector<32x64xi32>
      %eq3A_474 = arith.cmpi eq, %iota3A_12, %eq3A_473 : vector<32x64xi32>
      %squeeze3A_475 = vector.shape_cast %broadcast_in_dim3A_463 : vector<32x1x1xf32> to vector<32x1xf32>
      %broadcast_in_dim3A_476 = vector.shape_cast %squeeze3A_475 : vector<32x1xf32> to vector<32x1xf32>
      %broadcast_in_dim3A_477 = vector.broadcast %broadcast_in_dim3A_476 : vector<32x1xf32> to vector<32x64xf32>
      %select_n3A_478 = arith.select %eq3A_474, %broadcast_in_dim3A_477, %select_n3A_448 : vector<32x64xi1>, vector<32x64xf32>
      %eq3A_479 = arith.constant 15 : i32
      %eq3A_480 = vector.broadcast %eq3A_479 : i32 to vector<32x64xi32>
      %eq3A_481 = arith.cmpi eq, %iota3A_12, %eq3A_480 : vector<32x64xi32>
      %squeeze3A_482 = vector.shape_cast %broadcast_in_dim3A_471 : vector<32x1x1xi32> to vector<32x1xi32>
      %broadcast_in_dim3A_483 = vector.shape_cast %squeeze3A_482 : vector<32x1xi32> to vector<32x1xi32>
      %broadcast_in_dim3A_484 = vector.broadcast %broadcast_in_dim3A_483 : vector<32x1xi32> to vector<32x64xi32>
      %select_n3A_485 = arith.select %eq3A_481, %broadcast_in_dim3A_484, %select_n3A_455 : vector<32x64xi1>, vector<32x64xi32>
      %eq3A_486 = vector.broadcast %broadcast_in_dim3A_471 : vector<32x1x1xi32> to vector<32x32x128xi32>
      %eq3A_487 = arith.cmpi eq, %add3A, %eq3A_486 : vector<32x32x128xi32>
      %jit3A_488 = arith.constant 0xFF800000 : f32
      %broadcast_in_dim3A_489 = vector.broadcast %jit3A_488 : f32 to vector<32x32x128xf32>
      %select_n3A_490 = arith.select %eq3A_487, %broadcast_in_dim3A_489, %select_n3A_460 : vector<32x32x128xi1>, vector<32x32x128xf32>
      %reduce_max3A_491 = arith.constant dense<0xFF800000> : vector<32xf32>
      %reduce_max3A_492 = vector.multi_reduction <maximumf>, %select_n3A_490, %reduce_max3A_491 [1, 2] : vector<32x32x128xf32> to vector<32xf32>
      %broadcast_in_dim3A_493 = vector.shape_cast %reduce_max3A_492 : vector<32xf32> to vector<32x1x1xf32>
      %eq3A_494 = vector.broadcast %broadcast_in_dim3A_493 : vector<32x1x1xf32> to vector<32x32x128xf32>
      %eq3A_495 = arith.cmpf oeq, %select_n3A_490, %eq3A_494 : vector<32x32x128xf32>
      %jit3A_496 = arith.constant 4096 : i32
      %broadcast_in_dim3A_497 = vector.broadcast %jit3A_496 : i32 to vector<32x32x128xi32>
      %select_n3A_498 = arith.select %eq3A_495, %add3A, %broadcast_in_dim3A_497 : vector<32x32x128xi1>, vector<32x32x128xi32>
      %reduce_min3A_499 = arith.constant dense<2147483647> : vector<32xi32>
      %reduce_min3A_500 = vector.multi_reduction <minsi>, %select_n3A_498, %reduce_min3A_499 [1, 2] : vector<32x32x128xi32> to vector<32xi32>
      %broadcast_in_dim3A_501 = vector.shape_cast %reduce_min3A_500 : vector<32xi32> to vector<32x1x1xi32>
      %eq3A_502 = arith.constant 16 : i32
      %eq3A_503 = vector.broadcast %eq3A_502 : i32 to vector<32x64xi32>
      %eq3A_504 = arith.cmpi eq, %iota3A_12, %eq3A_503 : vector<32x64xi32>
      %squeeze3A_505 = vector.shape_cast %broadcast_in_dim3A_493 : vector<32x1x1xf32> to vector<32x1xf32>
      %broadcast_in_dim3A_506 = vector.shape_cast %squeeze3A_505 : vector<32x1xf32> to vector<32x1xf32>
      %broadcast_in_dim3A_507 = vector.broadcast %broadcast_in_dim3A_506 : vector<32x1xf32> to vector<32x64xf32>
      %select_n3A_508 = arith.select %eq3A_504, %broadcast_in_dim3A_507, %select_n3A_478 : vector<32x64xi1>, vector<32x64xf32>
      %eq3A_509 = arith.constant 16 : i32
      %eq3A_510 = vector.broadcast %eq3A_509 : i32 to vector<32x64xi32>
      %eq3A_511 = arith.cmpi eq, %iota3A_12, %eq3A_510 : vector<32x64xi32>
      %squeeze3A_512 = vector.shape_cast %broadcast_in_dim3A_501 : vector<32x1x1xi32> to vector<32x1xi32>
      %broadcast_in_dim3A_513 = vector.shape_cast %squeeze3A_512 : vector<32x1xi32> to vector<32x1xi32>
      %broadcast_in_dim3A_514 = vector.broadcast %broadcast_in_dim3A_513 : vector<32x1xi32> to vector<32x64xi32>
      %select_n3A_515 = arith.select %eq3A_511, %broadcast_in_dim3A_514, %select_n3A_485 : vector<32x64xi1>, vector<32x64xi32>
      %eq3A_516 = vector.broadcast %broadcast_in_dim3A_501 : vector<32x1x1xi32> to vector<32x32x128xi32>
      %eq3A_517 = arith.cmpi eq, %add3A, %eq3A_516 : vector<32x32x128xi32>
      %jit3A_518 = arith.constant 0xFF800000 : f32
      %broadcast_in_dim3A_519 = vector.broadcast %jit3A_518 : f32 to vector<32x32x128xf32>
      %select_n3A_520 = arith.select %eq3A_517, %broadcast_in_dim3A_519, %select_n3A_490 : vector<32x32x128xi1>, vector<32x32x128xf32>
      %reduce_max3A_521 = arith.constant dense<0xFF800000> : vector<32xf32>
      %reduce_max3A_522 = vector.multi_reduction <maximumf>, %select_n3A_520, %reduce_max3A_521 [1, 2] : vector<32x32x128xf32> to vector<32xf32>
      %broadcast_in_dim3A_523 = vector.shape_cast %reduce_max3A_522 : vector<32xf32> to vector<32x1x1xf32>
      %eq3A_524 = vector.broadcast %broadcast_in_dim3A_523 : vector<32x1x1xf32> to vector<32x32x128xf32>
      %eq3A_525 = arith.cmpf oeq, %select_n3A_520, %eq3A_524 : vector<32x32x128xf32>
      %jit3A_526 = arith.constant 4096 : i32
      %broadcast_in_dim3A_527 = vector.broadcast %jit3A_526 : i32 to vector<32x32x128xi32>
      %select_n3A_528 = arith.select %eq3A_525, %add3A, %broadcast_in_dim3A_527 : vector<32x32x128xi1>, vector<32x32x128xi32>
      %reduce_min3A_529 = arith.constant dense<2147483647> : vector<32xi32>
      %reduce_min3A_530 = vector.multi_reduction <minsi>, %select_n3A_528, %reduce_min3A_529 [1, 2] : vector<32x32x128xi32> to vector<32xi32>
      %broadcast_in_dim3A_531 = vector.shape_cast %reduce_min3A_530 : vector<32xi32> to vector<32x1x1xi32>
      %eq3A_532 = arith.constant 17 : i32
      %eq3A_533 = vector.broadcast %eq3A_532 : i32 to vector<32x64xi32>
      %eq3A_534 = arith.cmpi eq, %iota3A_12, %eq3A_533 : vector<32x64xi32>
      %squeeze3A_535 = vector.shape_cast %broadcast_in_dim3A_523 : vector<32x1x1xf32> to vector<32x1xf32>
      %broadcast_in_dim3A_536 = vector.shape_cast %squeeze3A_535 : vector<32x1xf32> to vector<32x1xf32>
      %broadcast_in_dim3A_537 = vector.broadcast %broadcast_in_dim3A_536 : vector<32x1xf32> to vector<32x64xf32>
      %select_n3A_538 = arith.select %eq3A_534, %broadcast_in_dim3A_537, %select_n3A_508 : vector<32x64xi1>, vector<32x64xf32>
      %eq3A_539 = arith.constant 17 : i32
      %eq3A_540 = vector.broadcast %eq3A_539 : i32 to vector<32x64xi32>
      %eq3A_541 = arith.cmpi eq, %iota3A_12, %eq3A_540 : vector<32x64xi32>
      %squeeze3A_542 = vector.shape_cast %broadcast_in_dim3A_531 : vector<32x1x1xi32> to vector<32x1xi32>
      %broadcast_in_dim3A_543 = vector.shape_cast %squeeze3A_542 : vector<32x1xi32> to vector<32x1xi32>
      %broadcast_in_dim3A_544 = vector.broadcast %broadcast_in_dim3A_543 : vector<32x1xi32> to vector<32x64xi32>
      %select_n3A_545 = arith.select %eq3A_541, %broadcast_in_dim3A_544, %select_n3A_515 : vector<32x64xi1>, vector<32x64xi32>
      %eq3A_546 = vector.broadcast %broadcast_in_dim3A_531 : vector<32x1x1xi32> to vector<32x32x128xi32>
      %eq3A_547 = arith.cmpi eq, %add3A, %eq3A_546 : vector<32x32x128xi32>
      %jit3A_548 = arith.constant 0xFF800000 : f32
      %broadcast_in_dim3A_549 = vector.broadcast %jit3A_548 : f32 to vector<32x32x128xf32>
      %select_n3A_550 = arith.select %eq3A_547, %broadcast_in_dim3A_549, %select_n3A_520 : vector<32x32x128xi1>, vector<32x32x128xf32>
      %reduce_max3A_551 = arith.constant dense<0xFF800000> : vector<32xf32>
      %reduce_max3A_552 = vector.multi_reduction <maximumf>, %select_n3A_550, %reduce_max3A_551 [1, 2] : vector<32x32x128xf32> to vector<32xf32>
      %broadcast_in_dim3A_553 = vector.shape_cast %reduce_max3A_552 : vector<32xf32> to vector<32x1x1xf32>
      %eq3A_554 = vector.broadcast %broadcast_in_dim3A_553 : vector<32x1x1xf32> to vector<32x32x128xf32>
      %eq3A_555 = arith.cmpf oeq, %select_n3A_550, %eq3A_554 : vector<32x32x128xf32>
      %jit3A_556 = arith.constant 4096 : i32
      %broadcast_in_dim3A_557 = vector.broadcast %jit3A_556 : i32 to vector<32x32x128xi32>
      %select_n3A_558 = arith.select %eq3A_555, %add3A, %broadcast_in_dim3A_557 : vector<32x32x128xi1>, vector<32x32x128xi32>
      %reduce_min3A_559 = arith.constant dense<2147483647> : vector<32xi32>
      %reduce_min3A_560 = vector.multi_reduction <minsi>, %select_n3A_558, %reduce_min3A_559 [1, 2] : vector<32x32x128xi32> to vector<32xi32>
      %broadcast_in_dim3A_561 = vector.shape_cast %reduce_min3A_560 : vector<32xi32> to vector<32x1x1xi32>
      %eq3A_562 = arith.constant 18 : i32
      %eq3A_563 = vector.broadcast %eq3A_562 : i32 to vector<32x64xi32>
      %eq3A_564 = arith.cmpi eq, %iota3A_12, %eq3A_563 : vector<32x64xi32>
      %squeeze3A_565 = vector.shape_cast %broadcast_in_dim3A_553 : vector<32x1x1xf32> to vector<32x1xf32>
      %broadcast_in_dim3A_566 = vector.shape_cast %squeeze3A_565 : vector<32x1xf32> to vector<32x1xf32>
      %broadcast_in_dim3A_567 = vector.broadcast %broadcast_in_dim3A_566 : vector<32x1xf32> to vector<32x64xf32>
      %select_n3A_568 = arith.select %eq3A_564, %broadcast_in_dim3A_567, %select_n3A_538 : vector<32x64xi1>, vector<32x64xf32>
      %eq3A_569 = arith.constant 18 : i32
      %eq3A_570 = vector.broadcast %eq3A_569 : i32 to vector<32x64xi32>
      %eq3A_571 = arith.cmpi eq, %iota3A_12, %eq3A_570 : vector<32x64xi32>
      %squeeze3A_572 = vector.shape_cast %broadcast_in_dim3A_561 : vector<32x1x1xi32> to vector<32x1xi32>
      %broadcast_in_dim3A_573 = vector.shape_cast %squeeze3A_572 : vector<32x1xi32> to vector<32x1xi32>
      %broadcast_in_dim3A_574 = vector.broadcast %broadcast_in_dim3A_573 : vector<32x1xi32> to vector<32x64xi32>
      %select_n3A_575 = arith.select %eq3A_571, %broadcast_in_dim3A_574, %select_n3A_545 : vector<32x64xi1>, vector<32x64xi32>
      %eq3A_576 = vector.broadcast %broadcast_in_dim3A_561 : vector<32x1x1xi32> to vector<32x32x128xi32>
      %eq3A_577 = arith.cmpi eq, %add3A, %eq3A_576 : vector<32x32x128xi32>
      %jit3A_578 = arith.constant 0xFF800000 : f32
      %broadcast_in_dim3A_579 = vector.broadcast %jit3A_578 : f32 to vector<32x32x128xf32>
      %select_n3A_580 = arith.select %eq3A_577, %broadcast_in_dim3A_579, %select_n3A_550 : vector<32x32x128xi1>, vector<32x32x128xf32>
      %reduce_max3A_581 = arith.constant dense<0xFF800000> : vector<32xf32>
      %reduce_max3A_582 = vector.multi_reduction <maximumf>, %select_n3A_580, %reduce_max3A_581 [1, 2] : vector<32x32x128xf32> to vector<32xf32>
      %broadcast_in_dim3A_583 = vector.shape_cast %reduce_max3A_582 : vector<32xf32> to vector<32x1x1xf32>
      %eq3A_584 = vector.broadcast %broadcast_in_dim3A_583 : vector<32x1x1xf32> to vector<32x32x128xf32>
      %eq3A_585 = arith.cmpf oeq, %select_n3A_580, %eq3A_584 : vector<32x32x128xf32>
      %jit3A_586 = arith.constant 4096 : i32
      %broadcast_in_dim3A_587 = vector.broadcast %jit3A_586 : i32 to vector<32x32x128xi32>
      %select_n3A_588 = arith.select %eq3A_585, %add3A, %broadcast_in_dim3A_587 : vector<32x32x128xi1>, vector<32x32x128xi32>
      %reduce_min3A_589 = arith.constant dense<2147483647> : vector<32xi32>
      %reduce_min3A_590 = vector.multi_reduction <minsi>, %select_n3A_588, %reduce_min3A_589 [1, 2] : vector<32x32x128xi32> to vector<32xi32>
      %broadcast_in_dim3A_591 = vector.shape_cast %reduce_min3A_590 : vector<32xi32> to vector<32x1x1xi32>
      %eq3A_592 = arith.constant 19 : i32
      %eq3A_593 = vector.broadcast %eq3A_592 : i32 to vector<32x64xi32>
      %eq3A_594 = arith.cmpi eq, %iota3A_12, %eq3A_593 : vector<32x64xi32>
      %squeeze3A_595 = vector.shape_cast %broadcast_in_dim3A_583 : vector<32x1x1xf32> to vector<32x1xf32>
      %broadcast_in_dim3A_596 = vector.shape_cast %squeeze3A_595 : vector<32x1xf32> to vector<32x1xf32>
      %broadcast_in_dim3A_597 = vector.broadcast %broadcast_in_dim3A_596 : vector<32x1xf32> to vector<32x64xf32>
      %select_n3A_598 = arith.select %eq3A_594, %broadcast_in_dim3A_597, %select_n3A_568 : vector<32x64xi1>, vector<32x64xf32>
      %eq3A_599 = arith.constant 19 : i32
      %eq3A_600 = vector.broadcast %eq3A_599 : i32 to vector<32x64xi32>
      %eq3A_601 = arith.cmpi eq, %iota3A_12, %eq3A_600 : vector<32x64xi32>
      %squeeze3A_602 = vector.shape_cast %broadcast_in_dim3A_591 : vector<32x1x1xi32> to vector<32x1xi32>
      %broadcast_in_dim3A_603 = vector.shape_cast %squeeze3A_602 : vector<32x1xi32> to vector<32x1xi32>
      %broadcast_in_dim3A_604 = vector.broadcast %broadcast_in_dim3A_603 : vector<32x1xi32> to vector<32x64xi32>
      %select_n3A_605 = arith.select %eq3A_601, %broadcast_in_dim3A_604, %select_n3A_575 : vector<32x64xi1>, vector<32x64xi32>
      %eq3A_606 = vector.broadcast %broadcast_in_dim3A_591 : vector<32x1x1xi32> to vector<32x32x128xi32>
      %eq3A_607 = arith.cmpi eq, %add3A, %eq3A_606 : vector<32x32x128xi32>
      %jit3A_608 = arith.constant 0xFF800000 : f32
      %broadcast_in_dim3A_609 = vector.broadcast %jit3A_608 : f32 to vector<32x32x128xf32>
      %select_n3A_610 = arith.select %eq3A_607, %broadcast_in_dim3A_609, %select_n3A_580 : vector<32x32x128xi1>, vector<32x32x128xf32>
      %reduce_max3A_611 = arith.constant dense<0xFF800000> : vector<32xf32>
      %reduce_max3A_612 = vector.multi_reduction <maximumf>, %select_n3A_610, %reduce_max3A_611 [1, 2] : vector<32x32x128xf32> to vector<32xf32>
      %broadcast_in_dim3A_613 = vector.shape_cast %reduce_max3A_612 : vector<32xf32> to vector<32x1x1xf32>
      %eq3A_614 = vector.broadcast %broadcast_in_dim3A_613 : vector<32x1x1xf32> to vector<32x32x128xf32>
      %eq3A_615 = arith.cmpf oeq, %select_n3A_610, %eq3A_614 : vector<32x32x128xf32>
      %jit3A_616 = arith.constant 4096 : i32
      %broadcast_in_dim3A_617 = vector.broadcast %jit3A_616 : i32 to vector<32x32x128xi32>
      %select_n3A_618 = arith.select %eq3A_615, %add3A, %broadcast_in_dim3A_617 : vector<32x32x128xi1>, vector<32x32x128xi32>
      %reduce_min3A_619 = arith.constant dense<2147483647> : vector<32xi32>
      %reduce_min3A_620 = vector.multi_reduction <minsi>, %select_n3A_618, %reduce_min3A_619 [1, 2] : vector<32x32x128xi32> to vector<32xi32>
      %broadcast_in_dim3A_621 = vector.shape_cast %reduce_min3A_620 : vector<32xi32> to vector<32x1x1xi32>
      %eq3A_622 = arith.constant 20 : i32
      %eq3A_623 = vector.broadcast %eq3A_622 : i32 to vector<32x64xi32>
      %eq3A_624 = arith.cmpi eq, %iota3A_12, %eq3A_623 : vector<32x64xi32>
      %squeeze3A_625 = vector.shape_cast %broadcast_in_dim3A_613 : vector<32x1x1xf32> to vector<32x1xf32>
      %broadcast_in_dim3A_626 = vector.shape_cast %squeeze3A_625 : vector<32x1xf32> to vector<32x1xf32>
      %broadcast_in_dim3A_627 = vector.broadcast %broadcast_in_dim3A_626 : vector<32x1xf32> to vector<32x64xf32>
      %select_n3A_628 = arith.select %eq3A_624, %broadcast_in_dim3A_627, %select_n3A_598 : vector<32x64xi1>, vector<32x64xf32>
      %eq3A_629 = arith.constant 20 : i32
      %eq3A_630 = vector.broadcast %eq3A_629 : i32 to vector<32x64xi32>
      %eq3A_631 = arith.cmpi eq, %iota3A_12, %eq3A_630 : vector<32x64xi32>
      %squeeze3A_632 = vector.shape_cast %broadcast_in_dim3A_621 : vector<32x1x1xi32> to vector<32x1xi32>
      %broadcast_in_dim3A_633 = vector.shape_cast %squeeze3A_632 : vector<32x1xi32> to vector<32x1xi32>
      %broadcast_in_dim3A_634 = vector.broadcast %broadcast_in_dim3A_633 : vector<32x1xi32> to vector<32x64xi32>
      %select_n3A_635 = arith.select %eq3A_631, %broadcast_in_dim3A_634, %select_n3A_605 : vector<32x64xi1>, vector<32x64xi32>
      %eq3A_636 = vector.broadcast %broadcast_in_dim3A_621 : vector<32x1x1xi32> to vector<32x32x128xi32>
      %eq3A_637 = arith.cmpi eq, %add3A, %eq3A_636 : vector<32x32x128xi32>
      %jit3A_638 = arith.constant 0xFF800000 : f32
      %broadcast_in_dim3A_639 = vector.broadcast %jit3A_638 : f32 to vector<32x32x128xf32>
      %select_n3A_640 = arith.select %eq3A_637, %broadcast_in_dim3A_639, %select_n3A_610 : vector<32x32x128xi1>, vector<32x32x128xf32>
      %reduce_max3A_641 = arith.constant dense<0xFF800000> : vector<32xf32>
      %reduce_max3A_642 = vector.multi_reduction <maximumf>, %select_n3A_640, %reduce_max3A_641 [1, 2] : vector<32x32x128xf32> to vector<32xf32>
      %broadcast_in_dim3A_643 = vector.shape_cast %reduce_max3A_642 : vector<32xf32> to vector<32x1x1xf32>
      %eq3A_644 = vector.broadcast %broadcast_in_dim3A_643 : vector<32x1x1xf32> to vector<32x32x128xf32>
      %eq3A_645 = arith.cmpf oeq, %select_n3A_640, %eq3A_644 : vector<32x32x128xf32>
      %jit3A_646 = arith.constant 4096 : i32
      %broadcast_in_dim3A_647 = vector.broadcast %jit3A_646 : i32 to vector<32x32x128xi32>
      %select_n3A_648 = arith.select %eq3A_645, %add3A, %broadcast_in_dim3A_647 : vector<32x32x128xi1>, vector<32x32x128xi32>
      %reduce_min3A_649 = arith.constant dense<2147483647> : vector<32xi32>
      %reduce_min3A_650 = vector.multi_reduction <minsi>, %select_n3A_648, %reduce_min3A_649 [1, 2] : vector<32x32x128xi32> to vector<32xi32>
      %broadcast_in_dim3A_651 = vector.shape_cast %reduce_min3A_650 : vector<32xi32> to vector<32x1x1xi32>
      %eq3A_652 = arith.constant 21 : i32
      %eq3A_653 = vector.broadcast %eq3A_652 : i32 to vector<32x64xi32>
      %eq3A_654 = arith.cmpi eq, %iota3A_12, %eq3A_653 : vector<32x64xi32>
      %squeeze3A_655 = vector.shape_cast %broadcast_in_dim3A_643 : vector<32x1x1xf32> to vector<32x1xf32>
      %broadcast_in_dim3A_656 = vector.shape_cast %squeeze3A_655 : vector<32x1xf32> to vector<32x1xf32>
      %broadcast_in_dim3A_657 = vector.broadcast %broadcast_in_dim3A_656 : vector<32x1xf32> to vector<32x64xf32>
      %select_n3A_658 = arith.select %eq3A_654, %broadcast_in_dim3A_657, %select_n3A_628 : vector<32x64xi1>, vector<32x64xf32>
      %eq3A_659 = arith.constant 21 : i32
      %eq3A_660 = vector.broadcast %eq3A_659 : i32 to vector<32x64xi32>
      %eq3A_661 = arith.cmpi eq, %iota3A_12, %eq3A_660 : vector<32x64xi32>
      %squeeze3A_662 = vector.shape_cast %broadcast_in_dim3A_651 : vector<32x1x1xi32> to vector<32x1xi32>
      %broadcast_in_dim3A_663 = vector.shape_cast %squeeze3A_662 : vector<32x1xi32> to vector<32x1xi32>
      %broadcast_in_dim3A_664 = vector.broadcast %broadcast_in_dim3A_663 : vector<32x1xi32> to vector<32x64xi32>
      %select_n3A_665 = arith.select %eq3A_661, %broadcast_in_dim3A_664, %select_n3A_635 : vector<32x64xi1>, vector<32x64xi32>
      %eq3A_666 = vector.broadcast %broadcast_in_dim3A_651 : vector<32x1x1xi32> to vector<32x32x128xi32>
      %eq3A_667 = arith.cmpi eq, %add3A, %eq3A_666 : vector<32x32x128xi32>
      %jit3A_668 = arith.constant 0xFF800000 : f32
      %broadcast_in_dim3A_669 = vector.broadcast %jit3A_668 : f32 to vector<32x32x128xf32>
      %select_n3A_670 = arith.select %eq3A_667, %broadcast_in_dim3A_669, %select_n3A_640 : vector<32x32x128xi1>, vector<32x32x128xf32>
      %reduce_max3A_671 = arith.constant dense<0xFF800000> : vector<32xf32>
      %reduce_max3A_672 = vector.multi_reduction <maximumf>, %select_n3A_670, %reduce_max3A_671 [1, 2] : vector<32x32x128xf32> to vector<32xf32>
      %broadcast_in_dim3A_673 = vector.shape_cast %reduce_max3A_672 : vector<32xf32> to vector<32x1x1xf32>
      %eq3A_674 = vector.broadcast %broadcast_in_dim3A_673 : vector<32x1x1xf32> to vector<32x32x128xf32>
      %eq3A_675 = arith.cmpf oeq, %select_n3A_670, %eq3A_674 : vector<32x32x128xf32>
      %jit3A_676 = arith.constant 4096 : i32
      %broadcast_in_dim3A_677 = vector.broadcast %jit3A_676 : i32 to vector<32x32x128xi32>
      %select_n3A_678 = arith.select %eq3A_675, %add3A, %broadcast_in_dim3A_677 : vector<32x32x128xi1>, vector<32x32x128xi32>
      %reduce_min3A_679 = arith.constant dense<2147483647> : vector<32xi32>
      %reduce_min3A_680 = vector.multi_reduction <minsi>, %select_n3A_678, %reduce_min3A_679 [1, 2] : vector<32x32x128xi32> to vector<32xi32>
      %broadcast_in_dim3A_681 = vector.shape_cast %reduce_min3A_680 : vector<32xi32> to vector<32x1x1xi32>
      %eq3A_682 = arith.constant 22 : i32
      %eq3A_683 = vector.broadcast %eq3A_682 : i32 to vector<32x64xi32>
      %eq3A_684 = arith.cmpi eq, %iota3A_12, %eq3A_683 : vector<32x64xi32>
      %squeeze3A_685 = vector.shape_cast %broadcast_in_dim3A_673 : vector<32x1x1xf32> to vector<32x1xf32>
      %broadcast_in_dim3A_686 = vector.shape_cast %squeeze3A_685 : vector<32x1xf32> to vector<32x1xf32>
      %broadcast_in_dim3A_687 = vector.broadcast %broadcast_in_dim3A_686 : vector<32x1xf32> to vector<32x64xf32>
      %select_n3A_688 = arith.select %eq3A_684, %broadcast_in_dim3A_687, %select_n3A_658 : vector<32x64xi1>, vector<32x64xf32>
      %eq3A_689 = arith.constant 22 : i32
      %eq3A_690 = vector.broadcast %eq3A_689 : i32 to vector<32x64xi32>
      %eq3A_691 = arith.cmpi eq, %iota3A_12, %eq3A_690 : vector<32x64xi32>
      %squeeze3A_692 = vector.shape_cast %broadcast_in_dim3A_681 : vector<32x1x1xi32> to vector<32x1xi32>
      %broadcast_in_dim3A_693 = vector.shape_cast %squeeze3A_692 : vector<32x1xi32> to vector<32x1xi32>
      %broadcast_in_dim3A_694 = vector.broadcast %broadcast_in_dim3A_693 : vector<32x1xi32> to vector<32x64xi32>
      %select_n3A_695 = arith.select %eq3A_691, %broadcast_in_dim3A_694, %select_n3A_665 : vector<32x64xi1>, vector<32x64xi32>
      %eq3A_696 = vector.broadcast %broadcast_in_dim3A_681 : vector<32x1x1xi32> to vector<32x32x128xi32>
      %eq3A_697 = arith.cmpi eq, %add3A, %eq3A_696 : vector<32x32x128xi32>
      %jit3A_698 = arith.constant 0xFF800000 : f32
      %broadcast_in_dim3A_699 = vector.broadcast %jit3A_698 : f32 to vector<32x32x128xf32>
      %select_n3A_700 = arith.select %eq3A_697, %broadcast_in_dim3A_699, %select_n3A_670 : vector<32x32x128xi1>, vector<32x32x128xf32>
      %reduce_max3A_701 = arith.constant dense<0xFF800000> : vector<32xf32>
      %reduce_max3A_702 = vector.multi_reduction <maximumf>, %select_n3A_700, %reduce_max3A_701 [1, 2] : vector<32x32x128xf32> to vector<32xf32>
      %broadcast_in_dim3A_703 = vector.shape_cast %reduce_max3A_702 : vector<32xf32> to vector<32x1x1xf32>
      %eq3A_704 = vector.broadcast %broadcast_in_dim3A_703 : vector<32x1x1xf32> to vector<32x32x128xf32>
      %eq3A_705 = arith.cmpf oeq, %select_n3A_700, %eq3A_704 : vector<32x32x128xf32>
      %jit3A_706 = arith.constant 4096 : i32
      %broadcast_in_dim3A_707 = vector.broadcast %jit3A_706 : i32 to vector<32x32x128xi32>
      %select_n3A_708 = arith.select %eq3A_705, %add3A, %broadcast_in_dim3A_707 : vector<32x32x128xi1>, vector<32x32x128xi32>
      %reduce_min3A_709 = arith.constant dense<2147483647> : vector<32xi32>
      %reduce_min3A_710 = vector.multi_reduction <minsi>, %select_n3A_708, %reduce_min3A_709 [1, 2] : vector<32x32x128xi32> to vector<32xi32>
      %broadcast_in_dim3A_711 = vector.shape_cast %reduce_min3A_710 : vector<32xi32> to vector<32x1x1xi32>
      %eq3A_712 = arith.constant 23 : i32
      %eq3A_713 = vector.broadcast %eq3A_712 : i32 to vector<32x64xi32>
      %eq3A_714 = arith.cmpi eq, %iota3A_12, %eq3A_713 : vector<32x64xi32>
      %squeeze3A_715 = vector.shape_cast %broadcast_in_dim3A_703 : vector<32x1x1xf32> to vector<32x1xf32>
      %broadcast_in_dim3A_716 = vector.shape_cast %squeeze3A_715 : vector<32x1xf32> to vector<32x1xf32>
      %broadcast_in_dim3A_717 = vector.broadcast %broadcast_in_dim3A_716 : vector<32x1xf32> to vector<32x64xf32>
      %select_n3A_718 = arith.select %eq3A_714, %broadcast_in_dim3A_717, %select_n3A_688 : vector<32x64xi1>, vector<32x64xf32>
      %eq3A_719 = arith.constant 23 : i32
      %eq3A_720 = vector.broadcast %eq3A_719 : i32 to vector<32x64xi32>
      %eq3A_721 = arith.cmpi eq, %iota3A_12, %eq3A_720 : vector<32x64xi32>
      %squeeze3A_722 = vector.shape_cast %broadcast_in_dim3A_711 : vector<32x1x1xi32> to vector<32x1xi32>
      %broadcast_in_dim3A_723 = vector.shape_cast %squeeze3A_722 : vector<32x1xi32> to vector<32x1xi32>
      %broadcast_in_dim3A_724 = vector.broadcast %broadcast_in_dim3A_723 : vector<32x1xi32> to vector<32x64xi32>
      %select_n3A_725 = arith.select %eq3A_721, %broadcast_in_dim3A_724, %select_n3A_695 : vector<32x64xi1>, vector<32x64xi32>
      %eq3A_726 = vector.broadcast %broadcast_in_dim3A_711 : vector<32x1x1xi32> to vector<32x32x128xi32>
      %eq3A_727 = arith.cmpi eq, %add3A, %eq3A_726 : vector<32x32x128xi32>
      %jit3A_728 = arith.constant 0xFF800000 : f32
      %broadcast_in_dim3A_729 = vector.broadcast %jit3A_728 : f32 to vector<32x32x128xf32>
      %select_n3A_730 = arith.select %eq3A_727, %broadcast_in_dim3A_729, %select_n3A_700 : vector<32x32x128xi1>, vector<32x32x128xf32>
      %reduce_max3A_731 = arith.constant dense<0xFF800000> : vector<32xf32>
      %reduce_max3A_732 = vector.multi_reduction <maximumf>, %select_n3A_730, %reduce_max3A_731 [1, 2] : vector<32x32x128xf32> to vector<32xf32>
      %broadcast_in_dim3A_733 = vector.shape_cast %reduce_max3A_732 : vector<32xf32> to vector<32x1x1xf32>
      %eq3A_734 = vector.broadcast %broadcast_in_dim3A_733 : vector<32x1x1xf32> to vector<32x32x128xf32>
      %eq3A_735 = arith.cmpf oeq, %select_n3A_730, %eq3A_734 : vector<32x32x128xf32>
      %jit3A_736 = arith.constant 4096 : i32
      %broadcast_in_dim3A_737 = vector.broadcast %jit3A_736 : i32 to vector<32x32x128xi32>
      %select_n3A_738 = arith.select %eq3A_735, %add3A, %broadcast_in_dim3A_737 : vector<32x32x128xi1>, vector<32x32x128xi32>
      %reduce_min3A_739 = arith.constant dense<2147483647> : vector<32xi32>
      %reduce_min3A_740 = vector.multi_reduction <minsi>, %select_n3A_738, %reduce_min3A_739 [1, 2] : vector<32x32x128xi32> to vector<32xi32>
      %broadcast_in_dim3A_741 = vector.shape_cast %reduce_min3A_740 : vector<32xi32> to vector<32x1x1xi32>
      %eq3A_742 = arith.constant 24 : i32
      %eq3A_743 = vector.broadcast %eq3A_742 : i32 to vector<32x64xi32>
      %eq3A_744 = arith.cmpi eq, %iota3A_12, %eq3A_743 : vector<32x64xi32>
      %squeeze3A_745 = vector.shape_cast %broadcast_in_dim3A_733 : vector<32x1x1xf32> to vector<32x1xf32>
      %broadcast_in_dim3A_746 = vector.shape_cast %squeeze3A_745 : vector<32x1xf32> to vector<32x1xf32>
      %broadcast_in_dim3A_747 = vector.broadcast %broadcast_in_dim3A_746 : vector<32x1xf32> to vector<32x64xf32>
      %select_n3A_748 = arith.select %eq3A_744, %broadcast_in_dim3A_747, %select_n3A_718 : vector<32x64xi1>, vector<32x64xf32>
      %eq3A_749 = arith.constant 24 : i32
      %eq3A_750 = vector.broadcast %eq3A_749 : i32 to vector<32x64xi32>
      %eq3A_751 = arith.cmpi eq, %iota3A_12, %eq3A_750 : vector<32x64xi32>
      %squeeze3A_752 = vector.shape_cast %broadcast_in_dim3A_741 : vector<32x1x1xi32> to vector<32x1xi32>
      %broadcast_in_dim3A_753 = vector.shape_cast %squeeze3A_752 : vector<32x1xi32> to vector<32x1xi32>
      %broadcast_in_dim3A_754 = vector.broadcast %broadcast_in_dim3A_753 : vector<32x1xi32> to vector<32x64xi32>
      %select_n3A_755 = arith.select %eq3A_751, %broadcast_in_dim3A_754, %select_n3A_725 : vector<32x64xi1>, vector<32x64xi32>
      %eq3A_756 = vector.broadcast %broadcast_in_dim3A_741 : vector<32x1x1xi32> to vector<32x32x128xi32>
      %eq3A_757 = arith.cmpi eq, %add3A, %eq3A_756 : vector<32x32x128xi32>
      %jit3A_758 = arith.constant 0xFF800000 : f32
      %broadcast_in_dim3A_759 = vector.broadcast %jit3A_758 : f32 to vector<32x32x128xf32>
      %select_n3A_760 = arith.select %eq3A_757, %broadcast_in_dim3A_759, %select_n3A_730 : vector<32x32x128xi1>, vector<32x32x128xf32>
      %reduce_max3A_761 = arith.constant dense<0xFF800000> : vector<32xf32>
      %reduce_max3A_762 = vector.multi_reduction <maximumf>, %select_n3A_760, %reduce_max3A_761 [1, 2] : vector<32x32x128xf32> to vector<32xf32>
      %broadcast_in_dim3A_763 = vector.shape_cast %reduce_max3A_762 : vector<32xf32> to vector<32x1x1xf32>
      %eq3A_764 = vector.broadcast %broadcast_in_dim3A_763 : vector<32x1x1xf32> to vector<32x32x128xf32>
      %eq3A_765 = arith.cmpf oeq, %select_n3A_760, %eq3A_764 : vector<32x32x128xf32>
      %jit3A_766 = arith.constant 4096 : i32
      %broadcast_in_dim3A_767 = vector.broadcast %jit3A_766 : i32 to vector<32x32x128xi32>
      %select_n3A_768 = arith.select %eq3A_765, %add3A, %broadcast_in_dim3A_767 : vector<32x32x128xi1>, vector<32x32x128xi32>
      %reduce_min3A_769 = arith.constant dense<2147483647> : vector<32xi32>
      %reduce_min3A_770 = vector.multi_reduction <minsi>, %select_n3A_768, %reduce_min3A_769 [1, 2] : vector<32x32x128xi32> to vector<32xi32>
      %broadcast_in_dim3A_771 = vector.shape_cast %reduce_min3A_770 : vector<32xi32> to vector<32x1x1xi32>
      %eq3A_772 = arith.constant 25 : i32
      %eq3A_773 = vector.broadcast %eq3A_772 : i32 to vector<32x64xi32>
      %eq3A_774 = arith.cmpi eq, %iota3A_12, %eq3A_773 : vector<32x64xi32>
      %squeeze3A_775 = vector.shape_cast %broadcast_in_dim3A_763 : vector<32x1x1xf32> to vector<32x1xf32>
      %broadcast_in_dim3A_776 = vector.shape_cast %squeeze3A_775 : vector<32x1xf32> to vector<32x1xf32>
      %broadcast_in_dim3A_777 = vector.broadcast %broadcast_in_dim3A_776 : vector<32x1xf32> to vector<32x64xf32>
      %select_n3A_778 = arith.select %eq3A_774, %broadcast_in_dim3A_777, %select_n3A_748 : vector<32x64xi1>, vector<32x64xf32>
      %eq3A_779 = arith.constant 25 : i32
      %eq3A_780 = vector.broadcast %eq3A_779 : i32 to vector<32x64xi32>
      %eq3A_781 = arith.cmpi eq, %iota3A_12, %eq3A_780 : vector<32x64xi32>
      %squeeze3A_782 = vector.shape_cast %broadcast_in_dim3A_771 : vector<32x1x1xi32> to vector<32x1xi32>
      %broadcast_in_dim3A_783 = vector.shape_cast %squeeze3A_782 : vector<32x1xi32> to vector<32x1xi32>
      %broadcast_in_dim3A_784 = vector.broadcast %broadcast_in_dim3A_783 : vector<32x1xi32> to vector<32x64xi32>
      %select_n3A_785 = arith.select %eq3A_781, %broadcast_in_dim3A_784, %select_n3A_755 : vector<32x64xi1>, vector<32x64xi32>
      %eq3A_786 = vector.broadcast %broadcast_in_dim3A_771 : vector<32x1x1xi32> to vector<32x32x128xi32>
      %eq3A_787 = arith.cmpi eq, %add3A, %eq3A_786 : vector<32x32x128xi32>
      %jit3A_788 = arith.constant 0xFF800000 : f32
      %broadcast_in_dim3A_789 = vector.broadcast %jit3A_788 : f32 to vector<32x32x128xf32>
      %select_n3A_790 = arith.select %eq3A_787, %broadcast_in_dim3A_789, %select_n3A_760 : vector<32x32x128xi1>, vector<32x32x128xf32>
      %reduce_max3A_791 = arith.constant dense<0xFF800000> : vector<32xf32>
      %reduce_max3A_792 = vector.multi_reduction <maximumf>, %select_n3A_790, %reduce_max3A_791 [1, 2] : vector<32x32x128xf32> to vector<32xf32>
      %broadcast_in_dim3A_793 = vector.shape_cast %reduce_max3A_792 : vector<32xf32> to vector<32x1x1xf32>
      %eq3A_794 = vector.broadcast %broadcast_in_dim3A_793 : vector<32x1x1xf32> to vector<32x32x128xf32>
      %eq3A_795 = arith.cmpf oeq, %select_n3A_790, %eq3A_794 : vector<32x32x128xf32>
      %jit3A_796 = arith.constant 4096 : i32
      %broadcast_in_dim3A_797 = vector.broadcast %jit3A_796 : i32 to vector<32x32x128xi32>
      %select_n3A_798 = arith.select %eq3A_795, %add3A, %broadcast_in_dim3A_797 : vector<32x32x128xi1>, vector<32x32x128xi32>
      %reduce_min3A_799 = arith.constant dense<2147483647> : vector<32xi32>
      %reduce_min3A_800 = vector.multi_reduction <minsi>, %select_n3A_798, %reduce_min3A_799 [1, 2] : vector<32x32x128xi32> to vector<32xi32>
      %broadcast_in_dim3A_801 = vector.shape_cast %reduce_min3A_800 : vector<32xi32> to vector<32x1x1xi32>
      %eq3A_802 = arith.constant 26 : i32
      %eq3A_803 = vector.broadcast %eq3A_802 : i32 to vector<32x64xi32>
      %eq3A_804 = arith.cmpi eq, %iota3A_12, %eq3A_803 : vector<32x64xi32>
      %squeeze3A_805 = vector.shape_cast %broadcast_in_dim3A_793 : vector<32x1x1xf32> to vector<32x1xf32>
      %broadcast_in_dim3A_806 = vector.shape_cast %squeeze3A_805 : vector<32x1xf32> to vector<32x1xf32>
      %broadcast_in_dim3A_807 = vector.broadcast %broadcast_in_dim3A_806 : vector<32x1xf32> to vector<32x64xf32>
      %select_n3A_808 = arith.select %eq3A_804, %broadcast_in_dim3A_807, %select_n3A_778 : vector<32x64xi1>, vector<32x64xf32>
      %eq3A_809 = arith.constant 26 : i32
      %eq3A_810 = vector.broadcast %eq3A_809 : i32 to vector<32x64xi32>
      %eq3A_811 = arith.cmpi eq, %iota3A_12, %eq3A_810 : vector<32x64xi32>
      %squeeze3A_812 = vector.shape_cast %broadcast_in_dim3A_801 : vector<32x1x1xi32> to vector<32x1xi32>
      %broadcast_in_dim3A_813 = vector.shape_cast %squeeze3A_812 : vector<32x1xi32> to vector<32x1xi32>
      %broadcast_in_dim3A_814 = vector.broadcast %broadcast_in_dim3A_813 : vector<32x1xi32> to vector<32x64xi32>
      %select_n3A_815 = arith.select %eq3A_811, %broadcast_in_dim3A_814, %select_n3A_785 : vector<32x64xi1>, vector<32x64xi32>
      %eq3A_816 = vector.broadcast %broadcast_in_dim3A_801 : vector<32x1x1xi32> to vector<32x32x128xi32>
      %eq3A_817 = arith.cmpi eq, %add3A, %eq3A_816 : vector<32x32x128xi32>
      %jit3A_818 = arith.constant 0xFF800000 : f32
      %broadcast_in_dim3A_819 = vector.broadcast %jit3A_818 : f32 to vector<32x32x128xf32>
      %select_n3A_820 = arith.select %eq3A_817, %broadcast_in_dim3A_819, %select_n3A_790 : vector<32x32x128xi1>, vector<32x32x128xf32>
      %reduce_max3A_821 = arith.constant dense<0xFF800000> : vector<32xf32>
      %reduce_max3A_822 = vector.multi_reduction <maximumf>, %select_n3A_820, %reduce_max3A_821 [1, 2] : vector<32x32x128xf32> to vector<32xf32>
      %broadcast_in_dim3A_823 = vector.shape_cast %reduce_max3A_822 : vector<32xf32> to vector<32x1x1xf32>
      %eq3A_824 = vector.broadcast %broadcast_in_dim3A_823 : vector<32x1x1xf32> to vector<32x32x128xf32>
      %eq3A_825 = arith.cmpf oeq, %select_n3A_820, %eq3A_824 : vector<32x32x128xf32>
      %jit3A_826 = arith.constant 4096 : i32
      %broadcast_in_dim3A_827 = vector.broadcast %jit3A_826 : i32 to vector<32x32x128xi32>
      %select_n3A_828 = arith.select %eq3A_825, %add3A, %broadcast_in_dim3A_827 : vector<32x32x128xi1>, vector<32x32x128xi32>
      %reduce_min3A_829 = arith.constant dense<2147483647> : vector<32xi32>
      %reduce_min3A_830 = vector.multi_reduction <minsi>, %select_n3A_828, %reduce_min3A_829 [1, 2] : vector<32x32x128xi32> to vector<32xi32>
      %broadcast_in_dim3A_831 = vector.shape_cast %reduce_min3A_830 : vector<32xi32> to vector<32x1x1xi32>
      %eq3A_832 = arith.constant 27 : i32
      %eq3A_833 = vector.broadcast %eq3A_832 : i32 to vector<32x64xi32>
      %eq3A_834 = arith.cmpi eq, %iota3A_12, %eq3A_833 : vector<32x64xi32>
      %squeeze3A_835 = vector.shape_cast %broadcast_in_dim3A_823 : vector<32x1x1xf32> to vector<32x1xf32>
      %broadcast_in_dim3A_836 = vector.shape_cast %squeeze3A_835 : vector<32x1xf32> to vector<32x1xf32>
      %broadcast_in_dim3A_837 = vector.broadcast %broadcast_in_dim3A_836 : vector<32x1xf32> to vector<32x64xf32>
      %select_n3A_838 = arith.select %eq3A_834, %broadcast_in_dim3A_837, %select_n3A_808 : vector<32x64xi1>, vector<32x64xf32>
      %eq3A_839 = arith.constant 27 : i32
      %eq3A_840 = vector.broadcast %eq3A_839 : i32 to vector<32x64xi32>
      %eq3A_841 = arith.cmpi eq, %iota3A_12, %eq3A_840 : vector<32x64xi32>
      %squeeze3A_842 = vector.shape_cast %broadcast_in_dim3A_831 : vector<32x1x1xi32> to vector<32x1xi32>
      %broadcast_in_dim3A_843 = vector.shape_cast %squeeze3A_842 : vector<32x1xi32> to vector<32x1xi32>
      %broadcast_in_dim3A_844 = vector.broadcast %broadcast_in_dim3A_843 : vector<32x1xi32> to vector<32x64xi32>
      %select_n3A_845 = arith.select %eq3A_841, %broadcast_in_dim3A_844, %select_n3A_815 : vector<32x64xi1>, vector<32x64xi32>
      %eq3A_846 = vector.broadcast %broadcast_in_dim3A_831 : vector<32x1x1xi32> to vector<32x32x128xi32>
      %eq3A_847 = arith.cmpi eq, %add3A, %eq3A_846 : vector<32x32x128xi32>
      %jit3A_848 = arith.constant 0xFF800000 : f32
      %broadcast_in_dim3A_849 = vector.broadcast %jit3A_848 : f32 to vector<32x32x128xf32>
      %select_n3A_850 = arith.select %eq3A_847, %broadcast_in_dim3A_849, %select_n3A_820 : vector<32x32x128xi1>, vector<32x32x128xf32>
      %reduce_max3A_851 = arith.constant dense<0xFF800000> : vector<32xf32>
      %reduce_max3A_852 = vector.multi_reduction <maximumf>, %select_n3A_850, %reduce_max3A_851 [1, 2] : vector<32x32x128xf32> to vector<32xf32>
      %broadcast_in_dim3A_853 = vector.shape_cast %reduce_max3A_852 : vector<32xf32> to vector<32x1x1xf32>
      %eq3A_854 = vector.broadcast %broadcast_in_dim3A_853 : vector<32x1x1xf32> to vector<32x32x128xf32>
      %eq3A_855 = arith.cmpf oeq, %select_n3A_850, %eq3A_854 : vector<32x32x128xf32>
      %jit3A_856 = arith.constant 4096 : i32
      %broadcast_in_dim3A_857 = vector.broadcast %jit3A_856 : i32 to vector<32x32x128xi32>
      %select_n3A_858 = arith.select %eq3A_855, %add3A, %broadcast_in_dim3A_857 : vector<32x32x128xi1>, vector<32x32x128xi32>
      %reduce_min3A_859 = arith.constant dense<2147483647> : vector<32xi32>
      %reduce_min3A_860 = vector.multi_reduction <minsi>, %select_n3A_858, %reduce_min3A_859 [1, 2] : vector<32x32x128xi32> to vector<32xi32>
      %broadcast_in_dim3A_861 = vector.shape_cast %reduce_min3A_860 : vector<32xi32> to vector<32x1x1xi32>
      %eq3A_862 = arith.constant 28 : i32
      %eq3A_863 = vector.broadcast %eq3A_862 : i32 to vector<32x64xi32>
      %eq3A_864 = arith.cmpi eq, %iota3A_12, %eq3A_863 : vector<32x64xi32>
      %squeeze3A_865 = vector.shape_cast %broadcast_in_dim3A_853 : vector<32x1x1xf32> to vector<32x1xf32>
      %broadcast_in_dim3A_866 = vector.shape_cast %squeeze3A_865 : vector<32x1xf32> to vector<32x1xf32>
      %broadcast_in_dim3A_867 = vector.broadcast %broadcast_in_dim3A_866 : vector<32x1xf32> to vector<32x64xf32>
      %select_n3A_868 = arith.select %eq3A_864, %broadcast_in_dim3A_867, %select_n3A_838 : vector<32x64xi1>, vector<32x64xf32>
      %eq3A_869 = arith.constant 28 : i32
      %eq3A_870 = vector.broadcast %eq3A_869 : i32 to vector<32x64xi32>
      %eq3A_871 = arith.cmpi eq, %iota3A_12, %eq3A_870 : vector<32x64xi32>
      %squeeze3A_872 = vector.shape_cast %broadcast_in_dim3A_861 : vector<32x1x1xi32> to vector<32x1xi32>
      %broadcast_in_dim3A_873 = vector.shape_cast %squeeze3A_872 : vector<32x1xi32> to vector<32x1xi32>
      %broadcast_in_dim3A_874 = vector.broadcast %broadcast_in_dim3A_873 : vector<32x1xi32> to vector<32x64xi32>
      %select_n3A_875 = arith.select %eq3A_871, %broadcast_in_dim3A_874, %select_n3A_845 : vector<32x64xi1>, vector<32x64xi32>
      %eq3A_876 = vector.broadcast %broadcast_in_dim3A_861 : vector<32x1x1xi32> to vector<32x32x128xi32>
      %eq3A_877 = arith.cmpi eq, %add3A, %eq3A_876 : vector<32x32x128xi32>
      %jit3A_878 = arith.constant 0xFF800000 : f32
      %broadcast_in_dim3A_879 = vector.broadcast %jit3A_878 : f32 to vector<32x32x128xf32>
      %select_n3A_880 = arith.select %eq3A_877, %broadcast_in_dim3A_879, %select_n3A_850 : vector<32x32x128xi1>, vector<32x32x128xf32>
      %reduce_max3A_881 = arith.constant dense<0xFF800000> : vector<32xf32>
      %reduce_max3A_882 = vector.multi_reduction <maximumf>, %select_n3A_880, %reduce_max3A_881 [1, 2] : vector<32x32x128xf32> to vector<32xf32>
      %broadcast_in_dim3A_883 = vector.shape_cast %reduce_max3A_882 : vector<32xf32> to vector<32x1x1xf32>
      %eq3A_884 = vector.broadcast %broadcast_in_dim3A_883 : vector<32x1x1xf32> to vector<32x32x128xf32>
      %eq3A_885 = arith.cmpf oeq, %select_n3A_880, %eq3A_884 : vector<32x32x128xf32>
      %jit3A_886 = arith.constant 4096 : i32
      %broadcast_in_dim3A_887 = vector.broadcast %jit3A_886 : i32 to vector<32x32x128xi32>
      %select_n3A_888 = arith.select %eq3A_885, %add3A, %broadcast_in_dim3A_887 : vector<32x32x128xi1>, vector<32x32x128xi32>
      %reduce_min3A_889 = arith.constant dense<2147483647> : vector<32xi32>
      %reduce_min3A_890 = vector.multi_reduction <minsi>, %select_n3A_888, %reduce_min3A_889 [1, 2] : vector<32x32x128xi32> to vector<32xi32>
      %broadcast_in_dim3A_891 = vector.shape_cast %reduce_min3A_890 : vector<32xi32> to vector<32x1x1xi32>
      %eq3A_892 = arith.constant 29 : i32
      %eq3A_893 = vector.broadcast %eq3A_892 : i32 to vector<32x64xi32>
      %eq3A_894 = arith.cmpi eq, %iota3A_12, %eq3A_893 : vector<32x64xi32>
      %squeeze3A_895 = vector.shape_cast %broadcast_in_dim3A_883 : vector<32x1x1xf32> to vector<32x1xf32>
      %broadcast_in_dim3A_896 = vector.shape_cast %squeeze3A_895 : vector<32x1xf32> to vector<32x1xf32>
      %broadcast_in_dim3A_897 = vector.broadcast %broadcast_in_dim3A_896 : vector<32x1xf32> to vector<32x64xf32>
      %select_n3A_898 = arith.select %eq3A_894, %broadcast_in_dim3A_897, %select_n3A_868 : vector<32x64xi1>, vector<32x64xf32>
      %eq3A_899 = arith.constant 29 : i32
      %eq3A_900 = vector.broadcast %eq3A_899 : i32 to vector<32x64xi32>
      %eq3A_901 = arith.cmpi eq, %iota3A_12, %eq3A_900 : vector<32x64xi32>
      %squeeze3A_902 = vector.shape_cast %broadcast_in_dim3A_891 : vector<32x1x1xi32> to vector<32x1xi32>
      %broadcast_in_dim3A_903 = vector.shape_cast %squeeze3A_902 : vector<32x1xi32> to vector<32x1xi32>
      %broadcast_in_dim3A_904 = vector.broadcast %broadcast_in_dim3A_903 : vector<32x1xi32> to vector<32x64xi32>
      %select_n3A_905 = arith.select %eq3A_901, %broadcast_in_dim3A_904, %select_n3A_875 : vector<32x64xi1>, vector<32x64xi32>
      %eq3A_906 = vector.broadcast %broadcast_in_dim3A_891 : vector<32x1x1xi32> to vector<32x32x128xi32>
      %eq3A_907 = arith.cmpi eq, %add3A, %eq3A_906 : vector<32x32x128xi32>
      %jit3A_908 = arith.constant 0xFF800000 : f32
      %broadcast_in_dim3A_909 = vector.broadcast %jit3A_908 : f32 to vector<32x32x128xf32>
      %select_n3A_910 = arith.select %eq3A_907, %broadcast_in_dim3A_909, %select_n3A_880 : vector<32x32x128xi1>, vector<32x32x128xf32>
      %reduce_max3A_911 = arith.constant dense<0xFF800000> : vector<32xf32>
      %reduce_max3A_912 = vector.multi_reduction <maximumf>, %select_n3A_910, %reduce_max3A_911 [1, 2] : vector<32x32x128xf32> to vector<32xf32>
      %broadcast_in_dim3A_913 = vector.shape_cast %reduce_max3A_912 : vector<32xf32> to vector<32x1x1xf32>
      %eq3A_914 = vector.broadcast %broadcast_in_dim3A_913 : vector<32x1x1xf32> to vector<32x32x128xf32>
      %eq3A_915 = arith.cmpf oeq, %select_n3A_910, %eq3A_914 : vector<32x32x128xf32>
      %jit3A_916 = arith.constant 4096 : i32
      %broadcast_in_dim3A_917 = vector.broadcast %jit3A_916 : i32 to vector<32x32x128xi32>
      %select_n3A_918 = arith.select %eq3A_915, %add3A, %broadcast_in_dim3A_917 : vector<32x32x128xi1>, vector<32x32x128xi32>
      %reduce_min3A_919 = arith.constant dense<2147483647> : vector<32xi32>
      %reduce_min3A_920 = vector.multi_reduction <minsi>, %select_n3A_918, %reduce_min3A_919 [1, 2] : vector<32x32x128xi32> to vector<32xi32>
      %broadcast_in_dim3A_921 = vector.shape_cast %reduce_min3A_920 : vector<32xi32> to vector<32x1x1xi32>
      %eq3A_922 = arith.constant 30 : i32
      %eq3A_923 = vector.broadcast %eq3A_922 : i32 to vector<32x64xi32>
      %eq3A_924 = arith.cmpi eq, %iota3A_12, %eq3A_923 : vector<32x64xi32>
      %squeeze3A_925 = vector.shape_cast %broadcast_in_dim3A_913 : vector<32x1x1xf32> to vector<32x1xf32>
      %broadcast_in_dim3A_926 = vector.shape_cast %squeeze3A_925 : vector<32x1xf32> to vector<32x1xf32>
      %broadcast_in_dim3A_927 = vector.broadcast %broadcast_in_dim3A_926 : vector<32x1xf32> to vector<32x64xf32>
      %select_n3A_928 = arith.select %eq3A_924, %broadcast_in_dim3A_927, %select_n3A_898 : vector<32x64xi1>, vector<32x64xf32>
      %eq3A_929 = arith.constant 30 : i32
      %eq3A_930 = vector.broadcast %eq3A_929 : i32 to vector<32x64xi32>
      %eq3A_931 = arith.cmpi eq, %iota3A_12, %eq3A_930 : vector<32x64xi32>
      %squeeze3A_932 = vector.shape_cast %broadcast_in_dim3A_921 : vector<32x1x1xi32> to vector<32x1xi32>
      %broadcast_in_dim3A_933 = vector.shape_cast %squeeze3A_932 : vector<32x1xi32> to vector<32x1xi32>
      %broadcast_in_dim3A_934 = vector.broadcast %broadcast_in_dim3A_933 : vector<32x1xi32> to vector<32x64xi32>
      %select_n3A_935 = arith.select %eq3A_931, %broadcast_in_dim3A_934, %select_n3A_905 : vector<32x64xi1>, vector<32x64xi32>
      %eq3A_936 = vector.broadcast %broadcast_in_dim3A_921 : vector<32x1x1xi32> to vector<32x32x128xi32>
      %eq3A_937 = arith.cmpi eq, %add3A, %eq3A_936 : vector<32x32x128xi32>
      %jit3A_938 = arith.constant 0xFF800000 : f32
      %broadcast_in_dim3A_939 = vector.broadcast %jit3A_938 : f32 to vector<32x32x128xf32>
      %select_n3A_940 = arith.select %eq3A_937, %broadcast_in_dim3A_939, %select_n3A_910 : vector<32x32x128xi1>, vector<32x32x128xf32>
      %reduce_max3A_941 = arith.constant dense<0xFF800000> : vector<32xf32>
      %reduce_max3A_942 = vector.multi_reduction <maximumf>, %select_n3A_940, %reduce_max3A_941 [1, 2] : vector<32x32x128xf32> to vector<32xf32>
      %broadcast_in_dim3A_943 = vector.shape_cast %reduce_max3A_942 : vector<32xf32> to vector<32x1x1xf32>
      %eq3A_944 = vector.broadcast %broadcast_in_dim3A_943 : vector<32x1x1xf32> to vector<32x32x128xf32>
      %eq3A_945 = arith.cmpf oeq, %select_n3A_940, %eq3A_944 : vector<32x32x128xf32>
      %jit3A_946 = arith.constant 4096 : i32
      %broadcast_in_dim3A_947 = vector.broadcast %jit3A_946 : i32 to vector<32x32x128xi32>
      %select_n3A_948 = arith.select %eq3A_945, %add3A, %broadcast_in_dim3A_947 : vector<32x32x128xi1>, vector<32x32x128xi32>
      %reduce_min3A_949 = arith.constant dense<2147483647> : vector<32xi32>
      %reduce_min3A_950 = vector.multi_reduction <minsi>, %select_n3A_948, %reduce_min3A_949 [1, 2] : vector<32x32x128xi32> to vector<32xi32>
      %broadcast_in_dim3A_951 = vector.shape_cast %reduce_min3A_950 : vector<32xi32> to vector<32x1x1xi32>
      %eq3A_952 = arith.constant 31 : i32
      %eq3A_953 = vector.broadcast %eq3A_952 : i32 to vector<32x64xi32>
      %eq3A_954 = arith.cmpi eq, %iota3A_12, %eq3A_953 : vector<32x64xi32>
      %squeeze3A_955 = vector.shape_cast %broadcast_in_dim3A_943 : vector<32x1x1xf32> to vector<32x1xf32>
      %broadcast_in_dim3A_956 = vector.shape_cast %squeeze3A_955 : vector<32x1xf32> to vector<32x1xf32>
      %broadcast_in_dim3A_957 = vector.broadcast %broadcast_in_dim3A_956 : vector<32x1xf32> to vector<32x64xf32>
      %select_n3A_958 = arith.select %eq3A_954, %broadcast_in_dim3A_957, %select_n3A_928 : vector<32x64xi1>, vector<32x64xf32>
      %eq3A_959 = arith.constant 31 : i32
      %eq3A_960 = vector.broadcast %eq3A_959 : i32 to vector<32x64xi32>
      %eq3A_961 = arith.cmpi eq, %iota3A_12, %eq3A_960 : vector<32x64xi32>
      %squeeze3A_962 = vector.shape_cast %broadcast_in_dim3A_951 : vector<32x1x1xi32> to vector<32x1xi32>
      %broadcast_in_dim3A_963 = vector.shape_cast %squeeze3A_962 : vector<32x1xi32> to vector<32x1xi32>
      %broadcast_in_dim3A_964 = vector.broadcast %broadcast_in_dim3A_963 : vector<32x1xi32> to vector<32x64xi32>
      %select_n3A_965 = arith.select %eq3A_961, %broadcast_in_dim3A_964, %select_n3A_935 : vector<32x64xi1>, vector<32x64xi32>
      %eq3A_966 = vector.broadcast %broadcast_in_dim3A_951 : vector<32x1x1xi32> to vector<32x32x128xi32>
      %eq3A_967 = arith.cmpi eq, %add3A, %eq3A_966 : vector<32x32x128xi32>
      %jit3A_968 = arith.constant 0xFF800000 : f32
      %broadcast_in_dim3A_969 = vector.broadcast %jit3A_968 : f32 to vector<32x32x128xf32>
      %select_n3A_970 = arith.select %eq3A_967, %broadcast_in_dim3A_969, %select_n3A_940 : vector<32x32x128xi1>, vector<32x32x128xf32>
      %reduce_max3A_971 = arith.constant dense<0xFF800000> : vector<32xf32>
      %reduce_max3A_972 = vector.multi_reduction <maximumf>, %select_n3A_970, %reduce_max3A_971 [1, 2] : vector<32x32x128xf32> to vector<32xf32>
      %broadcast_in_dim3A_973 = vector.shape_cast %reduce_max3A_972 : vector<32xf32> to vector<32x1x1xf32>
      %eq3A_974 = vector.broadcast %broadcast_in_dim3A_973 : vector<32x1x1xf32> to vector<32x32x128xf32>
      %eq3A_975 = arith.cmpf oeq, %select_n3A_970, %eq3A_974 : vector<32x32x128xf32>
      %jit3A_976 = arith.constant 4096 : i32
      %broadcast_in_dim3A_977 = vector.broadcast %jit3A_976 : i32 to vector<32x32x128xi32>
      %select_n3A_978 = arith.select %eq3A_975, %add3A, %broadcast_in_dim3A_977 : vector<32x32x128xi1>, vector<32x32x128xi32>
      %reduce_min3A_979 = arith.constant dense<2147483647> : vector<32xi32>
      %reduce_min3A_980 = vector.multi_reduction <minsi>, %select_n3A_978, %reduce_min3A_979 [1, 2] : vector<32x32x128xi32> to vector<32xi32>
      %broadcast_in_dim3A_981 = vector.shape_cast %reduce_min3A_980 : vector<32xi32> to vector<32x1x1xi32>
      %eq3A_982 = arith.constant 32 : i32
      %eq3A_983 = vector.broadcast %eq3A_982 : i32 to vector<32x64xi32>
      %eq3A_984 = arith.cmpi eq, %iota3A_12, %eq3A_983 : vector<32x64xi32>
      %squeeze3A_985 = vector.shape_cast %broadcast_in_dim3A_973 : vector<32x1x1xf32> to vector<32x1xf32>
      %broadcast_in_dim3A_986 = vector.shape_cast %squeeze3A_985 : vector<32x1xf32> to vector<32x1xf32>
      %broadcast_in_dim3A_987 = vector.broadcast %broadcast_in_dim3A_986 : vector<32x1xf32> to vector<32x64xf32>
      %select_n3A_988 = arith.select %eq3A_984, %broadcast_in_dim3A_987, %select_n3A_958 : vector<32x64xi1>, vector<32x64xf32>
      %eq3A_989 = arith.constant 32 : i32
      %eq3A_990 = vector.broadcast %eq3A_989 : i32 to vector<32x64xi32>
      %eq3A_991 = arith.cmpi eq, %iota3A_12, %eq3A_990 : vector<32x64xi32>
      %squeeze3A_992 = vector.shape_cast %broadcast_in_dim3A_981 : vector<32x1x1xi32> to vector<32x1xi32>
      %broadcast_in_dim3A_993 = vector.shape_cast %squeeze3A_992 : vector<32x1xi32> to vector<32x1xi32>
      %broadcast_in_dim3A_994 = vector.broadcast %broadcast_in_dim3A_993 : vector<32x1xi32> to vector<32x64xi32>
      %select_n3A_995 = arith.select %eq3A_991, %broadcast_in_dim3A_994, %select_n3A_965 : vector<32x64xi1>, vector<32x64xi32>
      %eq3A_996 = vector.broadcast %broadcast_in_dim3A_981 : vector<32x1x1xi32> to vector<32x32x128xi32>
      %eq3A_997 = arith.cmpi eq, %add3A, %eq3A_996 : vector<32x32x128xi32>
      %jit3A_998 = arith.constant 0xFF800000 : f32
      %broadcast_in_dim3A_999 = vector.broadcast %jit3A_998 : f32 to vector<32x32x128xf32>
      %select_n3A_1000 = arith.select %eq3A_997, %broadcast_in_dim3A_999, %select_n3A_970 : vector<32x32x128xi1>, vector<32x32x128xf32>
      %reduce_max3A_1001 = arith.constant dense<0xFF800000> : vector<32xf32>
      %reduce_max3A_1002 = vector.multi_reduction <maximumf>, %select_n3A_1000, %reduce_max3A_1001 [1, 2] : vector<32x32x128xf32> to vector<32xf32>
      %broadcast_in_dim3A_1003 = vector.shape_cast %reduce_max3A_1002 : vector<32xf32> to vector<32x1x1xf32>
      %eq3A_1004 = vector.broadcast %broadcast_in_dim3A_1003 : vector<32x1x1xf32> to vector<32x32x128xf32>
      %eq3A_1005 = arith.cmpf oeq, %select_n3A_1000, %eq3A_1004 : vector<32x32x128xf32>
      %jit3A_1006 = arith.constant 4096 : i32
      %broadcast_in_dim3A_1007 = vector.broadcast %jit3A_1006 : i32 to vector<32x32x128xi32>
      %select_n3A_1008 = arith.select %eq3A_1005, %add3A, %broadcast_in_dim3A_1007 : vector<32x32x128xi1>, vector<32x32x128xi32>
      %reduce_min3A_1009 = arith.constant dense<2147483647> : vector<32xi32>
      %reduce_min3A_1010 = vector.multi_reduction <minsi>, %select_n3A_1008, %reduce_min3A_1009 [1, 2] : vector<32x32x128xi32> to vector<32xi32>
      %broadcast_in_dim3A_1011 = vector.shape_cast %reduce_min3A_1010 : vector<32xi32> to vector<32x1x1xi32>
      %eq3A_1012 = arith.constant 33 : i32
      %eq3A_1013 = vector.broadcast %eq3A_1012 : i32 to vector<32x64xi32>
      %eq3A_1014 = arith.cmpi eq, %iota3A_12, %eq3A_1013 : vector<32x64xi32>
      %squeeze3A_1015 = vector.shape_cast %broadcast_in_dim3A_1003 : vector<32x1x1xf32> to vector<32x1xf32>
      %broadcast_in_dim3A_1016 = vector.shape_cast %squeeze3A_1015 : vector<32x1xf32> to vector<32x1xf32>
      %broadcast_in_dim3A_1017 = vector.broadcast %broadcast_in_dim3A_1016 : vector<32x1xf32> to vector<32x64xf32>
      %select_n3A_1018 = arith.select %eq3A_1014, %broadcast_in_dim3A_1017, %select_n3A_988 : vector<32x64xi1>, vector<32x64xf32>
      %eq3A_1019 = arith.constant 33 : i32
      %eq3A_1020 = vector.broadcast %eq3A_1019 : i32 to vector<32x64xi32>
      %eq3A_1021 = arith.cmpi eq, %iota3A_12, %eq3A_1020 : vector<32x64xi32>
      %squeeze3A_1022 = vector.shape_cast %broadcast_in_dim3A_1011 : vector<32x1x1xi32> to vector<32x1xi32>
      %broadcast_in_dim3A_1023 = vector.shape_cast %squeeze3A_1022 : vector<32x1xi32> to vector<32x1xi32>
      %broadcast_in_dim3A_1024 = vector.broadcast %broadcast_in_dim3A_1023 : vector<32x1xi32> to vector<32x64xi32>
      %select_n3A_1025 = arith.select %eq3A_1021, %broadcast_in_dim3A_1024, %select_n3A_995 : vector<32x64xi1>, vector<32x64xi32>
      %eq3A_1026 = vector.broadcast %broadcast_in_dim3A_1011 : vector<32x1x1xi32> to vector<32x32x128xi32>
      %eq3A_1027 = arith.cmpi eq, %add3A, %eq3A_1026 : vector<32x32x128xi32>
      %jit3A_1028 = arith.constant 0xFF800000 : f32
      %broadcast_in_dim3A_1029 = vector.broadcast %jit3A_1028 : f32 to vector<32x32x128xf32>
      %select_n3A_1030 = arith.select %eq3A_1027, %broadcast_in_dim3A_1029, %select_n3A_1000 : vector<32x32x128xi1>, vector<32x32x128xf32>
      %reduce_max3A_1031 = arith.constant dense<0xFF800000> : vector<32xf32>
      %reduce_max3A_1032 = vector.multi_reduction <maximumf>, %select_n3A_1030, %reduce_max3A_1031 [1, 2] : vector<32x32x128xf32> to vector<32xf32>
      %broadcast_in_dim3A_1033 = vector.shape_cast %reduce_max3A_1032 : vector<32xf32> to vector<32x1x1xf32>
      %eq3A_1034 = vector.broadcast %broadcast_in_dim3A_1033 : vector<32x1x1xf32> to vector<32x32x128xf32>
      %eq3A_1035 = arith.cmpf oeq, %select_n3A_1030, %eq3A_1034 : vector<32x32x128xf32>
      %jit3A_1036 = arith.constant 4096 : i32
      %broadcast_in_dim3A_1037 = vector.broadcast %jit3A_1036 : i32 to vector<32x32x128xi32>
      %select_n3A_1038 = arith.select %eq3A_1035, %add3A, %broadcast_in_dim3A_1037 : vector<32x32x128xi1>, vector<32x32x128xi32>
      %reduce_min3A_1039 = arith.constant dense<2147483647> : vector<32xi32>
      %reduce_min3A_1040 = vector.multi_reduction <minsi>, %select_n3A_1038, %reduce_min3A_1039 [1, 2] : vector<32x32x128xi32> to vector<32xi32>
      %broadcast_in_dim3A_1041 = vector.shape_cast %reduce_min3A_1040 : vector<32xi32> to vector<32x1x1xi32>
      %eq3A_1042 = arith.constant 34 : i32
      %eq3A_1043 = vector.broadcast %eq3A_1042 : i32 to vector<32x64xi32>
      %eq3A_1044 = arith.cmpi eq, %iota3A_12, %eq3A_1043 : vector<32x64xi32>
      %squeeze3A_1045 = vector.shape_cast %broadcast_in_dim3A_1033 : vector<32x1x1xf32> to vector<32x1xf32>
      %broadcast_in_dim3A_1046 = vector.shape_cast %squeeze3A_1045 : vector<32x1xf32> to vector<32x1xf32>
      %broadcast_in_dim3A_1047 = vector.broadcast %broadcast_in_dim3A_1046 : vector<32x1xf32> to vector<32x64xf32>
      %select_n3A_1048 = arith.select %eq3A_1044, %broadcast_in_dim3A_1047, %select_n3A_1018 : vector<32x64xi1>, vector<32x64xf32>
      %eq3A_1049 = arith.constant 34 : i32
      %eq3A_1050 = vector.broadcast %eq3A_1049 : i32 to vector<32x64xi32>
      %eq3A_1051 = arith.cmpi eq, %iota3A_12, %eq3A_1050 : vector<32x64xi32>
      %squeeze3A_1052 = vector.shape_cast %broadcast_in_dim3A_1041 : vector<32x1x1xi32> to vector<32x1xi32>
      %broadcast_in_dim3A_1053 = vector.shape_cast %squeeze3A_1052 : vector<32x1xi32> to vector<32x1xi32>
      %broadcast_in_dim3A_1054 = vector.broadcast %broadcast_in_dim3A_1053 : vector<32x1xi32> to vector<32x64xi32>
      %select_n3A_1055 = arith.select %eq3A_1051, %broadcast_in_dim3A_1054, %select_n3A_1025 : vector<32x64xi1>, vector<32x64xi32>
      %eq3A_1056 = vector.broadcast %broadcast_in_dim3A_1041 : vector<32x1x1xi32> to vector<32x32x128xi32>
      %eq3A_1057 = arith.cmpi eq, %add3A, %eq3A_1056 : vector<32x32x128xi32>
      %jit3A_1058 = arith.constant 0xFF800000 : f32
      %broadcast_in_dim3A_1059 = vector.broadcast %jit3A_1058 : f32 to vector<32x32x128xf32>
      %select_n3A_1060 = arith.select %eq3A_1057, %broadcast_in_dim3A_1059, %select_n3A_1030 : vector<32x32x128xi1>, vector<32x32x128xf32>
      %reduce_max3A_1061 = arith.constant dense<0xFF800000> : vector<32xf32>
      %reduce_max3A_1062 = vector.multi_reduction <maximumf>, %select_n3A_1060, %reduce_max3A_1061 [1, 2] : vector<32x32x128xf32> to vector<32xf32>
      %broadcast_in_dim3A_1063 = vector.shape_cast %reduce_max3A_1062 : vector<32xf32> to vector<32x1x1xf32>
      %eq3A_1064 = vector.broadcast %broadcast_in_dim3A_1063 : vector<32x1x1xf32> to vector<32x32x128xf32>
      %eq3A_1065 = arith.cmpf oeq, %select_n3A_1060, %eq3A_1064 : vector<32x32x128xf32>
      %jit3A_1066 = arith.constant 4096 : i32
      %broadcast_in_dim3A_1067 = vector.broadcast %jit3A_1066 : i32 to vector<32x32x128xi32>
      %select_n3A_1068 = arith.select %eq3A_1065, %add3A, %broadcast_in_dim3A_1067 : vector<32x32x128xi1>, vector<32x32x128xi32>
      %reduce_min3A_1069 = arith.constant dense<2147483647> : vector<32xi32>
      %reduce_min3A_1070 = vector.multi_reduction <minsi>, %select_n3A_1068, %reduce_min3A_1069 [1, 2] : vector<32x32x128xi32> to vector<32xi32>
      %broadcast_in_dim3A_1071 = vector.shape_cast %reduce_min3A_1070 : vector<32xi32> to vector<32x1x1xi32>
      %eq3A_1072 = arith.constant 35 : i32
      %eq3A_1073 = vector.broadcast %eq3A_1072 : i32 to vector<32x64xi32>
      %eq3A_1074 = arith.cmpi eq, %iota3A_12, %eq3A_1073 : vector<32x64xi32>
      %squeeze3A_1075 = vector.shape_cast %broadcast_in_dim3A_1063 : vector<32x1x1xf32> to vector<32x1xf32>
      %broadcast_in_dim3A_1076 = vector.shape_cast %squeeze3A_1075 : vector<32x1xf32> to vector<32x1xf32>
      %broadcast_in_dim3A_1077 = vector.broadcast %broadcast_in_dim3A_1076 : vector<32x1xf32> to vector<32x64xf32>
      %select_n3A_1078 = arith.select %eq3A_1074, %broadcast_in_dim3A_1077, %select_n3A_1048 : vector<32x64xi1>, vector<32x64xf32>
      %eq3A_1079 = arith.constant 35 : i32
      %eq3A_1080 = vector.broadcast %eq3A_1079 : i32 to vector<32x64xi32>
      %eq3A_1081 = arith.cmpi eq, %iota3A_12, %eq3A_1080 : vector<32x64xi32>
      %squeeze3A_1082 = vector.shape_cast %broadcast_in_dim3A_1071 : vector<32x1x1xi32> to vector<32x1xi32>
      %broadcast_in_dim3A_1083 = vector.shape_cast %squeeze3A_1082 : vector<32x1xi32> to vector<32x1xi32>
      %broadcast_in_dim3A_1084 = vector.broadcast %broadcast_in_dim3A_1083 : vector<32x1xi32> to vector<32x64xi32>
      %select_n3A_1085 = arith.select %eq3A_1081, %broadcast_in_dim3A_1084, %select_n3A_1055 : vector<32x64xi1>, vector<32x64xi32>
      %eq3A_1086 = vector.broadcast %broadcast_in_dim3A_1071 : vector<32x1x1xi32> to vector<32x32x128xi32>
      %eq3A_1087 = arith.cmpi eq, %add3A, %eq3A_1086 : vector<32x32x128xi32>
      %jit3A_1088 = arith.constant 0xFF800000 : f32
      %broadcast_in_dim3A_1089 = vector.broadcast %jit3A_1088 : f32 to vector<32x32x128xf32>
      %select_n3A_1090 = arith.select %eq3A_1087, %broadcast_in_dim3A_1089, %select_n3A_1060 : vector<32x32x128xi1>, vector<32x32x128xf32>
      %reduce_max3A_1091 = arith.constant dense<0xFF800000> : vector<32xf32>
      %reduce_max3A_1092 = vector.multi_reduction <maximumf>, %select_n3A_1090, %reduce_max3A_1091 [1, 2] : vector<32x32x128xf32> to vector<32xf32>
      %broadcast_in_dim3A_1093 = vector.shape_cast %reduce_max3A_1092 : vector<32xf32> to vector<32x1x1xf32>
      %eq3A_1094 = vector.broadcast %broadcast_in_dim3A_1093 : vector<32x1x1xf32> to vector<32x32x128xf32>
      %eq3A_1095 = arith.cmpf oeq, %select_n3A_1090, %eq3A_1094 : vector<32x32x128xf32>
      %jit3A_1096 = arith.constant 4096 : i32
      %broadcast_in_dim3A_1097 = vector.broadcast %jit3A_1096 : i32 to vector<32x32x128xi32>
      %select_n3A_1098 = arith.select %eq3A_1095, %add3A, %broadcast_in_dim3A_1097 : vector<32x32x128xi1>, vector<32x32x128xi32>
      %reduce_min3A_1099 = arith.constant dense<2147483647> : vector<32xi32>
      %reduce_min3A_1100 = vector.multi_reduction <minsi>, %select_n3A_1098, %reduce_min3A_1099 [1, 2] : vector<32x32x128xi32> to vector<32xi32>
      %broadcast_in_dim3A_1101 = vector.shape_cast %reduce_min3A_1100 : vector<32xi32> to vector<32x1x1xi32>
      %eq3A_1102 = arith.constant 36 : i32
      %eq3A_1103 = vector.broadcast %eq3A_1102 : i32 to vector<32x64xi32>
      %eq3A_1104 = arith.cmpi eq, %iota3A_12, %eq3A_1103 : vector<32x64xi32>
      %squeeze3A_1105 = vector.shape_cast %broadcast_in_dim3A_1093 : vector<32x1x1xf32> to vector<32x1xf32>
      %broadcast_in_dim3A_1106 = vector.shape_cast %squeeze3A_1105 : vector<32x1xf32> to vector<32x1xf32>
      %broadcast_in_dim3A_1107 = vector.broadcast %broadcast_in_dim3A_1106 : vector<32x1xf32> to vector<32x64xf32>
      %select_n3A_1108 = arith.select %eq3A_1104, %broadcast_in_dim3A_1107, %select_n3A_1078 : vector<32x64xi1>, vector<32x64xf32>
      %eq3A_1109 = arith.constant 36 : i32
      %eq3A_1110 = vector.broadcast %eq3A_1109 : i32 to vector<32x64xi32>
      %eq3A_1111 = arith.cmpi eq, %iota3A_12, %eq3A_1110 : vector<32x64xi32>
      %squeeze3A_1112 = vector.shape_cast %broadcast_in_dim3A_1101 : vector<32x1x1xi32> to vector<32x1xi32>
      %broadcast_in_dim3A_1113 = vector.shape_cast %squeeze3A_1112 : vector<32x1xi32> to vector<32x1xi32>
      %broadcast_in_dim3A_1114 = vector.broadcast %broadcast_in_dim3A_1113 : vector<32x1xi32> to vector<32x64xi32>
      %select_n3A_1115 = arith.select %eq3A_1111, %broadcast_in_dim3A_1114, %select_n3A_1085 : vector<32x64xi1>, vector<32x64xi32>
      %eq3A_1116 = vector.broadcast %broadcast_in_dim3A_1101 : vector<32x1x1xi32> to vector<32x32x128xi32>
      %eq3A_1117 = arith.cmpi eq, %add3A, %eq3A_1116 : vector<32x32x128xi32>
      %jit3A_1118 = arith.constant 0xFF800000 : f32
      %broadcast_in_dim3A_1119 = vector.broadcast %jit3A_1118 : f32 to vector<32x32x128xf32>
      %select_n3A_1120 = arith.select %eq3A_1117, %broadcast_in_dim3A_1119, %select_n3A_1090 : vector<32x32x128xi1>, vector<32x32x128xf32>
      %reduce_max3A_1121 = arith.constant dense<0xFF800000> : vector<32xf32>
      %reduce_max3A_1122 = vector.multi_reduction <maximumf>, %select_n3A_1120, %reduce_max3A_1121 [1, 2] : vector<32x32x128xf32> to vector<32xf32>
      %broadcast_in_dim3A_1123 = vector.shape_cast %reduce_max3A_1122 : vector<32xf32> to vector<32x1x1xf32>
      %eq3A_1124 = vector.broadcast %broadcast_in_dim3A_1123 : vector<32x1x1xf32> to vector<32x32x128xf32>
      %eq3A_1125 = arith.cmpf oeq, %select_n3A_1120, %eq3A_1124 : vector<32x32x128xf32>
      %jit3A_1126 = arith.constant 4096 : i32
      %broadcast_in_dim3A_1127 = vector.broadcast %jit3A_1126 : i32 to vector<32x32x128xi32>
      %select_n3A_1128 = arith.select %eq3A_1125, %add3A, %broadcast_in_dim3A_1127 : vector<32x32x128xi1>, vector<32x32x128xi32>
      %reduce_min3A_1129 = arith.constant dense<2147483647> : vector<32xi32>
      %reduce_min3A_1130 = vector.multi_reduction <minsi>, %select_n3A_1128, %reduce_min3A_1129 [1, 2] : vector<32x32x128xi32> to vector<32xi32>
      %broadcast_in_dim3A_1131 = vector.shape_cast %reduce_min3A_1130 : vector<32xi32> to vector<32x1x1xi32>
      %eq3A_1132 = arith.constant 37 : i32
      %eq3A_1133 = vector.broadcast %eq3A_1132 : i32 to vector<32x64xi32>
      %eq3A_1134 = arith.cmpi eq, %iota3A_12, %eq3A_1133 : vector<32x64xi32>
      %squeeze3A_1135 = vector.shape_cast %broadcast_in_dim3A_1123 : vector<32x1x1xf32> to vector<32x1xf32>
      %broadcast_in_dim3A_1136 = vector.shape_cast %squeeze3A_1135 : vector<32x1xf32> to vector<32x1xf32>
      %broadcast_in_dim3A_1137 = vector.broadcast %broadcast_in_dim3A_1136 : vector<32x1xf32> to vector<32x64xf32>
      %select_n3A_1138 = arith.select %eq3A_1134, %broadcast_in_dim3A_1137, %select_n3A_1108 : vector<32x64xi1>, vector<32x64xf32>
      %eq3A_1139 = arith.constant 37 : i32
      %eq3A_1140 = vector.broadcast %eq3A_1139 : i32 to vector<32x64xi32>
      %eq3A_1141 = arith.cmpi eq, %iota3A_12, %eq3A_1140 : vector<32x64xi32>
      %squeeze3A_1142 = vector.shape_cast %broadcast_in_dim3A_1131 : vector<32x1x1xi32> to vector<32x1xi32>
      %broadcast_in_dim3A_1143 = vector.shape_cast %squeeze3A_1142 : vector<32x1xi32> to vector<32x1xi32>
      %broadcast_in_dim3A_1144 = vector.broadcast %broadcast_in_dim3A_1143 : vector<32x1xi32> to vector<32x64xi32>
      %select_n3A_1145 = arith.select %eq3A_1141, %broadcast_in_dim3A_1144, %select_n3A_1115 : vector<32x64xi1>, vector<32x64xi32>
      %eq3A_1146 = vector.broadcast %broadcast_in_dim3A_1131 : vector<32x1x1xi32> to vector<32x32x128xi32>
      %eq3A_1147 = arith.cmpi eq, %add3A, %eq3A_1146 : vector<32x32x128xi32>
      %jit3A_1148 = arith.constant 0xFF800000 : f32
      %broadcast_in_dim3A_1149 = vector.broadcast %jit3A_1148 : f32 to vector<32x32x128xf32>
      %select_n3A_1150 = arith.select %eq3A_1147, %broadcast_in_dim3A_1149, %select_n3A_1120 : vector<32x32x128xi1>, vector<32x32x128xf32>
      %reduce_max3A_1151 = arith.constant dense<0xFF800000> : vector<32xf32>
      %reduce_max3A_1152 = vector.multi_reduction <maximumf>, %select_n3A_1150, %reduce_max3A_1151 [1, 2] : vector<32x32x128xf32> to vector<32xf32>
      %broadcast_in_dim3A_1153 = vector.shape_cast %reduce_max3A_1152 : vector<32xf32> to vector<32x1x1xf32>
      %eq3A_1154 = vector.broadcast %broadcast_in_dim3A_1153 : vector<32x1x1xf32> to vector<32x32x128xf32>
      %eq3A_1155 = arith.cmpf oeq, %select_n3A_1150, %eq3A_1154 : vector<32x32x128xf32>
      %jit3A_1156 = arith.constant 4096 : i32
      %broadcast_in_dim3A_1157 = vector.broadcast %jit3A_1156 : i32 to vector<32x32x128xi32>
      %select_n3A_1158 = arith.select %eq3A_1155, %add3A, %broadcast_in_dim3A_1157 : vector<32x32x128xi1>, vector<32x32x128xi32>
      %reduce_min3A_1159 = arith.constant dense<2147483647> : vector<32xi32>
      %reduce_min3A_1160 = vector.multi_reduction <minsi>, %select_n3A_1158, %reduce_min3A_1159 [1, 2] : vector<32x32x128xi32> to vector<32xi32>
      %broadcast_in_dim3A_1161 = vector.shape_cast %reduce_min3A_1160 : vector<32xi32> to vector<32x1x1xi32>
      %eq3A_1162 = arith.constant 38 : i32
      %eq3A_1163 = vector.broadcast %eq3A_1162 : i32 to vector<32x64xi32>
      %eq3A_1164 = arith.cmpi eq, %iota3A_12, %eq3A_1163 : vector<32x64xi32>
      %squeeze3A_1165 = vector.shape_cast %broadcast_in_dim3A_1153 : vector<32x1x1xf32> to vector<32x1xf32>
      %broadcast_in_dim3A_1166 = vector.shape_cast %squeeze3A_1165 : vector<32x1xf32> to vector<32x1xf32>
      %broadcast_in_dim3A_1167 = vector.broadcast %broadcast_in_dim3A_1166 : vector<32x1xf32> to vector<32x64xf32>
      %select_n3A_1168 = arith.select %eq3A_1164, %broadcast_in_dim3A_1167, %select_n3A_1138 : vector<32x64xi1>, vector<32x64xf32>
      %eq3A_1169 = arith.constant 38 : i32
      %eq3A_1170 = vector.broadcast %eq3A_1169 : i32 to vector<32x64xi32>
      %eq3A_1171 = arith.cmpi eq, %iota3A_12, %eq3A_1170 : vector<32x64xi32>
      %squeeze3A_1172 = vector.shape_cast %broadcast_in_dim3A_1161 : vector<32x1x1xi32> to vector<32x1xi32>
      %broadcast_in_dim3A_1173 = vector.shape_cast %squeeze3A_1172 : vector<32x1xi32> to vector<32x1xi32>
      %broadcast_in_dim3A_1174 = vector.broadcast %broadcast_in_dim3A_1173 : vector<32x1xi32> to vector<32x64xi32>
      %select_n3A_1175 = arith.select %eq3A_1171, %broadcast_in_dim3A_1174, %select_n3A_1145 : vector<32x64xi1>, vector<32x64xi32>
      %eq3A_1176 = vector.broadcast %broadcast_in_dim3A_1161 : vector<32x1x1xi32> to vector<32x32x128xi32>
      %eq3A_1177 = arith.cmpi eq, %add3A, %eq3A_1176 : vector<32x32x128xi32>
      %jit3A_1178 = arith.constant 0xFF800000 : f32
      %broadcast_in_dim3A_1179 = vector.broadcast %jit3A_1178 : f32 to vector<32x32x128xf32>
      %select_n3A_1180 = arith.select %eq3A_1177, %broadcast_in_dim3A_1179, %select_n3A_1150 : vector<32x32x128xi1>, vector<32x32x128xf32>
      %reduce_max3A_1181 = arith.constant dense<0xFF800000> : vector<32xf32>
      %reduce_max3A_1182 = vector.multi_reduction <maximumf>, %select_n3A_1180, %reduce_max3A_1181 [1, 2] : vector<32x32x128xf32> to vector<32xf32>
      %broadcast_in_dim3A_1183 = vector.shape_cast %reduce_max3A_1182 : vector<32xf32> to vector<32x1x1xf32>
      %eq3A_1184 = vector.broadcast %broadcast_in_dim3A_1183 : vector<32x1x1xf32> to vector<32x32x128xf32>
      %eq3A_1185 = arith.cmpf oeq, %select_n3A_1180, %eq3A_1184 : vector<32x32x128xf32>
      %jit3A_1186 = arith.constant 4096 : i32
      %broadcast_in_dim3A_1187 = vector.broadcast %jit3A_1186 : i32 to vector<32x32x128xi32>
      %select_n3A_1188 = arith.select %eq3A_1185, %add3A, %broadcast_in_dim3A_1187 : vector<32x32x128xi1>, vector<32x32x128xi32>
      %reduce_min3A_1189 = arith.constant dense<2147483647> : vector<32xi32>
      %reduce_min3A_1190 = vector.multi_reduction <minsi>, %select_n3A_1188, %reduce_min3A_1189 [1, 2] : vector<32x32x128xi32> to vector<32xi32>
      %broadcast_in_dim3A_1191 = vector.shape_cast %reduce_min3A_1190 : vector<32xi32> to vector<32x1x1xi32>
      %eq3A_1192 = arith.constant 39 : i32
      %eq3A_1193 = vector.broadcast %eq3A_1192 : i32 to vector<32x64xi32>
      %eq3A_1194 = arith.cmpi eq, %iota3A_12, %eq3A_1193 : vector<32x64xi32>
      %squeeze3A_1195 = vector.shape_cast %broadcast_in_dim3A_1183 : vector<32x1x1xf32> to vector<32x1xf32>
      %broadcast_in_dim3A_1196 = vector.shape_cast %squeeze3A_1195 : vector<32x1xf32> to vector<32x1xf32>
      %broadcast_in_dim3A_1197 = vector.broadcast %broadcast_in_dim3A_1196 : vector<32x1xf32> to vector<32x64xf32>
      %select_n3A_1198 = arith.select %eq3A_1194, %broadcast_in_dim3A_1197, %select_n3A_1168 : vector<32x64xi1>, vector<32x64xf32>
      %eq3A_1199 = arith.constant 39 : i32
      %eq3A_1200 = vector.broadcast %eq3A_1199 : i32 to vector<32x64xi32>
      %eq3A_1201 = arith.cmpi eq, %iota3A_12, %eq3A_1200 : vector<32x64xi32>
      %squeeze3A_1202 = vector.shape_cast %broadcast_in_dim3A_1191 : vector<32x1x1xi32> to vector<32x1xi32>
      %broadcast_in_dim3A_1203 = vector.shape_cast %squeeze3A_1202 : vector<32x1xi32> to vector<32x1xi32>
      %broadcast_in_dim3A_1204 = vector.broadcast %broadcast_in_dim3A_1203 : vector<32x1xi32> to vector<32x64xi32>
      %select_n3A_1205 = arith.select %eq3A_1201, %broadcast_in_dim3A_1204, %select_n3A_1175 : vector<32x64xi1>, vector<32x64xi32>
      %eq3A_1206 = vector.broadcast %broadcast_in_dim3A_1191 : vector<32x1x1xi32> to vector<32x32x128xi32>
      %eq3A_1207 = arith.cmpi eq, %add3A, %eq3A_1206 : vector<32x32x128xi32>
      %jit3A_1208 = arith.constant 0xFF800000 : f32
      %broadcast_in_dim3A_1209 = vector.broadcast %jit3A_1208 : f32 to vector<32x32x128xf32>
      %select_n3A_1210 = arith.select %eq3A_1207, %broadcast_in_dim3A_1209, %select_n3A_1180 : vector<32x32x128xi1>, vector<32x32x128xf32>
      %reduce_max3A_1211 = arith.constant dense<0xFF800000> : vector<32xf32>
      %reduce_max3A_1212 = vector.multi_reduction <maximumf>, %select_n3A_1210, %reduce_max3A_1211 [1, 2] : vector<32x32x128xf32> to vector<32xf32>
      %broadcast_in_dim3A_1213 = vector.shape_cast %reduce_max3A_1212 : vector<32xf32> to vector<32x1x1xf32>
      %eq3A_1214 = vector.broadcast %broadcast_in_dim3A_1213 : vector<32x1x1xf32> to vector<32x32x128xf32>
      %eq3A_1215 = arith.cmpf oeq, %select_n3A_1210, %eq3A_1214 : vector<32x32x128xf32>
      %jit3A_1216 = arith.constant 4096 : i32
      %broadcast_in_dim3A_1217 = vector.broadcast %jit3A_1216 : i32 to vector<32x32x128xi32>
      %select_n3A_1218 = arith.select %eq3A_1215, %add3A, %broadcast_in_dim3A_1217 : vector<32x32x128xi1>, vector<32x32x128xi32>
      %reduce_min3A_1219 = arith.constant dense<2147483647> : vector<32xi32>
      %reduce_min3A_1220 = vector.multi_reduction <minsi>, %select_n3A_1218, %reduce_min3A_1219 [1, 2] : vector<32x32x128xi32> to vector<32xi32>
      %broadcast_in_dim3A_1221 = vector.shape_cast %reduce_min3A_1220 : vector<32xi32> to vector<32x1x1xi32>
      %eq3A_1222 = arith.constant 40 : i32
      %eq3A_1223 = vector.broadcast %eq3A_1222 : i32 to vector<32x64xi32>
      %eq3A_1224 = arith.cmpi eq, %iota3A_12, %eq3A_1223 : vector<32x64xi32>
      %squeeze3A_1225 = vector.shape_cast %broadcast_in_dim3A_1213 : vector<32x1x1xf32> to vector<32x1xf32>
      %broadcast_in_dim3A_1226 = vector.shape_cast %squeeze3A_1225 : vector<32x1xf32> to vector<32x1xf32>
      %broadcast_in_dim3A_1227 = vector.broadcast %broadcast_in_dim3A_1226 : vector<32x1xf32> to vector<32x64xf32>
      %select_n3A_1228 = arith.select %eq3A_1224, %broadcast_in_dim3A_1227, %select_n3A_1198 : vector<32x64xi1>, vector<32x64xf32>
      %eq3A_1229 = arith.constant 40 : i32
      %eq3A_1230 = vector.broadcast %eq3A_1229 : i32 to vector<32x64xi32>
      %eq3A_1231 = arith.cmpi eq, %iota3A_12, %eq3A_1230 : vector<32x64xi32>
      %squeeze3A_1232 = vector.shape_cast %broadcast_in_dim3A_1221 : vector<32x1x1xi32> to vector<32x1xi32>
      %broadcast_in_dim3A_1233 = vector.shape_cast %squeeze3A_1232 : vector<32x1xi32> to vector<32x1xi32>
      %broadcast_in_dim3A_1234 = vector.broadcast %broadcast_in_dim3A_1233 : vector<32x1xi32> to vector<32x64xi32>
      %select_n3A_1235 = arith.select %eq3A_1231, %broadcast_in_dim3A_1234, %select_n3A_1205 : vector<32x64xi1>, vector<32x64xi32>
      %eq3A_1236 = vector.broadcast %broadcast_in_dim3A_1221 : vector<32x1x1xi32> to vector<32x32x128xi32>
      %eq3A_1237 = arith.cmpi eq, %add3A, %eq3A_1236 : vector<32x32x128xi32>
      %jit3A_1238 = arith.constant 0xFF800000 : f32
      %broadcast_in_dim3A_1239 = vector.broadcast %jit3A_1238 : f32 to vector<32x32x128xf32>
      %select_n3A_1240 = arith.select %eq3A_1237, %broadcast_in_dim3A_1239, %select_n3A_1210 : vector<32x32x128xi1>, vector<32x32x128xf32>
      %reduce_max3A_1241 = arith.constant dense<0xFF800000> : vector<32xf32>
      %reduce_max3A_1242 = vector.multi_reduction <maximumf>, %select_n3A_1240, %reduce_max3A_1241 [1, 2] : vector<32x32x128xf32> to vector<32xf32>
      %broadcast_in_dim3A_1243 = vector.shape_cast %reduce_max3A_1242 : vector<32xf32> to vector<32x1x1xf32>
      %eq3A_1244 = vector.broadcast %broadcast_in_dim3A_1243 : vector<32x1x1xf32> to vector<32x32x128xf32>
      %eq3A_1245 = arith.cmpf oeq, %select_n3A_1240, %eq3A_1244 : vector<32x32x128xf32>
      %jit3A_1246 = arith.constant 4096 : i32
      %broadcast_in_dim3A_1247 = vector.broadcast %jit3A_1246 : i32 to vector<32x32x128xi32>
      %select_n3A_1248 = arith.select %eq3A_1245, %add3A, %broadcast_in_dim3A_1247 : vector<32x32x128xi1>, vector<32x32x128xi32>
      %reduce_min3A_1249 = arith.constant dense<2147483647> : vector<32xi32>
      %reduce_min3A_1250 = vector.multi_reduction <minsi>, %select_n3A_1248, %reduce_min3A_1249 [1, 2] : vector<32x32x128xi32> to vector<32xi32>
      %broadcast_in_dim3A_1251 = vector.shape_cast %reduce_min3A_1250 : vector<32xi32> to vector<32x1x1xi32>
      %eq3A_1252 = arith.constant 41 : i32
      %eq3A_1253 = vector.broadcast %eq3A_1252 : i32 to vector<32x64xi32>
      %eq3A_1254 = arith.cmpi eq, %iota3A_12, %eq3A_1253 : vector<32x64xi32>
      %squeeze3A_1255 = vector.shape_cast %broadcast_in_dim3A_1243 : vector<32x1x1xf32> to vector<32x1xf32>
      %broadcast_in_dim3A_1256 = vector.shape_cast %squeeze3A_1255 : vector<32x1xf32> to vector<32x1xf32>
      %broadcast_in_dim3A_1257 = vector.broadcast %broadcast_in_dim3A_1256 : vector<32x1xf32> to vector<32x64xf32>
      %select_n3A_1258 = arith.select %eq3A_1254, %broadcast_in_dim3A_1257, %select_n3A_1228 : vector<32x64xi1>, vector<32x64xf32>
      %eq3A_1259 = arith.constant 41 : i32
      %eq3A_1260 = vector.broadcast %eq3A_1259 : i32 to vector<32x64xi32>
      %eq3A_1261 = arith.cmpi eq, %iota3A_12, %eq3A_1260 : vector<32x64xi32>
      %squeeze3A_1262 = vector.shape_cast %broadcast_in_dim3A_1251 : vector<32x1x1xi32> to vector<32x1xi32>
      %broadcast_in_dim3A_1263 = vector.shape_cast %squeeze3A_1262 : vector<32x1xi32> to vector<32x1xi32>
      %broadcast_in_dim3A_1264 = vector.broadcast %broadcast_in_dim3A_1263 : vector<32x1xi32> to vector<32x64xi32>
      %select_n3A_1265 = arith.select %eq3A_1261, %broadcast_in_dim3A_1264, %select_n3A_1235 : vector<32x64xi1>, vector<32x64xi32>
      %eq3A_1266 = vector.broadcast %broadcast_in_dim3A_1251 : vector<32x1x1xi32> to vector<32x32x128xi32>
      %eq3A_1267 = arith.cmpi eq, %add3A, %eq3A_1266 : vector<32x32x128xi32>
      %jit3A_1268 = arith.constant 0xFF800000 : f32
      %broadcast_in_dim3A_1269 = vector.broadcast %jit3A_1268 : f32 to vector<32x32x128xf32>
      %select_n3A_1270 = arith.select %eq3A_1267, %broadcast_in_dim3A_1269, %select_n3A_1240 : vector<32x32x128xi1>, vector<32x32x128xf32>
      %reduce_max3A_1271 = arith.constant dense<0xFF800000> : vector<32xf32>
      %reduce_max3A_1272 = vector.multi_reduction <maximumf>, %select_n3A_1270, %reduce_max3A_1271 [1, 2] : vector<32x32x128xf32> to vector<32xf32>
      %broadcast_in_dim3A_1273 = vector.shape_cast %reduce_max3A_1272 : vector<32xf32> to vector<32x1x1xf32>
      %eq3A_1274 = vector.broadcast %broadcast_in_dim3A_1273 : vector<32x1x1xf32> to vector<32x32x128xf32>
      %eq3A_1275 = arith.cmpf oeq, %select_n3A_1270, %eq3A_1274 : vector<32x32x128xf32>
      %jit3A_1276 = arith.constant 4096 : i32
      %broadcast_in_dim3A_1277 = vector.broadcast %jit3A_1276 : i32 to vector<32x32x128xi32>
      %select_n3A_1278 = arith.select %eq3A_1275, %add3A, %broadcast_in_dim3A_1277 : vector<32x32x128xi1>, vector<32x32x128xi32>
      %reduce_min3A_1279 = arith.constant dense<2147483647> : vector<32xi32>
      %reduce_min3A_1280 = vector.multi_reduction <minsi>, %select_n3A_1278, %reduce_min3A_1279 [1, 2] : vector<32x32x128xi32> to vector<32xi32>
      %broadcast_in_dim3A_1281 = vector.shape_cast %reduce_min3A_1280 : vector<32xi32> to vector<32x1x1xi32>
      %eq3A_1282 = arith.constant 42 : i32
      %eq3A_1283 = vector.broadcast %eq3A_1282 : i32 to vector<32x64xi32>
      %eq3A_1284 = arith.cmpi eq, %iota3A_12, %eq3A_1283 : vector<32x64xi32>
      %squeeze3A_1285 = vector.shape_cast %broadcast_in_dim3A_1273 : vector<32x1x1xf32> to vector<32x1xf32>
      %broadcast_in_dim3A_1286 = vector.shape_cast %squeeze3A_1285 : vector<32x1xf32> to vector<32x1xf32>
      %broadcast_in_dim3A_1287 = vector.broadcast %broadcast_in_dim3A_1286 : vector<32x1xf32> to vector<32x64xf32>
      %select_n3A_1288 = arith.select %eq3A_1284, %broadcast_in_dim3A_1287, %select_n3A_1258 : vector<32x64xi1>, vector<32x64xf32>
      %eq3A_1289 = arith.constant 42 : i32
      %eq3A_1290 = vector.broadcast %eq3A_1289 : i32 to vector<32x64xi32>
      %eq3A_1291 = arith.cmpi eq, %iota3A_12, %eq3A_1290 : vector<32x64xi32>
      %squeeze3A_1292 = vector.shape_cast %broadcast_in_dim3A_1281 : vector<32x1x1xi32> to vector<32x1xi32>
      %broadcast_in_dim3A_1293 = vector.shape_cast %squeeze3A_1292 : vector<32x1xi32> to vector<32x1xi32>
      %broadcast_in_dim3A_1294 = vector.broadcast %broadcast_in_dim3A_1293 : vector<32x1xi32> to vector<32x64xi32>
      %select_n3A_1295 = arith.select %eq3A_1291, %broadcast_in_dim3A_1294, %select_n3A_1265 : vector<32x64xi1>, vector<32x64xi32>
      %eq3A_1296 = vector.broadcast %broadcast_in_dim3A_1281 : vector<32x1x1xi32> to vector<32x32x128xi32>
      %eq3A_1297 = arith.cmpi eq, %add3A, %eq3A_1296 : vector<32x32x128xi32>
      %jit3A_1298 = arith.constant 0xFF800000 : f32
      %broadcast_in_dim3A_1299 = vector.broadcast %jit3A_1298 : f32 to vector<32x32x128xf32>
      %select_n3A_1300 = arith.select %eq3A_1297, %broadcast_in_dim3A_1299, %select_n3A_1270 : vector<32x32x128xi1>, vector<32x32x128xf32>
      %reduce_max3A_1301 = arith.constant dense<0xFF800000> : vector<32xf32>
      %reduce_max3A_1302 = vector.multi_reduction <maximumf>, %select_n3A_1300, %reduce_max3A_1301 [1, 2] : vector<32x32x128xf32> to vector<32xf32>
      %broadcast_in_dim3A_1303 = vector.shape_cast %reduce_max3A_1302 : vector<32xf32> to vector<32x1x1xf32>
      %eq3A_1304 = vector.broadcast %broadcast_in_dim3A_1303 : vector<32x1x1xf32> to vector<32x32x128xf32>
      %eq3A_1305 = arith.cmpf oeq, %select_n3A_1300, %eq3A_1304 : vector<32x32x128xf32>
      %jit3A_1306 = arith.constant 4096 : i32
      %broadcast_in_dim3A_1307 = vector.broadcast %jit3A_1306 : i32 to vector<32x32x128xi32>
      %select_n3A_1308 = arith.select %eq3A_1305, %add3A, %broadcast_in_dim3A_1307 : vector<32x32x128xi1>, vector<32x32x128xi32>
      %reduce_min3A_1309 = arith.constant dense<2147483647> : vector<32xi32>
      %reduce_min3A_1310 = vector.multi_reduction <minsi>, %select_n3A_1308, %reduce_min3A_1309 [1, 2] : vector<32x32x128xi32> to vector<32xi32>
      %broadcast_in_dim3A_1311 = vector.shape_cast %reduce_min3A_1310 : vector<32xi32> to vector<32x1x1xi32>
      %eq3A_1312 = arith.constant 43 : i32
      %eq3A_1313 = vector.broadcast %eq3A_1312 : i32 to vector<32x64xi32>
      %eq3A_1314 = arith.cmpi eq, %iota3A_12, %eq3A_1313 : vector<32x64xi32>
      %squeeze3A_1315 = vector.shape_cast %broadcast_in_dim3A_1303 : vector<32x1x1xf32> to vector<32x1xf32>
      %broadcast_in_dim3A_1316 = vector.shape_cast %squeeze3A_1315 : vector<32x1xf32> to vector<32x1xf32>
      %broadcast_in_dim3A_1317 = vector.broadcast %broadcast_in_dim3A_1316 : vector<32x1xf32> to vector<32x64xf32>
      %select_n3A_1318 = arith.select %eq3A_1314, %broadcast_in_dim3A_1317, %select_n3A_1288 : vector<32x64xi1>, vector<32x64xf32>
      %eq3A_1319 = arith.constant 43 : i32
      %eq3A_1320 = vector.broadcast %eq3A_1319 : i32 to vector<32x64xi32>
      %eq3A_1321 = arith.cmpi eq, %iota3A_12, %eq3A_1320 : vector<32x64xi32>
      %squeeze3A_1322 = vector.shape_cast %broadcast_in_dim3A_1311 : vector<32x1x1xi32> to vector<32x1xi32>
      %broadcast_in_dim3A_1323 = vector.shape_cast %squeeze3A_1322 : vector<32x1xi32> to vector<32x1xi32>
      %broadcast_in_dim3A_1324 = vector.broadcast %broadcast_in_dim3A_1323 : vector<32x1xi32> to vector<32x64xi32>
      %select_n3A_1325 = arith.select %eq3A_1321, %broadcast_in_dim3A_1324, %select_n3A_1295 : vector<32x64xi1>, vector<32x64xi32>
      %eq3A_1326 = vector.broadcast %broadcast_in_dim3A_1311 : vector<32x1x1xi32> to vector<32x32x128xi32>
      %eq3A_1327 = arith.cmpi eq, %add3A, %eq3A_1326 : vector<32x32x128xi32>
      %jit3A_1328 = arith.constant 0xFF800000 : f32
      %broadcast_in_dim3A_1329 = vector.broadcast %jit3A_1328 : f32 to vector<32x32x128xf32>
      %select_n3A_1330 = arith.select %eq3A_1327, %broadcast_in_dim3A_1329, %select_n3A_1300 : vector<32x32x128xi1>, vector<32x32x128xf32>
      %reduce_max3A_1331 = arith.constant dense<0xFF800000> : vector<32xf32>
      %reduce_max3A_1332 = vector.multi_reduction <maximumf>, %select_n3A_1330, %reduce_max3A_1331 [1, 2] : vector<32x32x128xf32> to vector<32xf32>
      %broadcast_in_dim3A_1333 = vector.shape_cast %reduce_max3A_1332 : vector<32xf32> to vector<32x1x1xf32>
      %eq3A_1334 = vector.broadcast %broadcast_in_dim3A_1333 : vector<32x1x1xf32> to vector<32x32x128xf32>
      %eq3A_1335 = arith.cmpf oeq, %select_n3A_1330, %eq3A_1334 : vector<32x32x128xf32>
      %jit3A_1336 = arith.constant 4096 : i32
      %broadcast_in_dim3A_1337 = vector.broadcast %jit3A_1336 : i32 to vector<32x32x128xi32>
      %select_n3A_1338 = arith.select %eq3A_1335, %add3A, %broadcast_in_dim3A_1337 : vector<32x32x128xi1>, vector<32x32x128xi32>
      %reduce_min3A_1339 = arith.constant dense<2147483647> : vector<32xi32>
      %reduce_min3A_1340 = vector.multi_reduction <minsi>, %select_n3A_1338, %reduce_min3A_1339 [1, 2] : vector<32x32x128xi32> to vector<32xi32>
      %broadcast_in_dim3A_1341 = vector.shape_cast %reduce_min3A_1340 : vector<32xi32> to vector<32x1x1xi32>
      %eq3A_1342 = arith.constant 44 : i32
      %eq3A_1343 = vector.broadcast %eq3A_1342 : i32 to vector<32x64xi32>
      %eq3A_1344 = arith.cmpi eq, %iota3A_12, %eq3A_1343 : vector<32x64xi32>
      %squeeze3A_1345 = vector.shape_cast %broadcast_in_dim3A_1333 : vector<32x1x1xf32> to vector<32x1xf32>
      %broadcast_in_dim3A_1346 = vector.shape_cast %squeeze3A_1345 : vector<32x1xf32> to vector<32x1xf32>
      %broadcast_in_dim3A_1347 = vector.broadcast %broadcast_in_dim3A_1346 : vector<32x1xf32> to vector<32x64xf32>
      %select_n3A_1348 = arith.select %eq3A_1344, %broadcast_in_dim3A_1347, %select_n3A_1318 : vector<32x64xi1>, vector<32x64xf32>
      %eq3A_1349 = arith.constant 44 : i32
      %eq3A_1350 = vector.broadcast %eq3A_1349 : i32 to vector<32x64xi32>
      %eq3A_1351 = arith.cmpi eq, %iota3A_12, %eq3A_1350 : vector<32x64xi32>
      %squeeze3A_1352 = vector.shape_cast %broadcast_in_dim3A_1341 : vector<32x1x1xi32> to vector<32x1xi32>
      %broadcast_in_dim3A_1353 = vector.shape_cast %squeeze3A_1352 : vector<32x1xi32> to vector<32x1xi32>
      %broadcast_in_dim3A_1354 = vector.broadcast %broadcast_in_dim3A_1353 : vector<32x1xi32> to vector<32x64xi32>
      %select_n3A_1355 = arith.select %eq3A_1351, %broadcast_in_dim3A_1354, %select_n3A_1325 : vector<32x64xi1>, vector<32x64xi32>
      %eq3A_1356 = vector.broadcast %broadcast_in_dim3A_1341 : vector<32x1x1xi32> to vector<32x32x128xi32>
      %eq3A_1357 = arith.cmpi eq, %add3A, %eq3A_1356 : vector<32x32x128xi32>
      %jit3A_1358 = arith.constant 0xFF800000 : f32
      %broadcast_in_dim3A_1359 = vector.broadcast %jit3A_1358 : f32 to vector<32x32x128xf32>
      %select_n3A_1360 = arith.select %eq3A_1357, %broadcast_in_dim3A_1359, %select_n3A_1330 : vector<32x32x128xi1>, vector<32x32x128xf32>
      %reduce_max3A_1361 = arith.constant dense<0xFF800000> : vector<32xf32>
      %reduce_max3A_1362 = vector.multi_reduction <maximumf>, %select_n3A_1360, %reduce_max3A_1361 [1, 2] : vector<32x32x128xf32> to vector<32xf32>
      %broadcast_in_dim3A_1363 = vector.shape_cast %reduce_max3A_1362 : vector<32xf32> to vector<32x1x1xf32>
      %eq3A_1364 = vector.broadcast %broadcast_in_dim3A_1363 : vector<32x1x1xf32> to vector<32x32x128xf32>
      %eq3A_1365 = arith.cmpf oeq, %select_n3A_1360, %eq3A_1364 : vector<32x32x128xf32>
      %jit3A_1366 = arith.constant 4096 : i32
      %broadcast_in_dim3A_1367 = vector.broadcast %jit3A_1366 : i32 to vector<32x32x128xi32>
      %select_n3A_1368 = arith.select %eq3A_1365, %add3A, %broadcast_in_dim3A_1367 : vector<32x32x128xi1>, vector<32x32x128xi32>
      %reduce_min3A_1369 = arith.constant dense<2147483647> : vector<32xi32>
      %reduce_min3A_1370 = vector.multi_reduction <minsi>, %select_n3A_1368, %reduce_min3A_1369 [1, 2] : vector<32x32x128xi32> to vector<32xi32>
      %broadcast_in_dim3A_1371 = vector.shape_cast %reduce_min3A_1370 : vector<32xi32> to vector<32x1x1xi32>
      %eq3A_1372 = arith.constant 45 : i32
      %eq3A_1373 = vector.broadcast %eq3A_1372 : i32 to vector<32x64xi32>
      %eq3A_1374 = arith.cmpi eq, %iota3A_12, %eq3A_1373 : vector<32x64xi32>
      %squeeze3A_1375 = vector.shape_cast %broadcast_in_dim3A_1363 : vector<32x1x1xf32> to vector<32x1xf32>
      %broadcast_in_dim3A_1376 = vector.shape_cast %squeeze3A_1375 : vector<32x1xf32> to vector<32x1xf32>
      %broadcast_in_dim3A_1377 = vector.broadcast %broadcast_in_dim3A_1376 : vector<32x1xf32> to vector<32x64xf32>
      %select_n3A_1378 = arith.select %eq3A_1374, %broadcast_in_dim3A_1377, %select_n3A_1348 : vector<32x64xi1>, vector<32x64xf32>
      %eq3A_1379 = arith.constant 45 : i32
      %eq3A_1380 = vector.broadcast %eq3A_1379 : i32 to vector<32x64xi32>
      %eq3A_1381 = arith.cmpi eq, %iota3A_12, %eq3A_1380 : vector<32x64xi32>
      %squeeze3A_1382 = vector.shape_cast %broadcast_in_dim3A_1371 : vector<32x1x1xi32> to vector<32x1xi32>
      %broadcast_in_dim3A_1383 = vector.shape_cast %squeeze3A_1382 : vector<32x1xi32> to vector<32x1xi32>
      %broadcast_in_dim3A_1384 = vector.broadcast %broadcast_in_dim3A_1383 : vector<32x1xi32> to vector<32x64xi32>
      %select_n3A_1385 = arith.select %eq3A_1381, %broadcast_in_dim3A_1384, %select_n3A_1355 : vector<32x64xi1>, vector<32x64xi32>
      %eq3A_1386 = vector.broadcast %broadcast_in_dim3A_1371 : vector<32x1x1xi32> to vector<32x32x128xi32>
      %eq3A_1387 = arith.cmpi eq, %add3A, %eq3A_1386 : vector<32x32x128xi32>
      %jit3A_1388 = arith.constant 0xFF800000 : f32
      %broadcast_in_dim3A_1389 = vector.broadcast %jit3A_1388 : f32 to vector<32x32x128xf32>
      %select_n3A_1390 = arith.select %eq3A_1387, %broadcast_in_dim3A_1389, %select_n3A_1360 : vector<32x32x128xi1>, vector<32x32x128xf32>
      %reduce_max3A_1391 = arith.constant dense<0xFF800000> : vector<32xf32>
      %reduce_max3A_1392 = vector.multi_reduction <maximumf>, %select_n3A_1390, %reduce_max3A_1391 [1, 2] : vector<32x32x128xf32> to vector<32xf32>
      %broadcast_in_dim3A_1393 = vector.shape_cast %reduce_max3A_1392 : vector<32xf32> to vector<32x1x1xf32>
      %eq3A_1394 = vector.broadcast %broadcast_in_dim3A_1393 : vector<32x1x1xf32> to vector<32x32x128xf32>
      %eq3A_1395 = arith.cmpf oeq, %select_n3A_1390, %eq3A_1394 : vector<32x32x128xf32>
      %jit3A_1396 = arith.constant 4096 : i32
      %broadcast_in_dim3A_1397 = vector.broadcast %jit3A_1396 : i32 to vector<32x32x128xi32>
      %select_n3A_1398 = arith.select %eq3A_1395, %add3A, %broadcast_in_dim3A_1397 : vector<32x32x128xi1>, vector<32x32x128xi32>
      %reduce_min3A_1399 = arith.constant dense<2147483647> : vector<32xi32>
      %reduce_min3A_1400 = vector.multi_reduction <minsi>, %select_n3A_1398, %reduce_min3A_1399 [1, 2] : vector<32x32x128xi32> to vector<32xi32>
      %broadcast_in_dim3A_1401 = vector.shape_cast %reduce_min3A_1400 : vector<32xi32> to vector<32x1x1xi32>
      %eq3A_1402 = arith.constant 46 : i32
      %eq3A_1403 = vector.broadcast %eq3A_1402 : i32 to vector<32x64xi32>
      %eq3A_1404 = arith.cmpi eq, %iota3A_12, %eq3A_1403 : vector<32x64xi32>
      %squeeze3A_1405 = vector.shape_cast %broadcast_in_dim3A_1393 : vector<32x1x1xf32> to vector<32x1xf32>
      %broadcast_in_dim3A_1406 = vector.shape_cast %squeeze3A_1405 : vector<32x1xf32> to vector<32x1xf32>
      %broadcast_in_dim3A_1407 = vector.broadcast %broadcast_in_dim3A_1406 : vector<32x1xf32> to vector<32x64xf32>
      %select_n3A_1408 = arith.select %eq3A_1404, %broadcast_in_dim3A_1407, %select_n3A_1378 : vector<32x64xi1>, vector<32x64xf32>
      %eq3A_1409 = arith.constant 46 : i32
      %eq3A_1410 = vector.broadcast %eq3A_1409 : i32 to vector<32x64xi32>
      %eq3A_1411 = arith.cmpi eq, %iota3A_12, %eq3A_1410 : vector<32x64xi32>
      %squeeze3A_1412 = vector.shape_cast %broadcast_in_dim3A_1401 : vector<32x1x1xi32> to vector<32x1xi32>
      %broadcast_in_dim3A_1413 = vector.shape_cast %squeeze3A_1412 : vector<32x1xi32> to vector<32x1xi32>
      %broadcast_in_dim3A_1414 = vector.broadcast %broadcast_in_dim3A_1413 : vector<32x1xi32> to vector<32x64xi32>
      %select_n3A_1415 = arith.select %eq3A_1411, %broadcast_in_dim3A_1414, %select_n3A_1385 : vector<32x64xi1>, vector<32x64xi32>
      %eq3A_1416 = vector.broadcast %broadcast_in_dim3A_1401 : vector<32x1x1xi32> to vector<32x32x128xi32>
      %eq3A_1417 = arith.cmpi eq, %add3A, %eq3A_1416 : vector<32x32x128xi32>
      %jit3A_1418 = arith.constant 0xFF800000 : f32
      %broadcast_in_dim3A_1419 = vector.broadcast %jit3A_1418 : f32 to vector<32x32x128xf32>
      %select_n3A_1420 = arith.select %eq3A_1417, %broadcast_in_dim3A_1419, %select_n3A_1390 : vector<32x32x128xi1>, vector<32x32x128xf32>
      %reduce_max3A_1421 = arith.constant dense<0xFF800000> : vector<32xf32>
      %reduce_max3A_1422 = vector.multi_reduction <maximumf>, %select_n3A_1420, %reduce_max3A_1421 [1, 2] : vector<32x32x128xf32> to vector<32xf32>
      %broadcast_in_dim3A_1423 = vector.shape_cast %reduce_max3A_1422 : vector<32xf32> to vector<32x1x1xf32>
      %eq3A_1424 = vector.broadcast %broadcast_in_dim3A_1423 : vector<32x1x1xf32> to vector<32x32x128xf32>
      %eq3A_1425 = arith.cmpf oeq, %select_n3A_1420, %eq3A_1424 : vector<32x32x128xf32>
      %jit3A_1426 = arith.constant 4096 : i32
      %broadcast_in_dim3A_1427 = vector.broadcast %jit3A_1426 : i32 to vector<32x32x128xi32>
      %select_n3A_1428 = arith.select %eq3A_1425, %add3A, %broadcast_in_dim3A_1427 : vector<32x32x128xi1>, vector<32x32x128xi32>
      %reduce_min3A_1429 = arith.constant dense<2147483647> : vector<32xi32>
      %reduce_min3A_1430 = vector.multi_reduction <minsi>, %select_n3A_1428, %reduce_min3A_1429 [1, 2] : vector<32x32x128xi32> to vector<32xi32>
      %broadcast_in_dim3A_1431 = vector.shape_cast %reduce_min3A_1430 : vector<32xi32> to vector<32x1x1xi32>
      %eq3A_1432 = arith.constant 47 : i32
      %eq3A_1433 = vector.broadcast %eq3A_1432 : i32 to vector<32x64xi32>
      %eq3A_1434 = arith.cmpi eq, %iota3A_12, %eq3A_1433 : vector<32x64xi32>
      %squeeze3A_1435 = vector.shape_cast %broadcast_in_dim3A_1423 : vector<32x1x1xf32> to vector<32x1xf32>
      %broadcast_in_dim3A_1436 = vector.shape_cast %squeeze3A_1435 : vector<32x1xf32> to vector<32x1xf32>
      %broadcast_in_dim3A_1437 = vector.broadcast %broadcast_in_dim3A_1436 : vector<32x1xf32> to vector<32x64xf32>
      %select_n3A_1438 = arith.select %eq3A_1434, %broadcast_in_dim3A_1437, %select_n3A_1408 : vector<32x64xi1>, vector<32x64xf32>
      %eq3A_1439 = arith.constant 47 : i32
      %eq3A_1440 = vector.broadcast %eq3A_1439 : i32 to vector<32x64xi32>
      %eq3A_1441 = arith.cmpi eq, %iota3A_12, %eq3A_1440 : vector<32x64xi32>
      %squeeze3A_1442 = vector.shape_cast %broadcast_in_dim3A_1431 : vector<32x1x1xi32> to vector<32x1xi32>
      %broadcast_in_dim3A_1443 = vector.shape_cast %squeeze3A_1442 : vector<32x1xi32> to vector<32x1xi32>
      %broadcast_in_dim3A_1444 = vector.broadcast %broadcast_in_dim3A_1443 : vector<32x1xi32> to vector<32x64xi32>
      %select_n3A_1445 = arith.select %eq3A_1441, %broadcast_in_dim3A_1444, %select_n3A_1415 : vector<32x64xi1>, vector<32x64xi32>
      %eq3A_1446 = vector.broadcast %broadcast_in_dim3A_1431 : vector<32x1x1xi32> to vector<32x32x128xi32>
      %eq3A_1447 = arith.cmpi eq, %add3A, %eq3A_1446 : vector<32x32x128xi32>
      %jit3A_1448 = arith.constant 0xFF800000 : f32
      %broadcast_in_dim3A_1449 = vector.broadcast %jit3A_1448 : f32 to vector<32x32x128xf32>
      %select_n3A_1450 = arith.select %eq3A_1447, %broadcast_in_dim3A_1449, %select_n3A_1420 : vector<32x32x128xi1>, vector<32x32x128xf32>
      %reduce_max3A_1451 = arith.constant dense<0xFF800000> : vector<32xf32>
      %reduce_max3A_1452 = vector.multi_reduction <maximumf>, %select_n3A_1450, %reduce_max3A_1451 [1, 2] : vector<32x32x128xf32> to vector<32xf32>
      %broadcast_in_dim3A_1453 = vector.shape_cast %reduce_max3A_1452 : vector<32xf32> to vector<32x1x1xf32>
      %eq3A_1454 = vector.broadcast %broadcast_in_dim3A_1453 : vector<32x1x1xf32> to vector<32x32x128xf32>
      %eq3A_1455 = arith.cmpf oeq, %select_n3A_1450, %eq3A_1454 : vector<32x32x128xf32>
      %jit3A_1456 = arith.constant 4096 : i32
      %broadcast_in_dim3A_1457 = vector.broadcast %jit3A_1456 : i32 to vector<32x32x128xi32>
      %select_n3A_1458 = arith.select %eq3A_1455, %add3A, %broadcast_in_dim3A_1457 : vector<32x32x128xi1>, vector<32x32x128xi32>
      %reduce_min3A_1459 = arith.constant dense<2147483647> : vector<32xi32>
      %reduce_min3A_1460 = vector.multi_reduction <minsi>, %select_n3A_1458, %reduce_min3A_1459 [1, 2] : vector<32x32x128xi32> to vector<32xi32>
      %broadcast_in_dim3A_1461 = vector.shape_cast %reduce_min3A_1460 : vector<32xi32> to vector<32x1x1xi32>
      %eq3A_1462 = arith.constant 48 : i32
      %eq3A_1463 = vector.broadcast %eq3A_1462 : i32 to vector<32x64xi32>
      %eq3A_1464 = arith.cmpi eq, %iota3A_12, %eq3A_1463 : vector<32x64xi32>
      %squeeze3A_1465 = vector.shape_cast %broadcast_in_dim3A_1453 : vector<32x1x1xf32> to vector<32x1xf32>
      %broadcast_in_dim3A_1466 = vector.shape_cast %squeeze3A_1465 : vector<32x1xf32> to vector<32x1xf32>
      %broadcast_in_dim3A_1467 = vector.broadcast %broadcast_in_dim3A_1466 : vector<32x1xf32> to vector<32x64xf32>
      %select_n3A_1468 = arith.select %eq3A_1464, %broadcast_in_dim3A_1467, %select_n3A_1438 : vector<32x64xi1>, vector<32x64xf32>
      %eq3A_1469 = arith.constant 48 : i32
      %eq3A_1470 = vector.broadcast %eq3A_1469 : i32 to vector<32x64xi32>
      %eq3A_1471 = arith.cmpi eq, %iota3A_12, %eq3A_1470 : vector<32x64xi32>
      %squeeze3A_1472 = vector.shape_cast %broadcast_in_dim3A_1461 : vector<32x1x1xi32> to vector<32x1xi32>
      %broadcast_in_dim3A_1473 = vector.shape_cast %squeeze3A_1472 : vector<32x1xi32> to vector<32x1xi32>
      %broadcast_in_dim3A_1474 = vector.broadcast %broadcast_in_dim3A_1473 : vector<32x1xi32> to vector<32x64xi32>
      %select_n3A_1475 = arith.select %eq3A_1471, %broadcast_in_dim3A_1474, %select_n3A_1445 : vector<32x64xi1>, vector<32x64xi32>
      %eq3A_1476 = vector.broadcast %broadcast_in_dim3A_1461 : vector<32x1x1xi32> to vector<32x32x128xi32>
      %eq3A_1477 = arith.cmpi eq, %add3A, %eq3A_1476 : vector<32x32x128xi32>
      %jit3A_1478 = arith.constant 0xFF800000 : f32
      %broadcast_in_dim3A_1479 = vector.broadcast %jit3A_1478 : f32 to vector<32x32x128xf32>
      %select_n3A_1480 = arith.select %eq3A_1477, %broadcast_in_dim3A_1479, %select_n3A_1450 : vector<32x32x128xi1>, vector<32x32x128xf32>
      %reduce_max3A_1481 = arith.constant dense<0xFF800000> : vector<32xf32>
      %reduce_max3A_1482 = vector.multi_reduction <maximumf>, %select_n3A_1480, %reduce_max3A_1481 [1, 2] : vector<32x32x128xf32> to vector<32xf32>
      %broadcast_in_dim3A_1483 = vector.shape_cast %reduce_max3A_1482 : vector<32xf32> to vector<32x1x1xf32>
      %eq3A_1484 = vector.broadcast %broadcast_in_dim3A_1483 : vector<32x1x1xf32> to vector<32x32x128xf32>
      %eq3A_1485 = arith.cmpf oeq, %select_n3A_1480, %eq3A_1484 : vector<32x32x128xf32>
      %jit3A_1486 = arith.constant 4096 : i32
      %broadcast_in_dim3A_1487 = vector.broadcast %jit3A_1486 : i32 to vector<32x32x128xi32>
      %select_n3A_1488 = arith.select %eq3A_1485, %add3A, %broadcast_in_dim3A_1487 : vector<32x32x128xi1>, vector<32x32x128xi32>
      %reduce_min3A_1489 = arith.constant dense<2147483647> : vector<32xi32>
      %reduce_min3A_1490 = vector.multi_reduction <minsi>, %select_n3A_1488, %reduce_min3A_1489 [1, 2] : vector<32x32x128xi32> to vector<32xi32>
      %broadcast_in_dim3A_1491 = vector.shape_cast %reduce_min3A_1490 : vector<32xi32> to vector<32x1x1xi32>
      %eq3A_1492 = arith.constant 49 : i32
      %eq3A_1493 = vector.broadcast %eq3A_1492 : i32 to vector<32x64xi32>
      %eq3A_1494 = arith.cmpi eq, %iota3A_12, %eq3A_1493 : vector<32x64xi32>
      %squeeze3A_1495 = vector.shape_cast %broadcast_in_dim3A_1483 : vector<32x1x1xf32> to vector<32x1xf32>
      %broadcast_in_dim3A_1496 = vector.shape_cast %squeeze3A_1495 : vector<32x1xf32> to vector<32x1xf32>
      %broadcast_in_dim3A_1497 = vector.broadcast %broadcast_in_dim3A_1496 : vector<32x1xf32> to vector<32x64xf32>
      %select_n3A_1498 = arith.select %eq3A_1494, %broadcast_in_dim3A_1497, %select_n3A_1468 : vector<32x64xi1>, vector<32x64xf32>
      %eq3A_1499 = arith.constant 49 : i32
      %eq3A_1500 = vector.broadcast %eq3A_1499 : i32 to vector<32x64xi32>
      %eq3A_1501 = arith.cmpi eq, %iota3A_12, %eq3A_1500 : vector<32x64xi32>
      %squeeze3A_1502 = vector.shape_cast %broadcast_in_dim3A_1491 : vector<32x1x1xi32> to vector<32x1xi32>
      %broadcast_in_dim3A_1503 = vector.shape_cast %squeeze3A_1502 : vector<32x1xi32> to vector<32x1xi32>
      %broadcast_in_dim3A_1504 = vector.broadcast %broadcast_in_dim3A_1503 : vector<32x1xi32> to vector<32x64xi32>
      %select_n3A_1505 = arith.select %eq3A_1501, %broadcast_in_dim3A_1504, %select_n3A_1475 : vector<32x64xi1>, vector<32x64xi32>
      %eq3A_1506 = vector.broadcast %broadcast_in_dim3A_1491 : vector<32x1x1xi32> to vector<32x32x128xi32>
      %eq3A_1507 = arith.cmpi eq, %add3A, %eq3A_1506 : vector<32x32x128xi32>
      %jit3A_1508 = arith.constant 0xFF800000 : f32
      %broadcast_in_dim3A_1509 = vector.broadcast %jit3A_1508 : f32 to vector<32x32x128xf32>
      %select_n3A_1510 = arith.select %eq3A_1507, %broadcast_in_dim3A_1509, %select_n3A_1480 : vector<32x32x128xi1>, vector<32x32x128xf32>
      %reduce_max3A_1511 = arith.constant dense<0xFF800000> : vector<32xf32>
      %reduce_max3A_1512 = vector.multi_reduction <maximumf>, %select_n3A_1510, %reduce_max3A_1511 [1, 2] : vector<32x32x128xf32> to vector<32xf32>
      %broadcast_in_dim3A_1513 = vector.shape_cast %reduce_max3A_1512 : vector<32xf32> to vector<32x1x1xf32>
      %eq3A_1514 = vector.broadcast %broadcast_in_dim3A_1513 : vector<32x1x1xf32> to vector<32x32x128xf32>
      %eq3A_1515 = arith.cmpf oeq, %select_n3A_1510, %eq3A_1514 : vector<32x32x128xf32>
      %jit3A_1516 = arith.constant 4096 : i32
      %broadcast_in_dim3A_1517 = vector.broadcast %jit3A_1516 : i32 to vector<32x32x128xi32>
      %select_n3A_1518 = arith.select %eq3A_1515, %add3A, %broadcast_in_dim3A_1517 : vector<32x32x128xi1>, vector<32x32x128xi32>
      %reduce_min3A_1519 = arith.constant dense<2147483647> : vector<32xi32>
      %reduce_min3A_1520 = vector.multi_reduction <minsi>, %select_n3A_1518, %reduce_min3A_1519 [1, 2] : vector<32x32x128xi32> to vector<32xi32>
      %broadcast_in_dim3A_1521 = vector.shape_cast %reduce_min3A_1520 : vector<32xi32> to vector<32x1x1xi32>
      %eq3A_1522 = arith.constant 50 : i32
      %eq3A_1523 = vector.broadcast %eq3A_1522 : i32 to vector<32x64xi32>
      %eq3A_1524 = arith.cmpi eq, %iota3A_12, %eq3A_1523 : vector<32x64xi32>
      %squeeze3A_1525 = vector.shape_cast %broadcast_in_dim3A_1513 : vector<32x1x1xf32> to vector<32x1xf32>
      %broadcast_in_dim3A_1526 = vector.shape_cast %squeeze3A_1525 : vector<32x1xf32> to vector<32x1xf32>
      %broadcast_in_dim3A_1527 = vector.broadcast %broadcast_in_dim3A_1526 : vector<32x1xf32> to vector<32x64xf32>
      %select_n3A_1528 = arith.select %eq3A_1524, %broadcast_in_dim3A_1527, %select_n3A_1498 : vector<32x64xi1>, vector<32x64xf32>
      %eq3A_1529 = arith.constant 50 : i32
      %eq3A_1530 = vector.broadcast %eq3A_1529 : i32 to vector<32x64xi32>
      %eq3A_1531 = arith.cmpi eq, %iota3A_12, %eq3A_1530 : vector<32x64xi32>
      %squeeze3A_1532 = vector.shape_cast %broadcast_in_dim3A_1521 : vector<32x1x1xi32> to vector<32x1xi32>
      %broadcast_in_dim3A_1533 = vector.shape_cast %squeeze3A_1532 : vector<32x1xi32> to vector<32x1xi32>
      %broadcast_in_dim3A_1534 = vector.broadcast %broadcast_in_dim3A_1533 : vector<32x1xi32> to vector<32x64xi32>
      %select_n3A_1535 = arith.select %eq3A_1531, %broadcast_in_dim3A_1534, %select_n3A_1505 : vector<32x64xi1>, vector<32x64xi32>
      %eq3A_1536 = vector.broadcast %broadcast_in_dim3A_1521 : vector<32x1x1xi32> to vector<32x32x128xi32>
      %eq3A_1537 = arith.cmpi eq, %add3A, %eq3A_1536 : vector<32x32x128xi32>
      %jit3A_1538 = arith.constant 0xFF800000 : f32
      %broadcast_in_dim3A_1539 = vector.broadcast %jit3A_1538 : f32 to vector<32x32x128xf32>
      %select_n3A_1540 = arith.select %eq3A_1537, %broadcast_in_dim3A_1539, %select_n3A_1510 : vector<32x32x128xi1>, vector<32x32x128xf32>
      %reduce_max3A_1541 = arith.constant dense<0xFF800000> : vector<32xf32>
      %reduce_max3A_1542 = vector.multi_reduction <maximumf>, %select_n3A_1540, %reduce_max3A_1541 [1, 2] : vector<32x32x128xf32> to vector<32xf32>
      %broadcast_in_dim3A_1543 = vector.shape_cast %reduce_max3A_1542 : vector<32xf32> to vector<32x1x1xf32>
      %eq3A_1544 = vector.broadcast %broadcast_in_dim3A_1543 : vector<32x1x1xf32> to vector<32x32x128xf32>
      %eq3A_1545 = arith.cmpf oeq, %select_n3A_1540, %eq3A_1544 : vector<32x32x128xf32>
      %jit3A_1546 = arith.constant 4096 : i32
      %broadcast_in_dim3A_1547 = vector.broadcast %jit3A_1546 : i32 to vector<32x32x128xi32>
      %select_n3A_1548 = arith.select %eq3A_1545, %add3A, %broadcast_in_dim3A_1547 : vector<32x32x128xi1>, vector<32x32x128xi32>
      %reduce_min3A_1549 = arith.constant dense<2147483647> : vector<32xi32>
      %reduce_min3A_1550 = vector.multi_reduction <minsi>, %select_n3A_1548, %reduce_min3A_1549 [1, 2] : vector<32x32x128xi32> to vector<32xi32>
      %broadcast_in_dim3A_1551 = vector.shape_cast %reduce_min3A_1550 : vector<32xi32> to vector<32x1x1xi32>
      %eq3A_1552 = arith.constant 51 : i32
      %eq3A_1553 = vector.broadcast %eq3A_1552 : i32 to vector<32x64xi32>
      %eq3A_1554 = arith.cmpi eq, %iota3A_12, %eq3A_1553 : vector<32x64xi32>
      %squeeze3A_1555 = vector.shape_cast %broadcast_in_dim3A_1543 : vector<32x1x1xf32> to vector<32x1xf32>
      %broadcast_in_dim3A_1556 = vector.shape_cast %squeeze3A_1555 : vector<32x1xf32> to vector<32x1xf32>
      %broadcast_in_dim3A_1557 = vector.broadcast %broadcast_in_dim3A_1556 : vector<32x1xf32> to vector<32x64xf32>
      %select_n3A_1558 = arith.select %eq3A_1554, %broadcast_in_dim3A_1557, %select_n3A_1528 : vector<32x64xi1>, vector<32x64xf32>
      %eq3A_1559 = arith.constant 51 : i32
      %eq3A_1560 = vector.broadcast %eq3A_1559 : i32 to vector<32x64xi32>
      %eq3A_1561 = arith.cmpi eq, %iota3A_12, %eq3A_1560 : vector<32x64xi32>
      %squeeze3A_1562 = vector.shape_cast %broadcast_in_dim3A_1551 : vector<32x1x1xi32> to vector<32x1xi32>
      %broadcast_in_dim3A_1563 = vector.shape_cast %squeeze3A_1562 : vector<32x1xi32> to vector<32x1xi32>
      %broadcast_in_dim3A_1564 = vector.broadcast %broadcast_in_dim3A_1563 : vector<32x1xi32> to vector<32x64xi32>
      %select_n3A_1565 = arith.select %eq3A_1561, %broadcast_in_dim3A_1564, %select_n3A_1535 : vector<32x64xi1>, vector<32x64xi32>
      %eq3A_1566 = vector.broadcast %broadcast_in_dim3A_1551 : vector<32x1x1xi32> to vector<32x32x128xi32>
      %eq3A_1567 = arith.cmpi eq, %add3A, %eq3A_1566 : vector<32x32x128xi32>
      %jit3A_1568 = arith.constant 0xFF800000 : f32
      %broadcast_in_dim3A_1569 = vector.broadcast %jit3A_1568 : f32 to vector<32x32x128xf32>
      %select_n3A_1570 = arith.select %eq3A_1567, %broadcast_in_dim3A_1569, %select_n3A_1540 : vector<32x32x128xi1>, vector<32x32x128xf32>
      %reduce_max3A_1571 = arith.constant dense<0xFF800000> : vector<32xf32>
      %reduce_max3A_1572 = vector.multi_reduction <maximumf>, %select_n3A_1570, %reduce_max3A_1571 [1, 2] : vector<32x32x128xf32> to vector<32xf32>
      %broadcast_in_dim3A_1573 = vector.shape_cast %reduce_max3A_1572 : vector<32xf32> to vector<32x1x1xf32>
      %eq3A_1574 = vector.broadcast %broadcast_in_dim3A_1573 : vector<32x1x1xf32> to vector<32x32x128xf32>
      %eq3A_1575 = arith.cmpf oeq, %select_n3A_1570, %eq3A_1574 : vector<32x32x128xf32>
      %jit3A_1576 = arith.constant 4096 : i32
      %broadcast_in_dim3A_1577 = vector.broadcast %jit3A_1576 : i32 to vector<32x32x128xi32>
      %select_n3A_1578 = arith.select %eq3A_1575, %add3A, %broadcast_in_dim3A_1577 : vector<32x32x128xi1>, vector<32x32x128xi32>
      %reduce_min3A_1579 = arith.constant dense<2147483647> : vector<32xi32>
      %reduce_min3A_1580 = vector.multi_reduction <minsi>, %select_n3A_1578, %reduce_min3A_1579 [1, 2] : vector<32x32x128xi32> to vector<32xi32>
      %broadcast_in_dim3A_1581 = vector.shape_cast %reduce_min3A_1580 : vector<32xi32> to vector<32x1x1xi32>
      %eq3A_1582 = arith.constant 52 : i32
      %eq3A_1583 = vector.broadcast %eq3A_1582 : i32 to vector<32x64xi32>
      %eq3A_1584 = arith.cmpi eq, %iota3A_12, %eq3A_1583 : vector<32x64xi32>
      %squeeze3A_1585 = vector.shape_cast %broadcast_in_dim3A_1573 : vector<32x1x1xf32> to vector<32x1xf32>
      %broadcast_in_dim3A_1586 = vector.shape_cast %squeeze3A_1585 : vector<32x1xf32> to vector<32x1xf32>
      %broadcast_in_dim3A_1587 = vector.broadcast %broadcast_in_dim3A_1586 : vector<32x1xf32> to vector<32x64xf32>
      %select_n3A_1588 = arith.select %eq3A_1584, %broadcast_in_dim3A_1587, %select_n3A_1558 : vector<32x64xi1>, vector<32x64xf32>
      %eq3A_1589 = arith.constant 52 : i32
      %eq3A_1590 = vector.broadcast %eq3A_1589 : i32 to vector<32x64xi32>
      %eq3A_1591 = arith.cmpi eq, %iota3A_12, %eq3A_1590 : vector<32x64xi32>
      %squeeze3A_1592 = vector.shape_cast %broadcast_in_dim3A_1581 : vector<32x1x1xi32> to vector<32x1xi32>
      %broadcast_in_dim3A_1593 = vector.shape_cast %squeeze3A_1592 : vector<32x1xi32> to vector<32x1xi32>
      %broadcast_in_dim3A_1594 = vector.broadcast %broadcast_in_dim3A_1593 : vector<32x1xi32> to vector<32x64xi32>
      %select_n3A_1595 = arith.select %eq3A_1591, %broadcast_in_dim3A_1594, %select_n3A_1565 : vector<32x64xi1>, vector<32x64xi32>
      %eq3A_1596 = vector.broadcast %broadcast_in_dim3A_1581 : vector<32x1x1xi32> to vector<32x32x128xi32>
      %eq3A_1597 = arith.cmpi eq, %add3A, %eq3A_1596 : vector<32x32x128xi32>
      %jit3A_1598 = arith.constant 0xFF800000 : f32
      %broadcast_in_dim3A_1599 = vector.broadcast %jit3A_1598 : f32 to vector<32x32x128xf32>
      %select_n3A_1600 = arith.select %eq3A_1597, %broadcast_in_dim3A_1599, %select_n3A_1570 : vector<32x32x128xi1>, vector<32x32x128xf32>
      %reduce_max3A_1601 = arith.constant dense<0xFF800000> : vector<32xf32>
      %reduce_max3A_1602 = vector.multi_reduction <maximumf>, %select_n3A_1600, %reduce_max3A_1601 [1, 2] : vector<32x32x128xf32> to vector<32xf32>
      %broadcast_in_dim3A_1603 = vector.shape_cast %reduce_max3A_1602 : vector<32xf32> to vector<32x1x1xf32>
      %eq3A_1604 = vector.broadcast %broadcast_in_dim3A_1603 : vector<32x1x1xf32> to vector<32x32x128xf32>
      %eq3A_1605 = arith.cmpf oeq, %select_n3A_1600, %eq3A_1604 : vector<32x32x128xf32>
      %jit3A_1606 = arith.constant 4096 : i32
      %broadcast_in_dim3A_1607 = vector.broadcast %jit3A_1606 : i32 to vector<32x32x128xi32>
      %select_n3A_1608 = arith.select %eq3A_1605, %add3A, %broadcast_in_dim3A_1607 : vector<32x32x128xi1>, vector<32x32x128xi32>
      %reduce_min3A_1609 = arith.constant dense<2147483647> : vector<32xi32>
      %reduce_min3A_1610 = vector.multi_reduction <minsi>, %select_n3A_1608, %reduce_min3A_1609 [1, 2] : vector<32x32x128xi32> to vector<32xi32>
      %broadcast_in_dim3A_1611 = vector.shape_cast %reduce_min3A_1610 : vector<32xi32> to vector<32x1x1xi32>
      %eq3A_1612 = arith.constant 53 : i32
      %eq3A_1613 = vector.broadcast %eq3A_1612 : i32 to vector<32x64xi32>
      %eq3A_1614 = arith.cmpi eq, %iota3A_12, %eq3A_1613 : vector<32x64xi32>
      %squeeze3A_1615 = vector.shape_cast %broadcast_in_dim3A_1603 : vector<32x1x1xf32> to vector<32x1xf32>
      %broadcast_in_dim3A_1616 = vector.shape_cast %squeeze3A_1615 : vector<32x1xf32> to vector<32x1xf32>
      %broadcast_in_dim3A_1617 = vector.broadcast %broadcast_in_dim3A_1616 : vector<32x1xf32> to vector<32x64xf32>
      %select_n3A_1618 = arith.select %eq3A_1614, %broadcast_in_dim3A_1617, %select_n3A_1588 : vector<32x64xi1>, vector<32x64xf32>
      %eq3A_1619 = arith.constant 53 : i32
      %eq3A_1620 = vector.broadcast %eq3A_1619 : i32 to vector<32x64xi32>
      %eq3A_1621 = arith.cmpi eq, %iota3A_12, %eq3A_1620 : vector<32x64xi32>
      %squeeze3A_1622 = vector.shape_cast %broadcast_in_dim3A_1611 : vector<32x1x1xi32> to vector<32x1xi32>
      %broadcast_in_dim3A_1623 = vector.shape_cast %squeeze3A_1622 : vector<32x1xi32> to vector<32x1xi32>
      %broadcast_in_dim3A_1624 = vector.broadcast %broadcast_in_dim3A_1623 : vector<32x1xi32> to vector<32x64xi32>
      %select_n3A_1625 = arith.select %eq3A_1621, %broadcast_in_dim3A_1624, %select_n3A_1595 : vector<32x64xi1>, vector<32x64xi32>
      %eq3A_1626 = vector.broadcast %broadcast_in_dim3A_1611 : vector<32x1x1xi32> to vector<32x32x128xi32>
      %eq3A_1627 = arith.cmpi eq, %add3A, %eq3A_1626 : vector<32x32x128xi32>
      %jit3A_1628 = arith.constant 0xFF800000 : f32
      %broadcast_in_dim3A_1629 = vector.broadcast %jit3A_1628 : f32 to vector<32x32x128xf32>
      %select_n3A_1630 = arith.select %eq3A_1627, %broadcast_in_dim3A_1629, %select_n3A_1600 : vector<32x32x128xi1>, vector<32x32x128xf32>
      %reduce_max3A_1631 = arith.constant dense<0xFF800000> : vector<32xf32>
      %reduce_max3A_1632 = vector.multi_reduction <maximumf>, %select_n3A_1630, %reduce_max3A_1631 [1, 2] : vector<32x32x128xf32> to vector<32xf32>
      %broadcast_in_dim3A_1633 = vector.shape_cast %reduce_max3A_1632 : vector<32xf32> to vector<32x1x1xf32>
      %eq3A_1634 = vector.broadcast %broadcast_in_dim3A_1633 : vector<32x1x1xf32> to vector<32x32x128xf32>
      %eq3A_1635 = arith.cmpf oeq, %select_n3A_1630, %eq3A_1634 : vector<32x32x128xf32>
      %jit3A_1636 = arith.constant 4096 : i32
      %broadcast_in_dim3A_1637 = vector.broadcast %jit3A_1636 : i32 to vector<32x32x128xi32>
      %select_n3A_1638 = arith.select %eq3A_1635, %add3A, %broadcast_in_dim3A_1637 : vector<32x32x128xi1>, vector<32x32x128xi32>
      %reduce_min3A_1639 = arith.constant dense<2147483647> : vector<32xi32>
      %reduce_min3A_1640 = vector.multi_reduction <minsi>, %select_n3A_1638, %reduce_min3A_1639 [1, 2] : vector<32x32x128xi32> to vector<32xi32>
      %broadcast_in_dim3A_1641 = vector.shape_cast %reduce_min3A_1640 : vector<32xi32> to vector<32x1x1xi32>
      %eq3A_1642 = arith.constant 54 : i32
      %eq3A_1643 = vector.broadcast %eq3A_1642 : i32 to vector<32x64xi32>
      %eq3A_1644 = arith.cmpi eq, %iota3A_12, %eq3A_1643 : vector<32x64xi32>
      %squeeze3A_1645 = vector.shape_cast %broadcast_in_dim3A_1633 : vector<32x1x1xf32> to vector<32x1xf32>
      %broadcast_in_dim3A_1646 = vector.shape_cast %squeeze3A_1645 : vector<32x1xf32> to vector<32x1xf32>
      %broadcast_in_dim3A_1647 = vector.broadcast %broadcast_in_dim3A_1646 : vector<32x1xf32> to vector<32x64xf32>
      %select_n3A_1648 = arith.select %eq3A_1644, %broadcast_in_dim3A_1647, %select_n3A_1618 : vector<32x64xi1>, vector<32x64xf32>
      %eq3A_1649 = arith.constant 54 : i32
      %eq3A_1650 = vector.broadcast %eq3A_1649 : i32 to vector<32x64xi32>
      %eq3A_1651 = arith.cmpi eq, %iota3A_12, %eq3A_1650 : vector<32x64xi32>
      %squeeze3A_1652 = vector.shape_cast %broadcast_in_dim3A_1641 : vector<32x1x1xi32> to vector<32x1xi32>
      %broadcast_in_dim3A_1653 = vector.shape_cast %squeeze3A_1652 : vector<32x1xi32> to vector<32x1xi32>
      %broadcast_in_dim3A_1654 = vector.broadcast %broadcast_in_dim3A_1653 : vector<32x1xi32> to vector<32x64xi32>
      %select_n3A_1655 = arith.select %eq3A_1651, %broadcast_in_dim3A_1654, %select_n3A_1625 : vector<32x64xi1>, vector<32x64xi32>
      %eq3A_1656 = vector.broadcast %broadcast_in_dim3A_1641 : vector<32x1x1xi32> to vector<32x32x128xi32>
      %eq3A_1657 = arith.cmpi eq, %add3A, %eq3A_1656 : vector<32x32x128xi32>
      %jit3A_1658 = arith.constant 0xFF800000 : f32
      %broadcast_in_dim3A_1659 = vector.broadcast %jit3A_1658 : f32 to vector<32x32x128xf32>
      %select_n3A_1660 = arith.select %eq3A_1657, %broadcast_in_dim3A_1659, %select_n3A_1630 : vector<32x32x128xi1>, vector<32x32x128xf32>
      %reduce_max3A_1661 = arith.constant dense<0xFF800000> : vector<32xf32>
      %reduce_max3A_1662 = vector.multi_reduction <maximumf>, %select_n3A_1660, %reduce_max3A_1661 [1, 2] : vector<32x32x128xf32> to vector<32xf32>
      %broadcast_in_dim3A_1663 = vector.shape_cast %reduce_max3A_1662 : vector<32xf32> to vector<32x1x1xf32>
      %eq3A_1664 = vector.broadcast %broadcast_in_dim3A_1663 : vector<32x1x1xf32> to vector<32x32x128xf32>
      %eq3A_1665 = arith.cmpf oeq, %select_n3A_1660, %eq3A_1664 : vector<32x32x128xf32>
      %jit3A_1666 = arith.constant 4096 : i32
      %broadcast_in_dim3A_1667 = vector.broadcast %jit3A_1666 : i32 to vector<32x32x128xi32>
      %select_n3A_1668 = arith.select %eq3A_1665, %add3A, %broadcast_in_dim3A_1667 : vector<32x32x128xi1>, vector<32x32x128xi32>
      %reduce_min3A_1669 = arith.constant dense<2147483647> : vector<32xi32>
      %reduce_min3A_1670 = vector.multi_reduction <minsi>, %select_n3A_1668, %reduce_min3A_1669 [1, 2] : vector<32x32x128xi32> to vector<32xi32>
      %broadcast_in_dim3A_1671 = vector.shape_cast %reduce_min3A_1670 : vector<32xi32> to vector<32x1x1xi32>
      %eq3A_1672 = arith.constant 55 : i32
      %eq3A_1673 = vector.broadcast %eq3A_1672 : i32 to vector<32x64xi32>
      %eq3A_1674 = arith.cmpi eq, %iota3A_12, %eq3A_1673 : vector<32x64xi32>
      %squeeze3A_1675 = vector.shape_cast %broadcast_in_dim3A_1663 : vector<32x1x1xf32> to vector<32x1xf32>
      %broadcast_in_dim3A_1676 = vector.shape_cast %squeeze3A_1675 : vector<32x1xf32> to vector<32x1xf32>
      %broadcast_in_dim3A_1677 = vector.broadcast %broadcast_in_dim3A_1676 : vector<32x1xf32> to vector<32x64xf32>
      %select_n3A_1678 = arith.select %eq3A_1674, %broadcast_in_dim3A_1677, %select_n3A_1648 : vector<32x64xi1>, vector<32x64xf32>
      %eq3A_1679 = arith.constant 55 : i32
      %eq3A_1680 = vector.broadcast %eq3A_1679 : i32 to vector<32x64xi32>
      %eq3A_1681 = arith.cmpi eq, %iota3A_12, %eq3A_1680 : vector<32x64xi32>
      %squeeze3A_1682 = vector.shape_cast %broadcast_in_dim3A_1671 : vector<32x1x1xi32> to vector<32x1xi32>
      %broadcast_in_dim3A_1683 = vector.shape_cast %squeeze3A_1682 : vector<32x1xi32> to vector<32x1xi32>
      %broadcast_in_dim3A_1684 = vector.broadcast %broadcast_in_dim3A_1683 : vector<32x1xi32> to vector<32x64xi32>
      %select_n3A_1685 = arith.select %eq3A_1681, %broadcast_in_dim3A_1684, %select_n3A_1655 : vector<32x64xi1>, vector<32x64xi32>
      %eq3A_1686 = vector.broadcast %broadcast_in_dim3A_1671 : vector<32x1x1xi32> to vector<32x32x128xi32>
      %eq3A_1687 = arith.cmpi eq, %add3A, %eq3A_1686 : vector<32x32x128xi32>
      %jit3A_1688 = arith.constant 0xFF800000 : f32
      %broadcast_in_dim3A_1689 = vector.broadcast %jit3A_1688 : f32 to vector<32x32x128xf32>
      %select_n3A_1690 = arith.select %eq3A_1687, %broadcast_in_dim3A_1689, %select_n3A_1660 : vector<32x32x128xi1>, vector<32x32x128xf32>
      %reduce_max3A_1691 = arith.constant dense<0xFF800000> : vector<32xf32>
      %reduce_max3A_1692 = vector.multi_reduction <maximumf>, %select_n3A_1690, %reduce_max3A_1691 [1, 2] : vector<32x32x128xf32> to vector<32xf32>
      %broadcast_in_dim3A_1693 = vector.shape_cast %reduce_max3A_1692 : vector<32xf32> to vector<32x1x1xf32>
      %eq3A_1694 = vector.broadcast %broadcast_in_dim3A_1693 : vector<32x1x1xf32> to vector<32x32x128xf32>
      %eq3A_1695 = arith.cmpf oeq, %select_n3A_1690, %eq3A_1694 : vector<32x32x128xf32>
      %jit3A_1696 = arith.constant 4096 : i32
      %broadcast_in_dim3A_1697 = vector.broadcast %jit3A_1696 : i32 to vector<32x32x128xi32>
      %select_n3A_1698 = arith.select %eq3A_1695, %add3A, %broadcast_in_dim3A_1697 : vector<32x32x128xi1>, vector<32x32x128xi32>
      %reduce_min3A_1699 = arith.constant dense<2147483647> : vector<32xi32>
      %reduce_min3A_1700 = vector.multi_reduction <minsi>, %select_n3A_1698, %reduce_min3A_1699 [1, 2] : vector<32x32x128xi32> to vector<32xi32>
      %broadcast_in_dim3A_1701 = vector.shape_cast %reduce_min3A_1700 : vector<32xi32> to vector<32x1x1xi32>
      %eq3A_1702 = arith.constant 56 : i32
      %eq3A_1703 = vector.broadcast %eq3A_1702 : i32 to vector<32x64xi32>
      %eq3A_1704 = arith.cmpi eq, %iota3A_12, %eq3A_1703 : vector<32x64xi32>
      %squeeze3A_1705 = vector.shape_cast %broadcast_in_dim3A_1693 : vector<32x1x1xf32> to vector<32x1xf32>
      %broadcast_in_dim3A_1706 = vector.shape_cast %squeeze3A_1705 : vector<32x1xf32> to vector<32x1xf32>
      %broadcast_in_dim3A_1707 = vector.broadcast %broadcast_in_dim3A_1706 : vector<32x1xf32> to vector<32x64xf32>
      %select_n3A_1708 = arith.select %eq3A_1704, %broadcast_in_dim3A_1707, %select_n3A_1678 : vector<32x64xi1>, vector<32x64xf32>
      %eq3A_1709 = arith.constant 56 : i32
      %eq3A_1710 = vector.broadcast %eq3A_1709 : i32 to vector<32x64xi32>
      %eq3A_1711 = arith.cmpi eq, %iota3A_12, %eq3A_1710 : vector<32x64xi32>
      %squeeze3A_1712 = vector.shape_cast %broadcast_in_dim3A_1701 : vector<32x1x1xi32> to vector<32x1xi32>
      %broadcast_in_dim3A_1713 = vector.shape_cast %squeeze3A_1712 : vector<32x1xi32> to vector<32x1xi32>
      %broadcast_in_dim3A_1714 = vector.broadcast %broadcast_in_dim3A_1713 : vector<32x1xi32> to vector<32x64xi32>
      %select_n3A_1715 = arith.select %eq3A_1711, %broadcast_in_dim3A_1714, %select_n3A_1685 : vector<32x64xi1>, vector<32x64xi32>
      %eq3A_1716 = vector.broadcast %broadcast_in_dim3A_1701 : vector<32x1x1xi32> to vector<32x32x128xi32>
      %eq3A_1717 = arith.cmpi eq, %add3A, %eq3A_1716 : vector<32x32x128xi32>
      %jit3A_1718 = arith.constant 0xFF800000 : f32
      %broadcast_in_dim3A_1719 = vector.broadcast %jit3A_1718 : f32 to vector<32x32x128xf32>
      %select_n3A_1720 = arith.select %eq3A_1717, %broadcast_in_dim3A_1719, %select_n3A_1690 : vector<32x32x128xi1>, vector<32x32x128xf32>
      %reduce_max3A_1721 = arith.constant dense<0xFF800000> : vector<32xf32>
      %reduce_max3A_1722 = vector.multi_reduction <maximumf>, %select_n3A_1720, %reduce_max3A_1721 [1, 2] : vector<32x32x128xf32> to vector<32xf32>
      %broadcast_in_dim3A_1723 = vector.shape_cast %reduce_max3A_1722 : vector<32xf32> to vector<32x1x1xf32>
      %eq3A_1724 = vector.broadcast %broadcast_in_dim3A_1723 : vector<32x1x1xf32> to vector<32x32x128xf32>
      %eq3A_1725 = arith.cmpf oeq, %select_n3A_1720, %eq3A_1724 : vector<32x32x128xf32>
      %jit3A_1726 = arith.constant 4096 : i32
      %broadcast_in_dim3A_1727 = vector.broadcast %jit3A_1726 : i32 to vector<32x32x128xi32>
      %select_n3A_1728 = arith.select %eq3A_1725, %add3A, %broadcast_in_dim3A_1727 : vector<32x32x128xi1>, vector<32x32x128xi32>
      %reduce_min3A_1729 = arith.constant dense<2147483647> : vector<32xi32>
      %reduce_min3A_1730 = vector.multi_reduction <minsi>, %select_n3A_1728, %reduce_min3A_1729 [1, 2] : vector<32x32x128xi32> to vector<32xi32>
      %broadcast_in_dim3A_1731 = vector.shape_cast %reduce_min3A_1730 : vector<32xi32> to vector<32x1x1xi32>
      %eq3A_1732 = arith.constant 57 : i32
      %eq3A_1733 = vector.broadcast %eq3A_1732 : i32 to vector<32x64xi32>
      %eq3A_1734 = arith.cmpi eq, %iota3A_12, %eq3A_1733 : vector<32x64xi32>
      %squeeze3A_1735 = vector.shape_cast %broadcast_in_dim3A_1723 : vector<32x1x1xf32> to vector<32x1xf32>
      %broadcast_in_dim3A_1736 = vector.shape_cast %squeeze3A_1735 : vector<32x1xf32> to vector<32x1xf32>
      %broadcast_in_dim3A_1737 = vector.broadcast %broadcast_in_dim3A_1736 : vector<32x1xf32> to vector<32x64xf32>
      %select_n3A_1738 = arith.select %eq3A_1734, %broadcast_in_dim3A_1737, %select_n3A_1708 : vector<32x64xi1>, vector<32x64xf32>
      %eq3A_1739 = arith.constant 57 : i32
      %eq3A_1740 = vector.broadcast %eq3A_1739 : i32 to vector<32x64xi32>
      %eq3A_1741 = arith.cmpi eq, %iota3A_12, %eq3A_1740 : vector<32x64xi32>
      %squeeze3A_1742 = vector.shape_cast %broadcast_in_dim3A_1731 : vector<32x1x1xi32> to vector<32x1xi32>
      %broadcast_in_dim3A_1743 = vector.shape_cast %squeeze3A_1742 : vector<32x1xi32> to vector<32x1xi32>
      %broadcast_in_dim3A_1744 = vector.broadcast %broadcast_in_dim3A_1743 : vector<32x1xi32> to vector<32x64xi32>
      %select_n3A_1745 = arith.select %eq3A_1741, %broadcast_in_dim3A_1744, %select_n3A_1715 : vector<32x64xi1>, vector<32x64xi32>
      %eq3A_1746 = vector.broadcast %broadcast_in_dim3A_1731 : vector<32x1x1xi32> to vector<32x32x128xi32>
      %eq3A_1747 = arith.cmpi eq, %add3A, %eq3A_1746 : vector<32x32x128xi32>
      %jit3A_1748 = arith.constant 0xFF800000 : f32
      %broadcast_in_dim3A_1749 = vector.broadcast %jit3A_1748 : f32 to vector<32x32x128xf32>
      %select_n3A_1750 = arith.select %eq3A_1747, %broadcast_in_dim3A_1749, %select_n3A_1720 : vector<32x32x128xi1>, vector<32x32x128xf32>
      %reduce_max3A_1751 = arith.constant dense<0xFF800000> : vector<32xf32>
      %reduce_max3A_1752 = vector.multi_reduction <maximumf>, %select_n3A_1750, %reduce_max3A_1751 [1, 2] : vector<32x32x128xf32> to vector<32xf32>
      %broadcast_in_dim3A_1753 = vector.shape_cast %reduce_max3A_1752 : vector<32xf32> to vector<32x1x1xf32>
      %eq3A_1754 = vector.broadcast %broadcast_in_dim3A_1753 : vector<32x1x1xf32> to vector<32x32x128xf32>
      %eq3A_1755 = arith.cmpf oeq, %select_n3A_1750, %eq3A_1754 : vector<32x32x128xf32>
      %jit3A_1756 = arith.constant 4096 : i32
      %broadcast_in_dim3A_1757 = vector.broadcast %jit3A_1756 : i32 to vector<32x32x128xi32>
      %select_n3A_1758 = arith.select %eq3A_1755, %add3A, %broadcast_in_dim3A_1757 : vector<32x32x128xi1>, vector<32x32x128xi32>
      %reduce_min3A_1759 = arith.constant dense<2147483647> : vector<32xi32>
      %reduce_min3A_1760 = vector.multi_reduction <minsi>, %select_n3A_1758, %reduce_min3A_1759 [1, 2] : vector<32x32x128xi32> to vector<32xi32>
      %broadcast_in_dim3A_1761 = vector.shape_cast %reduce_min3A_1760 : vector<32xi32> to vector<32x1x1xi32>
      %eq3A_1762 = arith.constant 58 : i32
      %eq3A_1763 = vector.broadcast %eq3A_1762 : i32 to vector<32x64xi32>
      %eq3A_1764 = arith.cmpi eq, %iota3A_12, %eq3A_1763 : vector<32x64xi32>
      %squeeze3A_1765 = vector.shape_cast %broadcast_in_dim3A_1753 : vector<32x1x1xf32> to vector<32x1xf32>
      %broadcast_in_dim3A_1766 = vector.shape_cast %squeeze3A_1765 : vector<32x1xf32> to vector<32x1xf32>
      %broadcast_in_dim3A_1767 = vector.broadcast %broadcast_in_dim3A_1766 : vector<32x1xf32> to vector<32x64xf32>
      %select_n3A_1768 = arith.select %eq3A_1764, %broadcast_in_dim3A_1767, %select_n3A_1738 : vector<32x64xi1>, vector<32x64xf32>
      %eq3A_1769 = arith.constant 58 : i32
      %eq3A_1770 = vector.broadcast %eq3A_1769 : i32 to vector<32x64xi32>
      %eq3A_1771 = arith.cmpi eq, %iota3A_12, %eq3A_1770 : vector<32x64xi32>
      %squeeze3A_1772 = vector.shape_cast %broadcast_in_dim3A_1761 : vector<32x1x1xi32> to vector<32x1xi32>
      %broadcast_in_dim3A_1773 = vector.shape_cast %squeeze3A_1772 : vector<32x1xi32> to vector<32x1xi32>
      %broadcast_in_dim3A_1774 = vector.broadcast %broadcast_in_dim3A_1773 : vector<32x1xi32> to vector<32x64xi32>
      %select_n3A_1775 = arith.select %eq3A_1771, %broadcast_in_dim3A_1774, %select_n3A_1745 : vector<32x64xi1>, vector<32x64xi32>
      %eq3A_1776 = vector.broadcast %broadcast_in_dim3A_1761 : vector<32x1x1xi32> to vector<32x32x128xi32>
      %eq3A_1777 = arith.cmpi eq, %add3A, %eq3A_1776 : vector<32x32x128xi32>
      %jit3A_1778 = arith.constant 0xFF800000 : f32
      %broadcast_in_dim3A_1779 = vector.broadcast %jit3A_1778 : f32 to vector<32x32x128xf32>
      %select_n3A_1780 = arith.select %eq3A_1777, %broadcast_in_dim3A_1779, %select_n3A_1750 : vector<32x32x128xi1>, vector<32x32x128xf32>
      %reduce_max3A_1781 = arith.constant dense<0xFF800000> : vector<32xf32>
      %reduce_max3A_1782 = vector.multi_reduction <maximumf>, %select_n3A_1780, %reduce_max3A_1781 [1, 2] : vector<32x32x128xf32> to vector<32xf32>
      %broadcast_in_dim3A_1783 = vector.shape_cast %reduce_max3A_1782 : vector<32xf32> to vector<32x1x1xf32>
      %eq3A_1784 = vector.broadcast %broadcast_in_dim3A_1783 : vector<32x1x1xf32> to vector<32x32x128xf32>
      %eq3A_1785 = arith.cmpf oeq, %select_n3A_1780, %eq3A_1784 : vector<32x32x128xf32>
      %jit3A_1786 = arith.constant 4096 : i32
      %broadcast_in_dim3A_1787 = vector.broadcast %jit3A_1786 : i32 to vector<32x32x128xi32>
      %select_n3A_1788 = arith.select %eq3A_1785, %add3A, %broadcast_in_dim3A_1787 : vector<32x32x128xi1>, vector<32x32x128xi32>
      %reduce_min3A_1789 = arith.constant dense<2147483647> : vector<32xi32>
      %reduce_min3A_1790 = vector.multi_reduction <minsi>, %select_n3A_1788, %reduce_min3A_1789 [1, 2] : vector<32x32x128xi32> to vector<32xi32>
      %broadcast_in_dim3A_1791 = vector.shape_cast %reduce_min3A_1790 : vector<32xi32> to vector<32x1x1xi32>
      %eq3A_1792 = arith.constant 59 : i32
      %eq3A_1793 = vector.broadcast %eq3A_1792 : i32 to vector<32x64xi32>
      %eq3A_1794 = arith.cmpi eq, %iota3A_12, %eq3A_1793 : vector<32x64xi32>
      %squeeze3A_1795 = vector.shape_cast %broadcast_in_dim3A_1783 : vector<32x1x1xf32> to vector<32x1xf32>
      %broadcast_in_dim3A_1796 = vector.shape_cast %squeeze3A_1795 : vector<32x1xf32> to vector<32x1xf32>
      %broadcast_in_dim3A_1797 = vector.broadcast %broadcast_in_dim3A_1796 : vector<32x1xf32> to vector<32x64xf32>
      %select_n3A_1798 = arith.select %eq3A_1794, %broadcast_in_dim3A_1797, %select_n3A_1768 : vector<32x64xi1>, vector<32x64xf32>
      %eq3A_1799 = arith.constant 59 : i32
      %eq3A_1800 = vector.broadcast %eq3A_1799 : i32 to vector<32x64xi32>
      %eq3A_1801 = arith.cmpi eq, %iota3A_12, %eq3A_1800 : vector<32x64xi32>
      %squeeze3A_1802 = vector.shape_cast %broadcast_in_dim3A_1791 : vector<32x1x1xi32> to vector<32x1xi32>
      %broadcast_in_dim3A_1803 = vector.shape_cast %squeeze3A_1802 : vector<32x1xi32> to vector<32x1xi32>
      %broadcast_in_dim3A_1804 = vector.broadcast %broadcast_in_dim3A_1803 : vector<32x1xi32> to vector<32x64xi32>
      %select_n3A_1805 = arith.select %eq3A_1801, %broadcast_in_dim3A_1804, %select_n3A_1775 : vector<32x64xi1>, vector<32x64xi32>
      %eq3A_1806 = vector.broadcast %broadcast_in_dim3A_1791 : vector<32x1x1xi32> to vector<32x32x128xi32>
      %eq3A_1807 = arith.cmpi eq, %add3A, %eq3A_1806 : vector<32x32x128xi32>
      %jit3A_1808 = arith.constant 0xFF800000 : f32
      %broadcast_in_dim3A_1809 = vector.broadcast %jit3A_1808 : f32 to vector<32x32x128xf32>
      %select_n3A_1810 = arith.select %eq3A_1807, %broadcast_in_dim3A_1809, %select_n3A_1780 : vector<32x32x128xi1>, vector<32x32x128xf32>
      %reduce_max3A_1811 = arith.constant dense<0xFF800000> : vector<32xf32>
      %reduce_max3A_1812 = vector.multi_reduction <maximumf>, %select_n3A_1810, %reduce_max3A_1811 [1, 2] : vector<32x32x128xf32> to vector<32xf32>
      %broadcast_in_dim3A_1813 = vector.shape_cast %reduce_max3A_1812 : vector<32xf32> to vector<32x1x1xf32>
      %eq3A_1814 = vector.broadcast %broadcast_in_dim3A_1813 : vector<32x1x1xf32> to vector<32x32x128xf32>
      %eq3A_1815 = arith.cmpf oeq, %select_n3A_1810, %eq3A_1814 : vector<32x32x128xf32>
      %jit3A_1816 = arith.constant 4096 : i32
      %broadcast_in_dim3A_1817 = vector.broadcast %jit3A_1816 : i32 to vector<32x32x128xi32>
      %select_n3A_1818 = arith.select %eq3A_1815, %add3A, %broadcast_in_dim3A_1817 : vector<32x32x128xi1>, vector<32x32x128xi32>
      %reduce_min3A_1819 = arith.constant dense<2147483647> : vector<32xi32>
      %reduce_min3A_1820 = vector.multi_reduction <minsi>, %select_n3A_1818, %reduce_min3A_1819 [1, 2] : vector<32x32x128xi32> to vector<32xi32>
      %broadcast_in_dim3A_1821 = vector.shape_cast %reduce_min3A_1820 : vector<32xi32> to vector<32x1x1xi32>
      %eq3A_1822 = arith.constant 60 : i32
      %eq3A_1823 = vector.broadcast %eq3A_1822 : i32 to vector<32x64xi32>
      %eq3A_1824 = arith.cmpi eq, %iota3A_12, %eq3A_1823 : vector<32x64xi32>
      %squeeze3A_1825 = vector.shape_cast %broadcast_in_dim3A_1813 : vector<32x1x1xf32> to vector<32x1xf32>
      %broadcast_in_dim3A_1826 = vector.shape_cast %squeeze3A_1825 : vector<32x1xf32> to vector<32x1xf32>
      %broadcast_in_dim3A_1827 = vector.broadcast %broadcast_in_dim3A_1826 : vector<32x1xf32> to vector<32x64xf32>
      %select_n3A_1828 = arith.select %eq3A_1824, %broadcast_in_dim3A_1827, %select_n3A_1798 : vector<32x64xi1>, vector<32x64xf32>
      %eq3A_1829 = arith.constant 60 : i32
      %eq3A_1830 = vector.broadcast %eq3A_1829 : i32 to vector<32x64xi32>
      %eq3A_1831 = arith.cmpi eq, %iota3A_12, %eq3A_1830 : vector<32x64xi32>
      %squeeze3A_1832 = vector.shape_cast %broadcast_in_dim3A_1821 : vector<32x1x1xi32> to vector<32x1xi32>
      %broadcast_in_dim3A_1833 = vector.shape_cast %squeeze3A_1832 : vector<32x1xi32> to vector<32x1xi32>
      %broadcast_in_dim3A_1834 = vector.broadcast %broadcast_in_dim3A_1833 : vector<32x1xi32> to vector<32x64xi32>
      %select_n3A_1835 = arith.select %eq3A_1831, %broadcast_in_dim3A_1834, %select_n3A_1805 : vector<32x64xi1>, vector<32x64xi32>
      %eq3A_1836 = vector.broadcast %broadcast_in_dim3A_1821 : vector<32x1x1xi32> to vector<32x32x128xi32>
      %eq3A_1837 = arith.cmpi eq, %add3A, %eq3A_1836 : vector<32x32x128xi32>
      %jit3A_1838 = arith.constant 0xFF800000 : f32
      %broadcast_in_dim3A_1839 = vector.broadcast %jit3A_1838 : f32 to vector<32x32x128xf32>
      %select_n3A_1840 = arith.select %eq3A_1837, %broadcast_in_dim3A_1839, %select_n3A_1810 : vector<32x32x128xi1>, vector<32x32x128xf32>
      %reduce_max3A_1841 = arith.constant dense<0xFF800000> : vector<32xf32>
      %reduce_max3A_1842 = vector.multi_reduction <maximumf>, %select_n3A_1840, %reduce_max3A_1841 [1, 2] : vector<32x32x128xf32> to vector<32xf32>
      %broadcast_in_dim3A_1843 = vector.shape_cast %reduce_max3A_1842 : vector<32xf32> to vector<32x1x1xf32>
      %eq3A_1844 = vector.broadcast %broadcast_in_dim3A_1843 : vector<32x1x1xf32> to vector<32x32x128xf32>
      %eq3A_1845 = arith.cmpf oeq, %select_n3A_1840, %eq3A_1844 : vector<32x32x128xf32>
      %jit3A_1846 = arith.constant 4096 : i32
      %broadcast_in_dim3A_1847 = vector.broadcast %jit3A_1846 : i32 to vector<32x32x128xi32>
      %select_n3A_1848 = arith.select %eq3A_1845, %add3A, %broadcast_in_dim3A_1847 : vector<32x32x128xi1>, vector<32x32x128xi32>
      %reduce_min3A_1849 = arith.constant dense<2147483647> : vector<32xi32>
      %reduce_min3A_1850 = vector.multi_reduction <minsi>, %select_n3A_1848, %reduce_min3A_1849 [1, 2] : vector<32x32x128xi32> to vector<32xi32>
      %broadcast_in_dim3A_1851 = vector.shape_cast %reduce_min3A_1850 : vector<32xi32> to vector<32x1x1xi32>
      %eq3A_1852 = arith.constant 61 : i32
      %eq3A_1853 = vector.broadcast %eq3A_1852 : i32 to vector<32x64xi32>
      %eq3A_1854 = arith.cmpi eq, %iota3A_12, %eq3A_1853 : vector<32x64xi32>
      %squeeze3A_1855 = vector.shape_cast %broadcast_in_dim3A_1843 : vector<32x1x1xf32> to vector<32x1xf32>
      %broadcast_in_dim3A_1856 = vector.shape_cast %squeeze3A_1855 : vector<32x1xf32> to vector<32x1xf32>
      %broadcast_in_dim3A_1857 = vector.broadcast %broadcast_in_dim3A_1856 : vector<32x1xf32> to vector<32x64xf32>
      %select_n3A_1858 = arith.select %eq3A_1854, %broadcast_in_dim3A_1857, %select_n3A_1828 : vector<32x64xi1>, vector<32x64xf32>
      %eq3A_1859 = arith.constant 61 : i32
      %eq3A_1860 = vector.broadcast %eq3A_1859 : i32 to vector<32x64xi32>
      %eq3A_1861 = arith.cmpi eq, %iota3A_12, %eq3A_1860 : vector<32x64xi32>
      %squeeze3A_1862 = vector.shape_cast %broadcast_in_dim3A_1851 : vector<32x1x1xi32> to vector<32x1xi32>
      %broadcast_in_dim3A_1863 = vector.shape_cast %squeeze3A_1862 : vector<32x1xi32> to vector<32x1xi32>
      %broadcast_in_dim3A_1864 = vector.broadcast %broadcast_in_dim3A_1863 : vector<32x1xi32> to vector<32x64xi32>
      %select_n3A_1865 = arith.select %eq3A_1861, %broadcast_in_dim3A_1864, %select_n3A_1835 : vector<32x64xi1>, vector<32x64xi32>
      %eq3A_1866 = vector.broadcast %broadcast_in_dim3A_1851 : vector<32x1x1xi32> to vector<32x32x128xi32>
      %eq3A_1867 = arith.cmpi eq, %add3A, %eq3A_1866 : vector<32x32x128xi32>
      %jit3A_1868 = arith.constant 0xFF800000 : f32
      %broadcast_in_dim3A_1869 = vector.broadcast %jit3A_1868 : f32 to vector<32x32x128xf32>
      %select_n3A_1870 = arith.select %eq3A_1867, %broadcast_in_dim3A_1869, %select_n3A_1840 : vector<32x32x128xi1>, vector<32x32x128xf32>
      %reduce_max3A_1871 = arith.constant dense<0xFF800000> : vector<32xf32>
      %reduce_max3A_1872 = vector.multi_reduction <maximumf>, %select_n3A_1870, %reduce_max3A_1871 [1, 2] : vector<32x32x128xf32> to vector<32xf32>
      %broadcast_in_dim3A_1873 = vector.shape_cast %reduce_max3A_1872 : vector<32xf32> to vector<32x1x1xf32>
      %eq3A_1874 = vector.broadcast %broadcast_in_dim3A_1873 : vector<32x1x1xf32> to vector<32x32x128xf32>
      %eq3A_1875 = arith.cmpf oeq, %select_n3A_1870, %eq3A_1874 : vector<32x32x128xf32>
      %jit3A_1876 = arith.constant 4096 : i32
      %broadcast_in_dim3A_1877 = vector.broadcast %jit3A_1876 : i32 to vector<32x32x128xi32>
      %select_n3A_1878 = arith.select %eq3A_1875, %add3A, %broadcast_in_dim3A_1877 : vector<32x32x128xi1>, vector<32x32x128xi32>
      %reduce_min3A_1879 = arith.constant dense<2147483647> : vector<32xi32>
      %reduce_min3A_1880 = vector.multi_reduction <minsi>, %select_n3A_1878, %reduce_min3A_1879 [1, 2] : vector<32x32x128xi32> to vector<32xi32>
      %broadcast_in_dim3A_1881 = vector.shape_cast %reduce_min3A_1880 : vector<32xi32> to vector<32x1x1xi32>
      %eq3A_1882 = arith.constant 62 : i32
      %eq3A_1883 = vector.broadcast %eq3A_1882 : i32 to vector<32x64xi32>
      %eq3A_1884 = arith.cmpi eq, %iota3A_12, %eq3A_1883 : vector<32x64xi32>
      %squeeze3A_1885 = vector.shape_cast %broadcast_in_dim3A_1873 : vector<32x1x1xf32> to vector<32x1xf32>
      %broadcast_in_dim3A_1886 = vector.shape_cast %squeeze3A_1885 : vector<32x1xf32> to vector<32x1xf32>
      %broadcast_in_dim3A_1887 = vector.broadcast %broadcast_in_dim3A_1886 : vector<32x1xf32> to vector<32x64xf32>
      %select_n3A_1888 = arith.select %eq3A_1884, %broadcast_in_dim3A_1887, %select_n3A_1858 : vector<32x64xi1>, vector<32x64xf32>
      %eq3A_1889 = arith.constant 62 : i32
      %eq3A_1890 = vector.broadcast %eq3A_1889 : i32 to vector<32x64xi32>
      %eq3A_1891 = arith.cmpi eq, %iota3A_12, %eq3A_1890 : vector<32x64xi32>
      %squeeze3A_1892 = vector.shape_cast %broadcast_in_dim3A_1881 : vector<32x1x1xi32> to vector<32x1xi32>
      %broadcast_in_dim3A_1893 = vector.shape_cast %squeeze3A_1892 : vector<32x1xi32> to vector<32x1xi32>
      %broadcast_in_dim3A_1894 = vector.broadcast %broadcast_in_dim3A_1893 : vector<32x1xi32> to vector<32x64xi32>
      %select_n3A_1895 = arith.select %eq3A_1891, %broadcast_in_dim3A_1894, %select_n3A_1865 : vector<32x64xi1>, vector<32x64xi32>
      %eq3A_1896 = vector.broadcast %broadcast_in_dim3A_1881 : vector<32x1x1xi32> to vector<32x32x128xi32>
      %eq3A_1897 = arith.cmpi eq, %add3A, %eq3A_1896 : vector<32x32x128xi32>
      %jit3A_1898 = arith.constant 0xFF800000 : f32
      %broadcast_in_dim3A_1899 = vector.broadcast %jit3A_1898 : f32 to vector<32x32x128xf32>
      %select_n3A_1900 = arith.select %eq3A_1897, %broadcast_in_dim3A_1899, %select_n3A_1870 : vector<32x32x128xi1>, vector<32x32x128xf32>
      %reduce_max3A_1901 = arith.constant dense<0xFF800000> : vector<32xf32>
      %reduce_max3A_1902 = vector.multi_reduction <maximumf>, %select_n3A_1900, %reduce_max3A_1901 [1, 2] : vector<32x32x128xf32> to vector<32xf32>
      %broadcast_in_dim3A_1903 = vector.shape_cast %reduce_max3A_1902 : vector<32xf32> to vector<32x1x1xf32>
      %eq3A_1904 = vector.broadcast %broadcast_in_dim3A_1903 : vector<32x1x1xf32> to vector<32x32x128xf32>
      %eq3A_1905 = arith.cmpf oeq, %select_n3A_1900, %eq3A_1904 : vector<32x32x128xf32>
      %jit3A_1906 = arith.constant 4096 : i32
      %broadcast_in_dim3A_1907 = vector.broadcast %jit3A_1906 : i32 to vector<32x32x128xi32>
      %select_n3A_1908 = arith.select %eq3A_1905, %add3A, %broadcast_in_dim3A_1907 : vector<32x32x128xi1>, vector<32x32x128xi32>
      %reduce_min3A_1909 = arith.constant dense<2147483647> : vector<32xi32>
      %reduce_min3A_1910 = vector.multi_reduction <minsi>, %select_n3A_1908, %reduce_min3A_1909 [1, 2] : vector<32x32x128xi32> to vector<32xi32>
      %broadcast_in_dim3A_1911 = vector.shape_cast %reduce_min3A_1910 : vector<32xi32> to vector<32x1x1xi32>
      %eq3A_1912 = arith.constant 63 : i32
      %eq3A_1913 = vector.broadcast %eq3A_1912 : i32 to vector<32x64xi32>
      %eq3A_1914 = arith.cmpi eq, %iota3A_12, %eq3A_1913 : vector<32x64xi32>
      %squeeze3A_1915 = vector.shape_cast %broadcast_in_dim3A_1903 : vector<32x1x1xf32> to vector<32x1xf32>
      %broadcast_in_dim3A_1916 = vector.shape_cast %squeeze3A_1915 : vector<32x1xf32> to vector<32x1xf32>
      %broadcast_in_dim3A_1917 = vector.broadcast %broadcast_in_dim3A_1916 : vector<32x1xf32> to vector<32x64xf32>
      %select_n3A_1918 = arith.select %eq3A_1914, %broadcast_in_dim3A_1917, %select_n3A_1888 : vector<32x64xi1>, vector<32x64xf32>
      %eq3A_1919 = arith.constant 63 : i32
      %eq3A_1920 = vector.broadcast %eq3A_1919 : i32 to vector<32x64xi32>
      %eq3A_1921 = arith.cmpi eq, %iota3A_12, %eq3A_1920 : vector<32x64xi32>
      %squeeze3A_1922 = vector.shape_cast %broadcast_in_dim3A_1911 : vector<32x1x1xi32> to vector<32x1xi32>
      %broadcast_in_dim3A_1923 = vector.shape_cast %squeeze3A_1922 : vector<32x1xi32> to vector<32x1xi32>
      %broadcast_in_dim3A_1924 = vector.broadcast %broadcast_in_dim3A_1923 : vector<32x1xi32> to vector<32x64xi32>
      %select_n3A_1925 = arith.select %eq3A_1921, %broadcast_in_dim3A_1924, %select_n3A_1895 : vector<32x64xi1>, vector<32x64xi32>
      %swap3A = arith.constant 0 : index
      %swap3A_1926 = arith.constant 0 : index
      %swap3A_1927 = vector.load %arg4[%swap3A, %swap3A_1926] : memref<32x64xf32, #tpu.memory_space<vmem>>, vector<32x64xf32>
      tpu.vector_store %arg4[%swap3A, %swap3A_1926], %select_n3A_1918 {strides = array<i32>} : memref<32x64xf32, #tpu.memory_space<vmem>>, vector<32x64xf32>,
      %swap3A_1928 = arith.constant 0 : index
      %swap3A_1929 = arith.constant 0 : index
      %swap3A_1930 = vector.load %arg5[%swap3A_1928, %swap3A_1929] : memref<32x64xi32, #tpu.memory_space<vmem>>, vector<32x64xi32>
      tpu.vector_store %arg5[%swap3A_1928, %swap3A_1929], %select_n3A_1925 {strides = array<i32>} : memref<32x64xi32, #tpu.memory_space<vmem>>, vector<32x64xi32>,
    } else {
    }
    return
  }
  func.func @transform_0(%arg0: i32) -> (i32, i32, i32) {
    %min3A = arith.constant 31 : i32
    %min3A_0 = arith.minsi %arg0, %min3A : i32
    %c0_i32 = arith.constant 0 : i32
    %c0_i32_1 = arith.constant 0 : i32
    %c0_i32_2 = arith.constant 0 : i32
    return %min3A_0, %c0_i32, %c0_i32_1 : i32, i32, i32
  }
  func.func @transform_1(%arg0: i32) -> (i32, i32, i32, i32) {
    %min3A = arith.constant 31 : i32
    %min3A_0 = arith.minsi %arg0, %min3A : i32
    %c0_i32 = arith.constant 0 : i32
    %c0_i32_1 = arith.constant 0 : i32
    %c0_i32_2 = arith.constant 0 : i32
    %c0_i32_3 = arith.constant 0 : i32
    return %c0_i32, %min3A_0, %c0_i32_1, %c0_i32_2 : i32, i32, i32, i32
  }
  func.func @transform_2(%arg0: i32) -> (i32, i32) {
    %c0_i32 = arith.constant 0 : i32
    %c0_i32_0 = arith.constant 0 : i32
    %c0_i32_1 = arith.constant 0 : i32
    return %c0_i32, %c0_i32_0 : i32, i32
  }
  func.func @transform_3(%arg0: i32) -> (i32, i32) {
    %c0_i32 = arith.constant 0 : i32
    %c0_i32_0 = arith.constant 0 : i32
    %c0_i32_1 = arith.constant 0 : i32
    return %c0_i32, %c0_i32_0 : i32, i32
  }
  func.func @transform_4(%arg0: i32) -> (i32, i32) {
    %c0_i32 = arith.constant 0 : i32
    %c0_i32_0 = arith.constant 0 : i32
    %c0_i32_1 = arith.constant 0 : i32
    return %c0_i32, %c0_i32_0 : i32, i32
  }
}

</mosaic_0001>

<sc_bundles>
// kernel: kernel.4.cloned.1.call-start
scs
__scs_entry_jumppad:
0x0: {  	(pc) =	sbr.rel $0x88, $3  }
0x1: {  	(tag) =	ssettag $0x0;
	lr =	simm.s32 $0x1  }
0x2: {  	[smem:$0x3F9D] =	sst lr;
	_ =	strace $0xD0000000  }
0x3: {  	_ = 	snop  }
0x4: {  	_ = 	snop  }
0x5: {  	_ = 	snop  }
0x6: {  	_ = 	snop  }
0x7: {  	_ = 	snop  }
__scs_overlays_trampoline_lowered:
0x8: {  	[smem:$0x3FAC] =	sst s0  }
0x9: {  	[smem:$0x3FAD] =	sst s1  }
0xa: {  	[smem:$0x3FAE] =	sst s2  }
0xb: {  	[smem:$0x3FAF] =	sst s3  }
0xc: {  	[smem:$0x3FB0] =	sst s4  }
0xd: {  	[smem:$0x3FB1] =	sst s5  }
0xe: {  	[smem:$0x3FB2] =	sst s6  }
0xf: {  	[smem:$0x3FB3] =	sst s7  }
0x10: {  	[smem:$0x3FB4] =	sst s8  }
0x11: {  	[smem:$0x3FB5] =	sst s9;
	s0 =	simm.s32 @!p0 $0x0  }
0x12: {  	s1 =	sld [smem:$0x3F9B];
	s0 =	simm.s32 @p0 $0x1  }
0x13: {  	[smem:$0x3FB6] =	sst s0;
	s0 =	simm.s32 @!p1 $0x0  }
0x14: {  	s2 =	sld [smem:$0x3F9A];
	s0 =	simm.s32 @p1 $0x1  }
0x15: {  	[smem:$0x3FB7] =	sst s0;
	s0 =	simm.s32 @!p2 $0x0  }
0x16: {  	s3 =	sld [smem:$0x3FDB];
	s0 =	simm.s32 @p2 $0x1  }
0x17: {  	s4 =	simm.s32 $0x1BF5;
	[smem:$0x3FB9] =	sst s0  }
0x18: {  	s0 =	sld [smem:$0x3F9C];
	_ =	swait.ge [sflag:s4], $0x0  }
0x19: {  	s7 =	sld [smem:$0x3F9D]  }
0x1a: {  	s8 =	sadd.s32 $0xFFFFE003, lr  }
0x1b: {  	s9 =	sadd.s32 $0xFFFFFEF7, lr;
	s5 =	simm.s32 $0xFFFFFFFF;
	p2 =	slt.u32 s8, $0xFFFFF086  }
0x1c: {  	p1 =	slt.u32 s9, $0xF7A;
	s5 =	simm.s32 @!p2 $0x0  }
0x1d: {  	s5 =	simm.s32 @p1 $0x1;
	p0 =	seq.s32 s7, s2  }
0x1e: {  	s7 =	smul.u32 @!p0 $0xF7A, s2;
	p2 =	seq.s32 @!p0 s5, $0x0  }
0x1f: {  	s9 =	smul.u32 $0xF7A, s1;
	s8 =	simm.s32 @!p0 $0x1BF5;
	p2 =	por !p2, p0  }
0x20: {  	[sflag:s8] =	ssyncset.s32 @!p0 $0xFFFFF086;
	s6 =	sadd.s32 @!p0 s3, s7;
	s7 =	simm.s32 @!p0 $0x108  }
0x21: {  	s3 =	sadd.s32 s3, s9;
	s6 =	sadd.s32 @!p0 $0x88, s6;
	s7 =	simm.s32 @p2 $0x1082  }
0x22: {  	[simem:s7], [sflag:s8] =	dma.local @!p0 [hbm:s6], $0xF7A  }
0x23: {  	s9 =	sor.u32 $0xD0000000, s2;
	s6 =	simm.s32 $0x108;
	_ =	swait.ge @!p0 [sflag:s8], $0x0  }
0x24: {  	s3 =	sadd.s32 $0x88, s3;
	s6 =	simm.s32 @!p1 $0x1082;
	[sflag:s4] =	ssyncset.s32 $0xFFFFF086  }
0x25: {  	[simem:s6], [sflag:s4] =	dma.local [hbm:s3], $0xF7A  }
0x26: {  	[smem:$0x3F9D] =	sst s1;
	(tag) =	ssettag s2;
	_ =	strace s9  }
0x27: {  	s1 =	sld [smem:$0x3FAD]  }
0x28: {  	s2 =	sld [smem:$0x3FAE]  }
0x29: {  	s4 =	sld [smem:$0x3FB0]  }
0x2a: {  	p0 =	seq.s32 s5, $0x0;
	s5 =	sld [smem:$0x3FB1]  }
0x2b: {  	s6 =	sld [smem:$0x3FB2]  }
0x2c: {  	s7 =	sld [smem:$0x3FB3]  }
0x2d: {  	s3 =	simm.s32 $0x108;
	s8 =	sld [smem:$0x3FB4]  }
0x2e: {  	s3 =	simm.s32 @!p0 $0x1082;
	s9 =	sld [smem:$0x3FB5]  }
0x2f: {  	lr =	sadd.s32 s0, s3;
	s0 =	sld [smem:$0x3FAC]  }
0x30: {  	s3 =	sld [smem:$0x3FAF]  }
0x31: {  	[smem:$0x3FB8] =	sst s10  }
0x32: {  	s10 =	sld [smem:$0x3FB6];
	_ =	sdelay $0x3  }
0x33: {  	p0 =	seq.s32 s10, $0x1;
	s10 =	sld [smem:$0x3FB8];
	_ =	sdelay $0x3  }
0x34: {  	[smem:$0x3FB8] =	sst s10  }
0x35: {  	s10 =	sld [smem:$0x3FB7];
	_ =	sdelay $0x3  }
0x36: {  	p1 =	seq.s32 s10, $0x1;
	s10 =	sld [smem:$0x3FB8];
	_ =	sdelay $0x3  }
0x37: {  	[smem:$0x3FB8] =	sst s10  }
0x38: {  	s10 =	sld [smem:$0x3FB9]  }
0x39: {  	_ = 	snop;
	(pc) =	sbr.ind lr, $3  }
0x3a: {  	_ = 	snop  }
0x3b: {  	_ = 	snop  }
0x3c: {  	p2 =	seq.s32 s10, $0x1;
	s10 =	sld [smem:$0x3FB8]  }
0x3d: {  	_ =	shalt  }
0x3e: {  	_ =	shalt  }
0x3f: {  	_ =	shalt  }
0x40: {  	_ =	shalt  }
0x41: {  	_ =	shalt  }
0x42: {  	_ =	shalt  }
0x43: {  	_ =	shalt  }
0x44: {  	_ =	shalt  }
0x45: {  	_ =	shalt  }
0x46: {  	_ =	shalt  }
0x47: {  	_ =	shalt  }
0x48: {  	_ =	shalt  }
0x49: {  	_ =	shalt  }
0x4a: {  	_ =	shalt  }
0x4b: {  	_ =	shalt  }
0x4c: {  	_ =	shalt  }
0x4d: {  	_ =	shalt  }
0x4e: {  	_ =	shalt  }
0x4f: {  	_ =	shalt  }
0x50: {  	_ =	shalt  }
0x51: {  	_ =	shalt  }
0x52: {  	_ =	shalt  }
0x53: {  	_ =	shalt  }
0x54: {  	_ =	shalt  }
0x55: {  	_ =	shalt  }
0x56: {  	_ =	shalt  }
0x57: {  	_ =	shalt  }
0x58: {  	_ =	shalt  }
0x59: {  	_ =	shalt  }
0x5a: {  	_ =	shalt  }
0x5b: {  	_ =	shalt  }
0x5c: {  	_ =	shalt  }
0x5d: {  	_ =	shalt  }
0x5e: {  	_ =	shalt  }
0x5f: {  	_ =	shalt  }
0x60: {  	_ =	shalt  }
0x61: {  	_ =	shalt  }
0x62: {  	_ =	shalt  }
0x63: {  	_ =	shalt  }
0x64: {  	_ =	shalt  }
0x65: {  	_ =	shalt  }
0x66: {  	_ =	shalt  }
0x67: {  	_ =	shalt  }
0x68: {  	_ =	shalt  }
0x69: {  	_ =	shalt  }
0x6a: {  	_ =	shalt  }
0x6b: {  	_ =	shalt  }
0x6c: {  	_ =	shalt  }
0x6d: {  	_ =	shalt  }
0x6e: {  	_ =	shalt  }
0x6f: {  	_ =	shalt  }
0x70: {  	_ =	shalt  }
0x71: {  	_ =	shalt  }
0x72: {  	_ =	shalt  }
0x73: {  	_ =	shalt  }
0x74: {  	_ =	shalt  }
0x75: {  	_ =	shalt  }
0x76: {  	_ =	shalt  }
0x77: {  	_ =	shalt  }
0x78: {  	_ =	shalt  }
0x79: {  	_ =	shalt  }
0x7a: {  	_ =	shalt  }
0x7b: {  	_ =	shalt  }
0x7c: {  	_ =	shalt  }
0x7d: {  	_ =	shalt  }
0x7e: {  	_ =	shalt  }
0x7f: {  	_ =	shalt  }
0x80: {  	_ =	shalt  }
0x81: {  	_ =	shalt  }
0x82: {  	_ =	shalt  }
0x83: {  	_ =	shalt  }
0x84: {  	_ =	shalt  }
0x85: {  	_ =	shalt  }
0x86: {  	_ =	shalt  }
0x87: {  	_ =	shalt  }
.Lfunc_end0:
.L_simem_size_0:
called_computation_lowered:
.L_overlay_start_0:
0x88: {  	s2 =	sld [smem:$0x3FD9]  }
0x89: {  	s3 =	sld [smem:$0x3FFE];
	_ =	sdelay $0x1  }
0x8a: {  	s1 =	srdreg.scid  }
0x8b: {  	s0 =	sand.u32 $0x1, s1  }
0x8c: {  	s17 =	sshll.u32 s0, $0xA;
	s2 =	sadd.s32 s3, s2  }
0x8d: {  	s2 =	sadd.s32 s2, s17  }
0x8e: {  	[smem:$0x3FC4] =	sst s2  }
0x8f: {  	_ = 	snop  }
0x90: {  	s2 =	sld [smem:$0x3FC8];
	(tm) =	ssettm $0x1  }
0x91: {  	s18 =	sld [smem:$0x3FFB];
	_ =	sdelay $0x3  }
0x92: {  	_ =	strace s18  }
0x93: {  	s3 =	sld [smem:$0x3FFC];
	_ =	sdelay $0x3  }
0x94: {  	_ =	strace s3  }
0x95: {  	s3 =	sld [smem:$0x3FFD];
	_ =	sdelay $0x3  }
0x96: {  	_ =	strace s3  }
0x97: {  	_ =	strace $0x8FFFFFFF  }
0x98: {  	s19 =	sld [smem:$0x3FDB];
	_ =	sdelay $0x1  }
0x99: {  	s4 =	simm.s32 $_scs_section_size  }
0x9a: {  	s5 =	simm.s32 $_size__tile_overlayer_lowered;
	s6 =	simm.s32 $_tile_overlayer_lowered  }
0x9b: {  	s22 =	simm.s32 $0x1BFF;
	s21 =	sshll.u32 s6, $0x1;
	s3 =	sadd.s32 s4, s19  }
0x9c: {  	s7 =	simm.s32 $0x0;
	s20 =	sshll.u32 s5, $0x1;
	s5 =	sadd.s32 s21, s3  }
0x9d: {  	[timem:s7], [sflag:s22] =	dma.local [hbm:s5], s20  }
0x9e: {  	_ =	swait.ge [sflag:s22], s20  }
0x9f: {  	s4 =	ssub.s32 $0x0, s20;
	[sflag:s22] =	ssyncset.done $0x0  }
0xa0: {  	[sflag:s22] =	ssyncadd.s32 s4;
	_ =	sdelay $0x1  }
0xa1: {  	s23 =	simm.s32 $0x1B8B  }
0xa2: {  	_ =	swait.ge [sflag:s23], $0x1  }
0xa3: {  	[sflag:s23] =	ssyncset.done $0x0  }
0xa4: {  	s25 =	simm.s32 $0x1B8E;
	s24 =	sld [smem:$0x3FFE];
	[sflag:s23] =	ssyncadd.s32 $0xFFFFFFFF  }
0xa5: {  	s26 =	simm.s32 $execute0_lowered;
	[smem:$0x3FD2] =	sst s25  }
0xa6: {  	s5 =	sshll.u32 s26, $0x1;
	_ =	strace $0x80000046;
	[dreg:$0x1] =	wrdreg $0xFFFFFFFF  }
0xa7: {  	s28 =	simm.s32 $_size_execute0_lowered;
	s3 =	sadd.s32 s3, s5;
	[dreg:$0x0] =	wrdreg $0x0  }
0xa8: {  	s5 =	sshll.u32 s28, $0x1;
	[dreg:$0x2] =	wrdreg s3  }
0xa9: {  	[dreg:$0x3] =	wrdreg s5  }
0xaa: {  	[dreg:$0x4] =	wrdreg $0xC0  }
0xab: {  	_ =	task [dreg:s7], $0x5FFFF  }
0xac: {  	[dreg:$0x1] =	wrdreg $0xFFFFFFFF  }
0xad: {  	[dreg:$0x0] =	wrdreg $0x60  }
0xae: {  	[dreg:$0x2] =	wrdreg s24  }
0xaf: {  	[dreg:$0x3] =	wrdreg s2  }
0xb0: {  	[dreg:$0x4] =	wrdreg $0x9  }
0xb1: {  	_ =	task.clear_ibuf [dreg:s7], $0x5FFFF;
	_ =	strace $0x90000046  }
0xb2: {  	s29 =	simm.s32 $0x9;
	_ =	strace $0x80000048  }
0xb3: {  	_ =	swait.ge [sflag:s29], $0x1  }
0xb4: {  	[sflag:s29] =	ssyncadd.s32 $0xFFFFFFFF  }
0xb5: {  	_ =	strace $0x90000048  }
0xb6: {  	_ =	sfence  }
0xb7: {  	s30 =	sld [smem:$0x0];
	_ =	sdelay $0x2  }
0xb8: {  	s31 =	sshll.u32 s1, $0xD;
	s1 =	sshrl.u32 s1, $0x2  }
0xb9: {  	s3 =	sand.u32 $0x4000, s31;
	s1 =	sadd.s32 s1, s30  }
0xba: {  	s0 =	sor.u32 s3, s0;
	s1 =	sshll.u32 s1, $0x11  }
0xbb: {  	s0 =	sor.u32 s1, s0  }
0xbc: {  	s0 =	sadd.s32 $0x8F2B, s0  }
0xbd: {  	[sflag:s0] =	ssyncadd.remote.s32 $0x1  }
0xbe: {  	_ =	sfence.sel $0xFFFF  }
0xbf: {  	[dreg:$0x0] =	wrdreg $0xFFFFFFFF;
	(pc) =	sbr.abs _section_cstart, $3  }
0xc0: {  	[dreg:$0x1] =	wrdreg $0xFFFFFFFF  }
0xc1: {  	_ =	task.clear_ibuf [dreg:s7], $0x2FFFF;
	_ =	strace $0x9FFFFFFF  }
0xc2: {  	(tm) =	ssettm $0x7FFFFFFF  }
0xc3: {  	_ =	shalt  }
tec
execute0_lowered:
.L_overlay_start_1:
0x0: {  	(tag) =	ssettag $0x1  }
0x1: {  	s4 =	rddreg [dreg:$0x0]  }
0x2: {  	s5 =	rddreg [dreg:$0x1]  }
0x3: {  	s0 =	rddreg [dreg:$0x2];
	s2 =	simm.s32 $0x0  }
0x4: {  	s3 =	srdreg.scid;
	s1 =	stileid.u32;
	s11 =	simm.s32 $0x4000  }
0x5: {  	s12 =	simm.s32 $0x0;
	[smem:$0x7FF] =	sst s2;
	s6 =	sand.u32 $0x1, s3  }
0x6: {  	s28 =	sshll.u32 s1, $0x8;
	s7 =	sshrl.u32 s1, $0x2;
	s3 =	sadd.s32 $0x800, s4  }
0x7: {  	_ =	strace $0x80000047;
	s8 =	sshll.u32 s6, $0x7;
	s9 =	sand.u32 $0x300, s28  }
0x8: {  	s29 =	sshll.u32 s7, $0x11;
	s6 =	ssub.s32 $0x2, s6;
	s8 =	sor.u32 s8, s9  }
0x9: {  	s7 =	sshll.u32 s7, $0xC;
	s10 =	sshrl.u32 s6, $0x1;
	s9 =	sor.u32 s29, s8  }
0xa: {  	s7 =	sor.u32 s7, s8;
	s6 =	ssub.s32 s6, s10;
	s8 =	simm.s32 $0x80  }
0xb: {  	s10 =	simm.s32 $0x8000;
	s9 =	sshrl.u32 s9, $0x3;
	s31 =	sshrl.u32 s7, $0x3  }
0xc: {  	v1 =	vlaneseq.u32;
	s6 =	smax.u32 s6, $0x1;
	s7 =	simm.s32 $0x1;
	s30 =	sadd.s32 s9, s4  }
0xd: {  	v0 =	vimm.f32 $0.0e+00;
	v1 =	vmul.u32 $0x200, v1;
	s4 =	sadd.s32 s5, s31;
	s9 =	simm.s32 $0x400;
	s5 =	sadd.s32 $0x1000, s30  }
.LBB2_1:
0xe: {  	[tilespmem:s2], [sflag:$0x1] =	stream.linear.gather [hbm4b:s3+s2], $0x4000, $0x38;
	[tilespmem:$0x8200] =	vst v63  }
0xf: {  	_ =	swait.ge [sflag:s7], $0x4000  }
0x10: {  	[sflag:s7] =	ssyncset.done $0x0  }
0x11: {  	[sflag:s7] =	ssyncadd.s32 $0xFFFFC000  }
0x12: {  	[tilespmem:s10], [sflag:$0x1] =	stream.strided.gather [hbm4b:s4+s8], $0x200, s9, s8, $0x38;
	[tilespmem:$0x8200] =	vst v63  }
0x13: {  	_ =	swait.ge [sflag:s7], $0x200  }
0x14: {  	[sflag:s7] =	ssyncset.done $0x0  }
0x15: {  	s13 =	simm.s32 $0x0;
	[sflag:s7] =	ssyncadd.s32 $0xFFFFFE00  }
.LBB2_2:
0x16: {  	p0 =	sne.s32 s13, $0xFFC0  }
.Ltmp0:
0x17: {  	_ = 	snop;
	(pc) =	sbr.rel @p0 .LBB2_2-.Ltmp0, $3  }
0x18: {  	_ =	sdelay $0x1  }
0x19: {  	s14 =	sshra.s32 s13, $0x2  }
0x1a: {  	s13 =	sadd.s32 $0x40, s13;
	[tilespmem:s14+$0x4000] =	vst v0  }
0x1b: {  	s13 =	simm.s32 $0x0;
	s14 =	simm.s32 $0x100  }
.LBB2_4:
0x1c: {  	s15 =	sshra.s32 s13, $0x2  }
0x1d: {  	v2 =	vld [tilespmem:s15+$0x8000];
	_ =	sdelay $0x1  }
0x1e: {  	v3 =	vld [tilespmem:s14+$0xFFFFFF00];
	_ =	sdelay $0x2  }
0x1f: {  	v4 =	vbroadcast v2, $0x0;
	_ =	sdelay $0x1  }
0x20: {  	v5 =	vshrl.u32 v3, $0x10;
	v4 =	vadd.s32 v1, v4  }
0x21: {  	v5 =	vand.u32 $0x1, v5  }
0x22: {  	v3 =	vadd.s32 v5, v3  }
0x23: {  	v3 =	vadd.s32 $0x7FFF, v3  }
0x24: {  	v3 =	vand.u32 $0xFFFF0000, v3  }
0x25: {  	[tilespmem:v4+s11+$0x0] =	vst.idx.add.f32.msk $0xffff, v3  }
0x26: {  	v4 =	vld [tilespmem:s14+$0xFFFFFF10];
	_ =	sdelay $0x1  }
0x27: {  	v3 =	vadd.s32 $0x2000, v2  }
0x28: {  	v61 =	vbroadcast v3, $0x0;
	_ =	sdelay $0x1  }
0x29: {  	v5 =	vadd.s32 v1, v61;
	v6 =	vshrl.u32 v4, $0x10  }
0x2a: {  	v6 =	vand.u32 $0x1, v6  }
0x2b: {  	v4 =	vadd.s32 v6, v4  }
0x2c: {  	v4 =	vadd.s32 $0x7FFF, v4  }
0x2d: {  	v4 =	vand.u32 $0xFFFF0000, v4  }
0x2e: {  	[tilespmem:v5+s11+$0x0] =	vst.idx.add.f32.msk $0xffff, v4  }
0x2f: {  	v4 =	vld [tilespmem:s14+$0xFFFFFF20];
	_ =	sdelay $0x2  }
0x30: {  	v62 =	vbroadcast v2, $0x1;
	_ =	sdelay $0x1  }
0x31: {  	v5 =	vadd.s32 v1, v62;
	v63 =	vshrl.u32 v4, $0x10  }
0x32: {  	v6 =	vand.u32 $0x1, v63  }
0x33: {  	v4 =	vadd.s32 v6, v4  }
0x34: {  	v4 =	vadd.s32 $0x7FFF, v4  }
0x35: {  	v4 =	vand.u32 $0xFFFF0000, v4  }
0x36: {  	[tilespmem:v5+s11+$0x0] =	vst.idx.add.f32.msk $0xffff, v4  }
0x37: {  	v4 =	vld [tilespmem:s14+$0xFFFFFF30];
	_ =	sdelay $0x2  }
0x38: {  	v9 =	vbroadcast v3, $0x1;
	_ =	sdelay $0x1  }
0x39: {  	v5 =	vadd.s32 v1, v9;
	v10 =	vshrl.u32 v4, $0x10  }
0x3a: {  	v6 =	vand.u32 $0x1, v10  }
0x3b: {  	v4 =	vadd.s32 v6, v4  }
0x3c: {  	v4 =	vadd.s32 $0x7FFF, v4  }
0x3d: {  	v4 =	vand.u32 $0xFFFF0000, v4  }
0x3e: {  	[tilespmem:v5+s11+$0x0] =	vst.idx.add.f32.msk $0xffff, v4  }
0x3f: {  	v4 =	vld [tilespmem:s14+$0xFFFFFF40];
	_ =	sdelay $0x2  }
0x40: {  	v11 =	vbroadcast v2, $0x2;
	_ =	sdelay $0x1  }
0x41: {  	v5 =	vadd.s32 v1, v11;
	v12 =	vshrl.u32 v4, $0x10  }
0x42: {  	v6 =	vand.u32 $0x1, v12  }
0x43: {  	v4 =	vadd.s32 v6, v4  }
0x44: {  	v4 =	vadd.s32 $0x7FFF, v4  }
0x45: {  	v4 =	vand.u32 $0xFFFF0000, v4  }
0x46: {  	[tilespmem:v5+s11+$0x0] =	vst.idx.add.f32.msk $0xffff, v4  }
0x47: {  	v4 =	vld [tilespmem:s14+$0xFFFFFF50];
	_ =	sdelay $0x2  }
0x48: {  	v13 =	vbroadcast v3, $0x2;
	_ =	sdelay $0x1  }
0x49: {  	v5 =	vadd.s32 v1, v13;
	v14 =	vshrl.u32 v4, $0x10  }
0x4a: {  	v6 =	vand.u32 $0x1, v14  }
0x4b: {  	v4 =	vadd.s32 v6, v4  }
0x4c: {  	v4 =	vadd.s32 $0x7FFF, v4  }
0x4d: {  	v4 =	vand.u32 $0xFFFF0000, v4  }
0x4e: {  	[tilespmem:v5+s11+$0x0] =	vst.idx.add.f32.msk $0xffff, v4  }
0x4f: {  	v4 =	vld [tilespmem:s14+$0xFFFFFF60];
	_ =	sdelay $0x2  }
0x50: {  	v15 =	vbroadcast v2, $0x3;
	_ =	sdelay $0x1  }
0x51: {  	v5 =	vadd.s32 v1, v15;
	v16 =	vshrl.u32 v4, $0x10  }
0x52: {  	v6 =	vand.u32 $0x1, v16  }
0x53: {  	v4 =	vadd.s32 v6, v4  }
0x54: {  	v4 =	vadd.s32 $0x7FFF, v4  }
0x55: {  	v4 =	vand.u32 $0xFFFF0000, v4  }
0x56: {  	[tilespmem:v5+s11+$0x0] =	vst.idx.add.f32.msk $0xffff, v4  }
0x57: {  	v4 =	vld [tilespmem:s14+$0xFFFFFF70];
	_ =	sdelay $0x2  }
0x58: {  	v17 =	vbroadcast v3, $0x3;
	_ =	sdelay $0x1  }
0x59: {  	v5 =	vadd.s32 v1, v17;
	v18 =	vshrl.u32 v4, $0x10  }
0x5a: {  	v6 =	vand.u32 $0x1, v18  }
0x5b: {  	v4 =	vadd.s32 v6, v4  }
0x5c: {  	v4 =	vadd.s32 $0x7FFF, v4  }
0x5d: {  	v4 =	vand.u32 $0xFFFF0000, v4  }
0x5e: {  	[tilespmem:v5+s11+$0x0] =	vst.idx.add.f32.msk $0xffff, v4  }
0x5f: {  	v4 =	vld [tilespmem:s14+$0xFFFFFF80];
	_ =	sdelay $0x2  }
0x60: {  	v19 =	vbroadcast v2, $0x4;
	_ =	sdelay $0x1  }
0x61: {  	v5 =	vadd.s32 v1, v19;
	v20 =	vshrl.u32 v4, $0x10  }
0x62: {  	v6 =	vand.u32 $0x1, v20  }
0x63: {  	v4 =	vadd.s32 v6, v4  }
0x64: {  	v4 =	vadd.s32 $0x7FFF, v4  }
0x65: {  	v4 =	vand.u32 $0xFFFF0000, v4  }
0x66: {  	[tilespmem:v5+s11+$0x0] =	vst.idx.add.f32.msk $0xffff, v4  }
0x67: {  	v4 =	vld [tilespmem:s14+$0xFFFFFF90];
	_ =	sdelay $0x2  }
0x68: {  	v21 =	vbroadcast v3, $0x4;
	_ =	sdelay $0x1  }
0x69: {  	v5 =	vadd.s32 v1, v21;
	v22 =	vshrl.u32 v4, $0x10  }
0x6a: {  	v6 =	vand.u32 $0x1, v22  }
0x6b: {  	v4 =	vadd.s32 v6, v4  }
0x6c: {  	v4 =	vadd.s32 $0x7FFF, v4  }
0x6d: {  	v4 =	vand.u32 $0xFFFF0000, v4  }
0x6e: {  	[tilespmem:v5+s11+$0x0] =	vst.idx.add.f32.msk $0xffff, v4  }
0x6f: {  	v4 =	vld [tilespmem:s14+$0xFFFFFFA0];
	_ =	sdelay $0x2  }
0x70: {  	v23 =	vbroadcast v2, $0x5;
	_ =	sdelay $0x1  }
0x71: {  	v5 =	vadd.s32 v1, v23;
	v24 =	vshrl.u32 v4, $0x10  }
0x72: {  	v6 =	vand.u32 $0x1, v24  }
0x73: {  	v4 =	vadd.s32 v6, v4  }
0x74: {  	v4 =	vadd.s32 $0x7FFF, v4  }
0x75: {  	v4 =	vand.u32 $0xFFFF0000, v4  }
0x76: {  	[tilespmem:v5+s11+$0x0] =	vst.idx.add.f32.msk $0xffff, v4  }
0x77: {  	v4 =	vld [tilespmem:s14+$0xFFFFFFB0];
	_ =	sdelay $0x2  }
0x78: {  	v25 =	vbroadcast v3, $0x5;
	_ =	sdelay $0x1  }
0x79: {  	v5 =	vadd.s32 v1, v25;
	v26 =	vshrl.u32 v4, $0x10  }
0x7a: {  	v6 =	vand.u32 $0x1, v26  }
0x7b: {  	v4 =	vadd.s32 v6, v4  }
0x7c: {  	v4 =	vadd.s32 $0x7FFF, v4  }
0x7d: {  	v4 =	vand.u32 $0xFFFF0000, v4  }
0x7e: {  	[tilespmem:v5+s11+$0x0] =	vst.idx.add.f32.msk $0xffff, v4  }
0x7f: {  	v4 =	vld [tilespmem:s14+$0xFFFFFFC0];
	_ =	sdelay $0x2  }
0x80: {  	v27 =	vbroadcast v2, $0x6;
	_ =	sdelay $0x1  }
0x81: {  	v5 =	vadd.s32 v1, v27;
	v28 =	vshrl.u32 v4, $0x10  }
0x82: {  	v6 =	vand.u32 $0x1, v28  }
0x83: {  	v4 =	vadd.s32 v6, v4  }
0x84: {  	v4 =	vadd.s32 $0x7FFF, v4  }
0x85: {  	v4 =	vand.u32 $0xFFFF0000, v4  }
0x86: {  	[tilespmem:v5+s11+$0x0] =	vst.idx.add.f32.msk $0xffff, v4  }
0x87: {  	v4 =	vld [tilespmem:s14+$0xFFFFFFD0];
	_ =	sdelay $0x2  }
0x88: {  	v29 =	vbroadcast v3, $0x6;
	_ =	sdelay $0x1  }
0x89: {  	v5 =	vadd.s32 v1, v29;
	v30 =	vshrl.u32 v4, $0x10  }
0x8a: {  	v6 =	vand.u32 $0x1, v30  }
0x8b: {  	v4 =	vadd.s32 v6, v4  }
0x8c: {  	v4 =	vadd.s32 $0x7FFF, v4  }
0x8d: {  	v4 =	vand.u32 $0xFFFF0000, v4  }
0x8e: {  	[tilespmem:v5+s11+$0x0] =	vst.idx.add.f32.msk $0xffff, v4  }
0x8f: {  	v4 =	vld [tilespmem:s14+$0xFFFFFFE0];
	_ =	sdelay $0x2  }
0x90: {  	v31 =	vbroadcast v2, $0x7;
	_ =	sdelay $0x1  }
0x91: {  	v5 =	vadd.s32 v1, v31;
	v32 =	vshrl.u32 v4, $0x10  }
0x92: {  	v6 =	vand.u32 $0x1, v32  }
0x93: {  	v4 =	vadd.s32 v6, v4  }
0x94: {  	v4 =	vadd.s32 $0x7FFF, v4  }
0x95: {  	v4 =	vand.u32 $0xFFFF0000, v4  }
0x96: {  	[tilespmem:v5+s11+$0x0] =	vst.idx.add.f32.msk $0xffff, v4  }
0x97: {  	v4 =	vld [tilespmem:s14+$0xFFFFFFF0];
	_ =	sdelay $0x2  }
0x98: {  	v33 =	vbroadcast v3, $0x7;
	_ =	sdelay $0x1  }
0x99: {  	v5 =	vadd.s32 v1, v33;
	v34 =	vshrl.u32 v4, $0x10  }
0x9a: {  	v6 =	vand.u32 $0x1, v34  }
0x9b: {  	v4 =	vadd.s32 v6, v4  }
0x9c: {  	v4 =	vadd.s32 $0x7FFF, v4  }
0x9d: {  	v4 =	vand.u32 $0xFFFF0000, v4  }
0x9e: {  	[tilespmem:v5+s11+$0x0] =	vst.idx.add.f32.msk $0xffff, v4  }
0x9f: {  	v4 =	vld [tilespmem:s14+$0x0];
	_ =	sdelay $0x2  }
0xa0: {  	v35 =	vbroadcast v2, $0x8;
	_ =	sdelay $0x1  }
0xa1: {  	v5 =	vadd.s32 v1, v35;
	v36 =	vshrl.u32 v4, $0x10  }
0xa2: {  	v6 =	vand.u32 $0x1, v36  }
0xa3: {  	v4 =	vadd.s32 v6, v4  }
0xa4: {  	v4 =	vadd.s32 $0x7FFF, v4  }
0xa5: {  	v4 =	vand.u32 $0xFFFF0000, v4  }
0xa6: {  	[tilespmem:v5+s11+$0x0] =	vst.idx.add.f32.msk $0xffff, v4  }
0xa7: {  	v4 =	vld [tilespmem:s14+$0x10];
	_ =	sdelay $0x2  }
0xa8: {  	v37 =	vbroadcast v3, $0x8;
	_ =	sdelay $0x1  }
0xa9: {  	v5 =	vadd.s32 v1, v37;
	v38 =	vshrl.u32 v4, $0x10  }
0xaa: {  	v6 =	vand.u32 $0x1, v38  }
0xab: {  	v4 =	vadd.s32 v6, v4  }
0xac: {  	v4 =	vadd.s32 $0x7FFF, v4  }
0xad: {  	v4 =	vand.u32 $0xFFFF0000, v4  }
0xae: {  	[tilespmem:v5+s11+$0x0] =	vst.idx.add.f32.msk $0xffff, v4  }
0xaf: {  	v4 =	vld [tilespmem:s14+$0x20];
	_ =	sdelay $0x2  }
0xb0: {  	v39 =	vbroadcast v2, $0x9;
	_ =	sdelay $0x1  }
0xb1: {  	v5 =	vadd.s32 v1, v39;
	v40 =	vshrl.u32 v4, $0x10  }
0xb2: {  	v6 =	vand.u32 $0x1, v40  }
0xb3: {  	v4 =	vadd.s32 v6, v4  }
0xb4: {  	v4 =	vadd.s32 $0x7FFF, v4  }
0xb5: {  	v4 =	vand.u32 $0xFFFF0000, v4  }
0xb6: {  	[tilespmem:v5+s11+$0x0] =	vst.idx.add.f32.msk $0xffff, v4  }
0xb7: {  	v4 =	vld [tilespmem:s14+$0x30];
	_ =	sdelay $0x2  }
0xb8: {  	v41 =	vbroadcast v3, $0x9;
	_ =	sdelay $0x1  }
0xb9: {  	v5 =	vadd.s32 v1, v41;
	v42 =	vshrl.u32 v4, $0x10  }
0xba: {  	v6 =	vand.u32 $0x1, v42  }
0xbb: {  	v4 =	vadd.s32 v6, v4  }
0xbc: {  	v4 =	vadd.s32 $0x7FFF, v4  }
0xbd: {  	v4 =	vand.u32 $0xFFFF0000, v4  }
0xbe: {  	[tilespmem:v5+s11+$0x0] =	vst.idx.add.f32.msk $0xffff, v4  }
0xbf: {  	v4 =	vld [tilespmem:s14+$0x40];
	_ =	sdelay $0x2  }
0xc0: {  	v43 =	vbroadcast v2, $0xA;
	_ =	sdelay $0x1  }
0xc1: {  	v5 =	vadd.s32 v1, v43;
	v44 =	vshrl.u32 v4, $0x10  }
0xc2: {  	v6 =	vand.u32 $0x1, v44  }
0xc3: {  	v4 =	vadd.s32 v6, v4  }
0xc4: {  	v4 =	vadd.s32 $0x7FFF, v4  }
0xc5: {  	v4 =	vand.u32 $0xFFFF0000, v4  }
0xc6: {  	[tilespmem:v5+s11+$0x0] =	vst.idx.add.f32.msk $0xffff, v4  }
0xc7: {  	v4 =	vld [tilespmem:s14+$0x50];
	_ =	sdelay $0x2  }
0xc8: {  	v45 =	vbroadcast v3, $0xA;
	_ =	sdelay $0x1  }
0xc9: {  	v5 =	vadd.s32 v1, v45;
	v46 =	vshrl.u32 v4, $0x10  }
0xca: {  	v6 =	vand.u32 $0x1, v46  }
0xcb: {  	v4 =	vadd.s32 v6, v4  }
0xcc: {  	v4 =	vadd.s32 $0x7FFF, v4  }
0xcd: {  	v4 =	vand.u32 $0xFFFF0000, v4  }
0xce: {  	[tilespmem:v5+s11+$0x0] =	vst.idx.add.f32.msk $0xffff, v4  }
0xcf: {  	v4 =	vld [tilespmem:s14+$0x60];
	_ =	sdelay $0x2  }
0xd0: {  	v47 =	vbroadcast v2, $0xB;
	_ =	sdelay $0x1  }
0xd1: {  	v5 =	vadd.s32 v1, v47;
	v48 =	vshrl.u32 v4, $0x10  }
0xd2: {  	v6 =	vand.u32 $0x1, v48  }
0xd3: {  	v4 =	vadd.s32 v6, v4  }
0xd4: {  	v4 =	vadd.s32 $0x7FFF, v4  }
0xd5: {  	v4 =	vand.u32 $0xFFFF0000, v4  }
0xd6: {  	[tilespmem:v5+s11+$0x0] =	vst.idx.add.f32.msk $0xffff, v4  }
0xd7: {  	v4 =	vld [tilespmem:s14+$0x70];
	_ =	sdelay $0x2  }
0xd8: {  	v49 =	vbroadcast v3, $0xB;
	_ =	sdelay $0x1  }
0xd9: {  	v5 =	vadd.s32 v1, v49;
	v50 =	vshrl.u32 v4, $0x10  }
0xda: {  	v6 =	vand.u32 $0x1, v50  }
0xdb: {  	v4 =	vadd.s32 v6, v4  }
0xdc: {  	v4 =	vadd.s32 $0x7FFF, v4  }
0xdd: {  	v4 =	vand.u32 $0xFFFF0000, v4  }
0xde: {  	[tilespmem:v5+s11+$0x0] =	vst.idx.add.f32.msk $0xffff, v4  }
0xdf: {  	v4 =	vld [tilespmem:s14+$0x80];
	_ =	sdelay $0x2  }
0xe0: {  	v51 =	vbroadcast v2, $0xC;
	_ =	sdelay $0x1  }
0xe1: {  	v5 =	vadd.s32 v1, v51;
	v52 =	vshrl.u32 v4, $0x10  }
0xe2: {  	v6 =	vand.u32 $0x1, v52  }
0xe3: {  	v4 =	vadd.s32 v6, v4  }
0xe4: {  	v4 =	vadd.s32 $0x7FFF, v4  }
0xe5: {  	v4 =	vand.u32 $0xFFFF0000, v4  }
0xe6: {  	[tilespmem:v5+s11+$0x0] =	vst.idx.add.f32.msk $0xffff, v4  }
0xe7: {  	v4 =	vld [tilespmem:s14+$0x90];
	_ =	sdelay $0x2  }
0xe8: {  	v53 =	vbroadcast v3, $0xC;
	_ =	sdelay $0x1  }
0xe9: {  	v5 =	vadd.s32 v1, v53;
	v54 =	vshrl.u32 v4, $0x10  }
0xea: {  	v6 =	vand.u32 $0x1, v54  }
0xeb: {  	v4 =	vadd.s32 v6, v4  }
0xec: {  	v4 =	vadd.s32 $0x7FFF, v4  }
0xed: {  	v4 =	vand.u32 $0xFFFF0000, v4  }
0xee: {  	[tilespmem:v5+s11+$0x0] =	vst.idx.add.f32.msk $0xffff, v4  }
0xef: {  	v4 =	vld [tilespmem:s14+$0xA0];
	_ =	sdelay $0x2  }
0xf0: {  	v55 =	vbroadcast v2, $0xD;
	_ =	sdelay $0x1  }
0xf1: {  	v5 =	vadd.s32 v1, v55;
	v56 =	vshrl.u32 v4, $0x10  }
0xf2: {  	v6 =	vand.u32 $0x1, v56  }
0xf3: {  	v4 =	vadd.s32 v6, v4  }
0xf4: {  	v4 =	vadd.s32 $0x7FFF, v4  }
0xf5: {  	v4 =	vand.u32 $0xFFFF0000, v4  }
0xf6: {  	[tilespmem:v5+s11+$0x0] =	vst.idx.add.f32.msk $0xffff, v4  }
0xf7: {  	v4 =	vld [tilespmem:s14+$0xB0];
	_ =	sdelay $0x2  }
0xf8: {  	v57 =	vbroadcast v3, $0xD;
	_ =	sdelay $0x1  }
0xf9: {  	v5 =	vadd.s32 v1, v57;
	v58 =	vshrl.u32 v4, $0x10  }
0xfa: {  	v6 =	vand.u32 $0x1, v58  }
0xfb: {  	v4 =	vadd.s32 v6, v4  }
0xfc: {  	v4 =	vadd.s32 $0x7FFF, v4  }
0xfd: {  	v4 =	vand.u32 $0xFFFF0000, v4  }
0xfe: {  	[tilespmem:v5+s11+$0x0] =	vst.idx.add.f32.msk $0xffff, v4  }
0xff: {  	v4 =	vld [tilespmem:s14+$0xC0];
	_ =	sdelay $0x2  }
0x100: {  	v59 =	vbroadcast v2, $0xE;
	_ =	sdelay $0x1  }
0x101: {  	v5 =	vadd.s32 v1, v59;
	v60 =	vshrl.u32 v4, $0x10  }
0x102: {  	v6 =	vand.u32 $0x1, v60  }
0x103: {  	v4 =	vadd.s32 v6, v4  }
0x104: {  	v4 =	vadd.s32 $0x7FFF, v4  }
0x105: {  	v4 =	vand.u32 $0xFFFF0000, v4  }
0x106: {  	[tilespmem:v5+s11+$0x0] =	vst.idx.add.f32.msk $0xffff, v4  }
0x107: {  	v4 =	vld [tilespmem:s14+$0xD0];
	_ =	sdelay $0x2  }
0x108: {  	v61 =	vbroadcast v3, $0xE;
	_ =	sdelay $0x1  }
0x109: {  	v5 =	vadd.s32 v1, v61;
	v62 =	vshrl.u32 v4, $0x10  }
0x10a: {  	v6 =	vand.u32 $0x1, v62  }
0x10b: {  	v4 =	vadd.s32 v6, v4  }
0x10c: {  	v4 =	vadd.s32 $0x7FFF, v4  }
0x10d: {  	v4 =	vand.u32 $0xFFFF0000, v4  }
0x10e: {  	[tilespmem:v5+s11+$0x0] =	vst.idx.add.f32.msk $0xffff, v4  }
0x10f: {  	(v2sf) =	vpush v3, $0xF;
	v4 =	vld [tilespmem:s14+$0xE0];
	_ =	sdelay $0x2  }
0x110: {  	v2 =	vbroadcast v2, $0xF;
	_ =	sdelay $0x1  }
0x111: {  	v2 =	vadd.s32 v1, v2;
	v3 =	vshrl.u32 v4, $0x10  }
0x112: {  	v3 =	vand.u32 $0x1, v3  }
0x113: {  	v3 =	vadd.s32 v3, v4  }
0x114: {  	v3 =	vadd.s32 $0x7FFF, v3  }
0x115: {  	v3 =	vand.u32 $0xFFFF0000, v3  }
0x116: {  	[tilespmem:v2+s11+$0x0] =	vst.idx.add.f32.msk $0xffff, v3  }
0x117: {  	v2 =	vld [tilespmem:s14+$0xF0];
	_ =	sdelay $0x3  }
0x118: {  	s31 =	spop (v2sf)  }
0x119: {  	p0 =	sne.s32 s13, $0x7C0;
	v63 =	vadd.s32 s31, v1;
	v3 =	vshrl.u32 v2, $0x10  }
.Ltmp1:
0x11a: {  	v3 =	vand.u32 $0x1, v3;
	(pc) =	sbr.rel @p0 .LBB2_4-.Ltmp1, $4  }
0x11b: {  	v2 =	vadd.s32 v3, v2  }
0x11c: {  	v2 =	vadd.s32 $0x7FFF, v2  }
0x11d: {  	v2 =	vand.u32 $0xFFFF0000, v2  }
0x11e: {  	s13 =	sadd.s32 $0x40, s13;
	s14 =	sadd.s32 $0x200, s14;
	[tilespmem:v63+s11+$0x0] =	vst.idx.add.f32.msk $0xffff, v2  }
0x11f: {  	s12 =	sadd.s32 $0x1, s12  }
0x120: {  	p0 =	sne.s32 s12, s6  }
.Ltmp2:
0x121: {  	_ = 	snop;
	(pc) =	sbr.rel @p0 .LBB2_1-.Ltmp2, $4  }
0x122: {  	[hbm4b:s5+s8] =	stream.strided.scatter [tilespmem:s11], [sflag:$0x1], $0x4000, s9, s8, $0x38;
	[tilespmem:$0x8200] =	vst v63  }
0x123: {  	_ =	swait.ge [sflag:s7], $0x4000  }
0x124: {  	[sflag:s7] =	ssyncset.done $0x0  }
0x125: {  	[sflag:s7] =	ssyncadd.s32 $0xFFFFC000  }
0x126: {  	_ =	sfence.sel $0x180000  }
0x127: {  	[bflag:$0x0] =	sbarrier.arrive $0xFFFF  }
0x128: {  	p0 =	sne.s32 s1, $0x0;
	_ =	strace $0x90000047  }
0x129: {  	s0 =	sadd.s32 @!p0 $0x100000, s0;
	[bflag:$0x2] =	sbarrier.arrive $0xFFFF  }
0x12a: {  	[sflag:s0] =	ssyncadd.tile.s32 @!p0 $0x1;
	_ =	shalt  }
.Lfunc_end2:
_tile_overlayer_lowered:
.L_overlay_start_2:
0x12b: {  	(tag) =	ssettag $0x2  }
0x12c: {  	s0 =	rddreg [dreg:$0x0];
	s2 =	stileid.u32  }
0x12d: {  	s1 =	rddreg [dreg:$0x1];
	p0 =	sne.s32 s2, $0x0  }
0x12e: {  	s3 =	rddreg [dreg:$0x2];
	[bflag:$0x3] =	sbarrier.arrive $0xFFFF;
	s2 =	simm.s32 @!p0 $0x1C01  }
0x12f: {  	[timem:s3], [sflag:s2] =	dma.local @!p0 [hbm:s0], s1  }
0x130: {  	s0 =	simm.s32 @!p0 $0x1  }
0x131: {  	_ =	swait.ge @!p0 [sflag:s0], s1  }
0x132: {  	s1 =	ssub.s32 @!p0 $0x0, s1;
	[sflag:s0] =	ssyncset.done @!p0 $0x0  }
0x133: {  	[sflag:s0] =	ssyncadd.s32 @!p0 s1  }
0x134: {  	[bflag:$0x3] =	sbarrier.arrive $0xFFFF  }
0x135: {  	_ =	shalt  }

</sc_bundles>
